<compile_context>
chip_gen: v7x
topology: tpu7x:2x2x1
jax: 0.10.2.dev20260603
libtpu: 0.0.44.dev20260713+nightly
codegen_flags: <defaults>
</compile_context>

<pallas_src>
import functools

import jax
import jax.numpy as jnp
from jax import lax
from jax.experimental import pallas as pl
from jax.experimental.pallas import tpu as pltpu
from jax.experimental.pallas import tpu_sc as plsc

_HI = lax.Precision.HIGHEST

_B, _N, _INF, _TF, _D, _K = 2, 1024, 64, 128, 256, 16
_TQ = 512
_TM = 128
_TW = 256


def _wprep_body(W1, b1, Wq, Wk, Wv, Wg1, Wd2, bd2, bg1,
                Aq, cq, Akv, ckv, Wd2c):
    w1 = W1[:]
    g1 = Wg1[:]
    Aq[:] = jnp.dot(jnp.dot(w1, Wq[:], precision=_HI), g1, precision=_HI)
    Ak = jnp.dot(jnp.dot(w1, Wk[:], precision=_HI), g1, precision=_HI)
    Av = jnp.dot(w1, Wv[:], precision=_HI)
    Akv[:] = jnp.concatenate([Ak, Av], axis=1)
    b1v = b1[:]
    cq[:] = (jnp.dot(jnp.dot(b1v, Wq[:], precision=_HI), g1, precision=_HI)
             + jnp.dot(bd2[:], g1, precision=_HI) + bg1[:])
    ck = jnp.dot(jnp.dot(b1v, Wk[:], precision=_HI), g1, precision=_HI)
    cv = jnp.dot(b1v, Wv[:], precision=_HI)
    ckv[:] = jnp.concatenate([ck, cv], axis=1)
    Wd2g = jnp.dot(Wd2[:], g1, precision=_HI)
    Wd2c[:] = jnp.concatenate([Wd2[:], Wd2g], axis=1)


def _wprep(W1, b1, Wq, Wk, Wv, Wg1, Wd2, bd2, bg1):
    f32 = jnp.float32
    outs = (
        jax.ShapeDtypeStruct((_TF, _D), f32),
        jax.ShapeDtypeStruct((1, _D), f32),
        jax.ShapeDtypeStruct((_TF, 2 * _D), f32),
        jax.ShapeDtypeStruct((1, 2 * _D), f32),
        jax.ShapeDtypeStruct((_D, 2 * _D), f32),
    )
    return pl.pallas_call(_wprep_body, out_shape=outs)(
        W1, b1.reshape(1, _D), Wq, Wk, Wv, Wg1, Wd2,
        bd2.reshape(1, _D), bg1.reshape(1, _D))


def _topk_body(xq_ref, xf_ref, W0a, b0a, W0b, b0b, table_ref, idx_ref):
    xq = xq_ref[:]
    xf = xf_ref[:]

    f1 = jnp.maximum(jnp.dot(xq, W0a[:]) + b0a[:], 0.0)
    feats = jnp.dot(f1, W0b[:]) + b0b[:]
    table_ref[:] = jnp.concatenate(
        [xq, jnp.zeros((_TQ, _INF), jnp.float32), feats], axis=1)

    d = -2.0 * lax.dot_general(xq, xf, (((1,), (1,)), ((), ())))
    d = d + jnp.sum(xq * xq, axis=1, keepdims=True)
    d = d + jnp.sum(xf * xf, axis=1)[None, :]

    colf = lax.broadcasted_iota(jnp.int32, (_TQ, _N), 1).astype(jnp.float32)
    big = jnp.float32(3.0e38)
    vals = d
    sels = []
    for _ in range(_K):
        m = jnp.min(vals, axis=1, keepdims=True)
        cand = jnp.where(vals <= m, colf, jnp.float32(_N))
        sel = jnp.min(cand, axis=1, keepdims=True)
        sels.append(sel)
        vals = jnp.where(colf == sel, big, vals)
    idx_ref[:] = jnp.concatenate(sels, axis=1).astype(jnp.int32)


def _topk(batch, xyzf, W0a, b0a, W0b, b0b):
    nt = _N // _TQ
    grid = (nt,)
    full = lambda t: (0, 0)
    return pl.pallas_call(
        functools.partial(_topk_body),
        grid=grid,
        in_specs=[
            pl.BlockSpec((_TQ, _INF), lambda t: (batch * nt + t, 0)),
            pl.BlockSpec((_N, _INF), lambda t: (batch, 0)),
            pl.BlockSpec((_INF, _TF), full),
            pl.BlockSpec((1, _TF), full),
            pl.BlockSpec((_TF, _TF), full),
            pl.BlockSpec((1, _TF), full),
        ],
        out_specs=[
            pl.BlockSpec((_TQ, _TW), lambda t: (t, 0)),
            pl.BlockSpec((_TQ, _K), lambda t: (t, 0)),
        ],
        out_shape=(
            jax.ShapeDtypeStruct((_N, _TW), jnp.float32),
            jax.ShapeDtypeStruct((_N, _K), jnp.int32),
        ),
    )(xyzf, xyzf, W0a, b0a.reshape(1, _TF), W0b, b0b.reshape(1, _TF))


def _sc_gather(table, idx_flat):
    tot = idx_flat.shape[0]
    nw = 32
    per_w = tot // nw
    ch = 128
    n_ch = per_w // ch

    mesh = plsc.VectorSubcoreMesh(core_axis_name="c", subcore_axis_name="s")

    @functools.partial(
        pl.kernel, mesh=mesh,
        out_type=jax.ShapeDtypeStruct((tot, _TW), jnp.float32),
        scratch_types=[
            pltpu.VMEM((per_w,), jnp.int32),
            pltpu.VMEM((ch, _TW), jnp.float32),
            pltpu.VMEM((ch, _TW), jnp.float32),
            pltpu.VMEM((ch, _TW), jnp.float32),
            pltpu.SemaphoreType.DMA,
            pltpu.SemaphoreType.DMA,
            pltpu.SemaphoreType.DMA,
            pltpu.SemaphoreType.DMA,
            pltpu.SemaphoreType.DMA,
            pltpu.SemaphoreType.DMA,
        ],
    )
    def gather_kernel(table_hbm, idx_hbm, out_hbm, idx_v, rows_a, rows_b,
                      rows_c, gs_a, gs_b, gs_c, ws_a, ws_b, ws_c):
        wid = lax.axis_index("s") * 2 + lax.axis_index("c")
        base = wid * per_w
        pltpu.sync_copy(idx_hbm.at[pl.ds(base, per_w)], idx_v)
        bufs = (rows_a, rows_b, rows_c)
        gsems = (gs_a, gs_b, gs_c)
        wsems = (ws_a, ws_b, ws_c)
        gcp = [None] * 3
        wcp = [None] * 3
        nb = 3
        for c in range(n_ch):
            p = c % nb
            if c >= nb:
                wcp[p].wait()
            gcp[p] = pltpu.async_copy(
                table_hbm.at[idx_v.at[pl.ds(c * ch, ch)]],
                bufs[p], gsems[p])
            pp = (c - 1) % nb
            if c >= 1:
                gcp[pp].wait()
                wcp[pp] = pltpu.async_copy(
                    bufs[pp], out_hbm.at[pl.ds(base + (c - 1) * ch, ch)],
                    wsems[pp])
        pl_last = (n_ch - 1) % nb
        gcp[pl_last].wait()
        wcp[pl_last] = pltpu.async_copy(
            bufs[pl_last], out_hbm.at[pl.ds(base + (n_ch - 1) * ch, ch)],
            wsems[pl_last])
        for c in range(max(0, n_ch - nb), n_ch):
            wcp[c % nb].wait()

    return gather_kernel(table, idx_flat)


def _stage3_body(g_ref, xyz_ref, pre_ref,
                 Aq, cq, Akv, ckv,
                 Wd1, bd1, Wd2c, bd2, Wg2, bg2, W2, b2,
                 attn_ref, res_ref):
    g = g_ref[:]
    xq = xyz_ref[:]
    fq = pre_ref[:]
    pos = xq[:, None, :] - g[:, :, 0:_INF]
    pos2 = pos.reshape(_TM * _K, _INF)
    h = jnp.maximum(jnp.dot(pos2, Wd1[:]) + bd1[:], 0.0)
    hw = jnp.dot(h, Wd2c[:])
    pe = hw[:, 0:_D] + bd2[:]
    a3 = hw[:, _D:]

    f2 = g[:, :, _TF:].reshape(_TM * _K, _TF)
    kv = jnp.dot(f2, Akv[:]) + ckv[:]
    kg2 = kv[:, 0:_D]
    v2 = kv[:, _D:]
    qg = jnp.dot(fq, Aq[:]) + cq[:]
    qg2 = jnp.broadcast_to(qg[:, None, :], (_TM, _K, _D))
    qg2 = qg2.reshape(_TM * _K, _D)

    l1 = jnp.maximum(qg2 - kg2 + a3, 0.0)
    logits = (jnp.dot(l1, Wg2[:]) + bg2[:]) * jnp.float32(1.0 / 16.0)

    lg3 = logits.reshape(_TM, _K, _D)
    m = jnp.max(lg3, axis=1, keepdims=True)
    e = jnp.exp(lg3 - m)
    s = jnp.sum(e, axis=1, keepdims=True)
    attn = e / s
    attn_ref[:] = attn

    pe3 = pe.reshape(_TM, _K, _D)
    v3 = v2.reshape(_TM, _K, _D)
    wsum = jnp.sum(attn * (v3 + pe3), axis=1)
    res_ref[:] = jnp.dot(wsum, W2[:]) + b2[:] + fq


def _stage3_body_alias(attn_in, res_in, *args):
    _stage3_body(*args)


def _stage3(batch, g3, xyzf, table_b, wp, prev):
    f32 = jnp.float32
    (Aq, cq, Akv, ckv, Wd2c) = wp[0]
    (Wd1, bd1, bd2, Wg2, bg2, W2, b2) = wp[1]
    nt = _N // _TM
    grid = (nt,)
    row = lambda t: (batch * nt + t, 0)
    row3 = lambda t: (batch * nt + t, 0, 0)
    grow = lambda t: (t, 0, 0)
    trow_f = lambda t: (t, 1)
    full = lambda t: (0, 0)
    in_specs = [
        pl.BlockSpec((_TM, _K, _TW), grow),
        pl.BlockSpec((_TM, _INF), row),
        pl.BlockSpec((_TM, _TF), trow_f),
        pl.BlockSpec((_TF, _D), full),
        pl.BlockSpec((1, _D), full),
        pl.BlockSpec((_TF, 2 * _D), full),
        pl.BlockSpec((1, 2 * _D), full),
        pl.BlockSpec((_INF, _D), full),
        pl.BlockSpec((1, _D), full),
        pl.BlockSpec((_D, 2 * _D), full),
        pl.BlockSpec((1, _D), full),
        pl.BlockSpec((_D, _D), full),
        pl.BlockSpec((1, _D), full),
        pl.BlockSpec((_D, _TF), full),
        pl.BlockSpec((1, _TF), full),
    ]
    out_specs = [
        pl.BlockSpec((_TM, _K, _D), row3),
        pl.BlockSpec((_TM, _TF), row),
    ]
    outs = (
        jax.ShapeDtypeStruct((_B * _N, _K, _D), f32),
        jax.ShapeDtypeStruct((_B * _N, _TF), f32),
    )
    operands = (g3, xyzf, table_b, Aq, cq, Akv, ckv,
                Wd1, bd1.reshape(1, _D), Wd2c, bd2.reshape(1, _D),
                Wg2, bg2.reshape(1, _D), W2, b2.reshape(1, _TF))
    if prev is None:
        return pl.pallas_call(
            _stage3_body, grid=grid, in_specs=in_specs,
            out_specs=out_specs, out_shape=outs)(*operands)
    attn_prev, res_prev = prev
    in_specs = [pl.BlockSpec(memory_space=pl.ANY),
                pl.BlockSpec(memory_space=pl.ANY)] + in_specs
    return pl.pallas_call(
        _stage3_body_alias, grid=grid, in_specs=in_specs,
        out_specs=out_specs, out_shape=outs,
        input_output_aliases={0: 0, 1: 1},
    )(attn_prev, res_prev, *operands)


def kernel(xyz, W0a, b0a, W0b, b0b, W1, b1, W2, b2, Wd1, bd1, Wd2, bd2,
           Wg1, bg1, Wg2, bg2, Wq, Wk, Wv):
    assert xyz.shape == (_B, _N, _INF)
    Aq, cq, Akv, ckv, Wd2c = _wprep(W1, b1, Wq, Wk, Wv, Wg1, Wd2, bd2, bg1)
    wp = ((Aq, cq, Akv, ckv, Wd2c), (Wd1, bd1, bd2, Wg2, bg2, W2, b2))
    xyzf = xyz.reshape(_B * _N, _INF)
    prev = None
    for b in range(_B):
        table_b, idx = _topk(b, xyzf, W0a, b0a, W0b, b0b)
        g = _sc_gather(table_b, idx.reshape(_N * _K))
        prev = _stage3(b, g.reshape(_N, _K, _TW), xyzf, table_b, wp, prev)
    attn, res = prev[0], prev[1]
    return (res.reshape(_B, _N, _TF), attn.reshape(_B, _N, _K, _D))

# --- scband reference (transcript-rebuilt; emitter-appended) ---
"""Pipeline reference for scband-transformer-block-27728308863301 (READ-ONLY COPY).

The authoritative reference and input builder live on the scoring server;
editing this copy changes nothing except your own understanding.
"""

import jax, jax.numpy as jnp
import numpy as np

B, N, IN_F, TF, D, K = 2, 1024, 64, 128, 256, 16


def _square_distance(src, dst):
    d = -2.0 * jnp.einsum('bnc,bmc->bnm', src, dst)
    d = d + jnp.sum(src ** 2, -1)[:, :, None]
    d = d + jnp.sum(dst ** 2, -1)[:, None, :]
    return d


def _index_points(points, idx):
    # points: [B, M, C], idx: [B, N, K] -> [B, N, K, C]
    return jax.vmap(lambda p, i: p[i])(points, idx)


def setup_inputs(seed: int = 0) -> dict:
    key = jax.random.key(seed)
    kx, kp = jax.random.split(key)
    ks = jax.random.split(kp, 11)
    s = lambda k, shape, fan: jax.random.normal(k, shape, dtype=jnp.float32) * (1.0 / np.sqrt(fan))
    inp = {
        'xyz': jax.random.normal(kx, (B, N, IN_F), dtype=jnp.float32),
        'W0a': s(ks[0], (IN_F, TF), IN_F), 'b0a': jnp.zeros((TF,), jnp.float32),
        'W0b': s(ks[1], (TF, TF), TF), 'b0b': jnp.zeros((TF,), jnp.float32),
        'W1': s(ks[2], (TF, D), TF), 'b1': jnp.zeros((D,), jnp.float32),
        'W2': s(ks[3], (D, TF), D), 'b2': jnp.zeros((TF,), jnp.float32),
        'Wd1': s(ks[4], (IN_F, D), IN_F), 'bd1': jnp.zeros((D,), jnp.float32),
        'Wd2': s(ks[5], (D, D), D), 'bd2': jnp.zeros((D,), jnp.float32),
        'Wg1': s(ks[6], (D, D), D), 'bg1': jnp.zeros((D,), jnp.float32),
        'Wg2': s(ks[7], (D, D), D), 'bg2': jnp.zeros((D,), jnp.float32),
        'Wq': s(ks[8], (D, D), D),
        'Wk': s(ks[9], (D, D), D),
        'Wv': s(ks[10], (D, D), D),
    }
    return inp


def reference(xyz, W0a, b0a, W0b, b0b, W1, b1, W2, b2, Wd1, bd1, Wd2, bd2, Wg1, bg1, Wg2, bg2, Wq, Wk, Wv):
    dists = _square_distance(xyz, xyz)
    knn_idx = jnp.argsort(dists, axis=-1)[:, :, :K]
    knn_xyz = _index_points(xyz, knn_idx)
    features = jnp.maximum(xyz @ W0a + b0a, 0.0) @ W0b + b0b
    pre = features
    x = features @ W1 + b1
    q = x @ Wq
    kg = _index_points(x @ Wk, knn_idx)
    vg = _index_points(x @ Wv, knn_idx)
    pos = xyz[:, :, None, :] - knn_xyz
    pos_enc = jnp.maximum(pos @ Wd1 + bd1, 0.0) @ Wd2 + bd2
    attn = q[:, :, None, :] - kg + pos_enc
    attn = jnp.maximum(attn @ Wg1 + bg1, 0.0) @ Wg2 + bg2
    attn = jax.nn.softmax(attn / np.sqrt(kg.shape[-1]), axis=-2)
    res = jnp.einsum('bmnf,bmnf->bmf', attn, vg + pos_enc)
    res = res @ W2 + b2 + pre
    return (res, attn)

if __name__ == "__main__":
    import jax
    _d = setup_inputs()
    print(jax.jit(kernel)(*tuple(_d.values())))

</pallas_src>

<mosaic_0001>
#map = affine_map<(d0, d1) -> (0, 0)>
#map1 = affine_map<(d0, d1) -> (0)>
module attributes {stable_mosaic.version = 14 : i64} {
  func.func @gather_kernel(%arg0: i32, %arg1: i32, %arg2: memref<1024x256xf32, #tpu.memory_space<hbm>>, %arg3: memref<16384xi32, #tpu.memory_space<hbm>>, %arg4: memref<16384x256xf32, #tpu.memory_space<hbm>>, %arg5: memref<512xi32, #tpu.memory_space<vmem>>, %arg6: memref<128x256xf32, #tpu.memory_space<vmem>>, %arg7: memref<128x256xf32, #tpu.memory_space<vmem>>, %arg8: memref<128x256xf32, #tpu.memory_space<vmem>>, %arg9: memref<!tpu.dma_semaphore, #tpu.memory_space<semaphore_mem>>, %arg10: memref<!tpu.dma_semaphore, #tpu.memory_space<semaphore_mem>>, %arg11: memref<!tpu.dma_semaphore, #tpu.memory_space<semaphore_mem>>, %arg12: memref<!tpu.dma_semaphore, #tpu.memory_space<semaphore_mem>>, %arg13: memref<!tpu.dma_semaphore, #tpu.memory_space<semaphore_mem>>, %arg14: memref<!tpu.dma_semaphore, #tpu.memory_space<semaphore_mem>>) attributes {dimension_semantics = [#tpu.dimension_semantics<core_parallel>, #tpu.dimension_semantics<subcore_parallel>], iteration_bounds = array<i64: 2, 16>, scalar_prefetch = 0 : i64, scratch_operands = 10 : i64, tpu.core_type = #tpu.core_type<sc_vector_subcore>, window_params = [{transform_indices = #map}, {transform_indices = #map1}, {transform_indices = #map}]} {
    %mul3A = arith.constant 2 : i32
    %mul3A_0 = arith.muli %arg1, %mul3A : i32
    %add3A = arith.addi %mul3A_0, %arg0 : i32
    %mul3A_1 = arith.constant 512 : i32
    %mul3A_2 = arith.muli %add3A, %mul3A_1 : i32
    "tpu.region"() ({
      %run_scoped3A = tpu.sem_alloc : memref<!tpu.dma_semaphore, #tpu.memory_space<semaphore_mem>>
      %dma_start3A_81 = tpu.memref_slice %arg3[%mul3A_2] : memref<16384xi32, #tpu.memory_space<hbm>> -> memref<512xi32, #tpu.memory_space<hbm>>
      %dma_start3A_82 = tpu.memref_slice %arg3[%mul3A_2] : memref<16384xi32, #tpu.memory_space<hbm>> -> memref<512xi32, #tpu.memory_space<hbm>>
      tpu.enqueue_dma source(%dma_start3A_82 : memref<512xi32, #tpu.memory_space<hbm>>) target(%arg5 : memref<512xi32, #tpu.memory_space<vmem>>) target_semaphore(%run_scoped3A : memref<!tpu.dma_semaphore, #tpu.memory_space<semaphore_mem>>)
      %dma_wait3A_83 = tpu.memref_slice %arg3[%mul3A_2] : memref<16384xi32, #tpu.memory_space<hbm>> -> memref<512xi32, #tpu.memory_space<hbm>>
      %dma_wait3A_84 = tpu.memref_slice %arg3[%mul3A_2] : memref<16384xi32, #tpu.memory_space<hbm>> -> memref<512xi32, #tpu.memory_space<hbm>>
      tpu.wait_dma2 semaphore(%run_scoped3A : memref<!tpu.dma_semaphore, #tpu.memory_space<semaphore_mem>>) src(%dma_wait3A_84 : memref<512xi32, #tpu.memory_space<hbm>>) dst(%arg5 : memref<512xi32, #tpu.memory_space<vmem>>)
      tpu.yield
    }) : () -> ()
    %dma_start3A = arith.constant 0 : i32
    %dma_start3A_3 = tpu.memref_slice %arg5[%dma_start3A] : memref<512xi32, #tpu.memory_space<vmem>> -> memref<128xi32, #tpu.memory_space<vmem>>
    %dma_start3A_4 = arith.constant 0 : i32
    %dma_start3A_5 = arith.constant 0 : i32
    %dma_start3A_6 = tpu.memref_slice %arg2[%dma_start3A_4, %dma_start3A_5] : memref<1024x256xf32, #tpu.memory_space<hbm>> -> memref<1024x256xf32, #tpu.memory_space<hbm>>
    tpu.enqueue_indirect_dma source(%dma_start3A_6 : memref<1024x256xf32, #tpu.memory_space<hbm>>) target(%arg6 : memref<128x256xf32, #tpu.memory_space<vmem>>) offsets(%dma_start3A_3 : memref<128xi32, #tpu.memory_space<vmem>>) semaphore(%arg9 : memref<!tpu.dma_semaphore, #tpu.memory_space<semaphore_mem>>)
    %dma_start3A_7 = arith.constant 128 : i32
    %dma_start3A_8 = tpu.memref_slice %arg5[%dma_start3A_7] : memref<512xi32, #tpu.memory_space<vmem>> -> memref<128xi32, #tpu.memory_space<vmem>>
    %dma_start3A_9 = arith.constant 0 : i32
    %dma_start3A_10 = arith.constant 0 : i32
    %dma_start3A_11 = tpu.memref_slice %arg2[%dma_start3A_9, %dma_start3A_10] : memref<1024x256xf32, #tpu.memory_space<hbm>> -> memref<1024x256xf32, #tpu.memory_space<hbm>>
    tpu.enqueue_indirect_dma source(%dma_start3A_11 : memref<1024x256xf32, #tpu.memory_space<hbm>>) target(%arg7 : memref<128x256xf32, #tpu.memory_space<vmem>>) offsets(%dma_start3A_8 : memref<128xi32, #tpu.memory_space<vmem>>) semaphore(%arg10 : memref<!tpu.dma_semaphore, #tpu.memory_space<semaphore_mem>>)
    %dma_wait3A = arith.constant 0 : i32
    %dma_wait3A_12 = tpu.memref_slice %arg5[%dma_wait3A] : memref<512xi32, #tpu.memory_space<vmem>> -> memref<128xi32, #tpu.memory_space<vmem>>
    %dma_wait3A_13 = arith.constant 0 : i32
    %dma_wait3A_14 = arith.constant 0 : i32
    %dma_wait3A_15 = tpu.memref_slice %arg2[%dma_wait3A_13, %dma_wait3A_14] : memref<1024x256xf32, #tpu.memory_space<hbm>> -> memref<1024x256xf32, #tpu.memory_space<hbm>>
    tpu.wait_indirect_dma semaphore(%arg9 : memref<!tpu.dma_semaphore, #tpu.memory_space<semaphore_mem>>) src(%dma_wait3A_15 : memref<1024x256xf32, #tpu.memory_space<hbm>>) dst(%arg6 : memref<128x256xf32, #tpu.memory_space<vmem>>)
    %add3A_16 = arith.constant 0 : i32
    %add3A_17 = arith.addi %mul3A_2, %add3A_16 : i32
    %dma_start3A_18 = arith.constant 0 : i32
    %dma_start3A_19 = tpu.memref_slice %arg4[%add3A_17, %dma_start3A_18] : memref<16384x256xf32, #tpu.memory_space<hbm>> -> memref<128x256xf32, #tpu.memory_space<hbm>>
    %dma_start3A_20 = arith.constant 0 : i32
    %dma_start3A_21 = tpu.memref_slice %arg4[%add3A_17, %dma_start3A_20] : memref<16384x256xf32, #tpu.memory_space<hbm>> -> memref<128x256xf32, #tpu.memory_space<hbm>>
    tpu.enqueue_dma source(%arg6 : memref<128x256xf32, #tpu.memory_space<vmem>>) target(%dma_start3A_21 : memref<128x256xf32, #tpu.memory_space<hbm>>) target_semaphore(%arg12 : memref<!tpu.dma_semaphore, #tpu.memory_space<semaphore_mem>>)
    %dma_start3A_22 = arith.constant 256 : i32
    %dma_start3A_23 = tpu.memref_slice %arg5[%dma_start3A_22] : memref<512xi32, #tpu.memory_space<vmem>> -> memref<128xi32, #tpu.memory_space<vmem>>
    %dma_start3A_24 = arith.constant 0 : i32
    %dma_start3A_25 = arith.constant 0 : i32
    %dma_start3A_26 = tpu.memref_slice %arg2[%dma_start3A_24, %dma_start3A_25] : memref<1024x256xf32, #tpu.memory_space<hbm>> -> memref<1024x256xf32, #tpu.memory_space<hbm>>
    tpu.enqueue_indirect_dma source(%dma_start3A_26 : memref<1024x256xf32, #tpu.memory_space<hbm>>) target(%arg8 : memref<128x256xf32, #tpu.memory_space<vmem>>) offsets(%dma_start3A_23 : memref<128xi32, #tpu.memory_space<vmem>>) semaphore(%arg11 : memref<!tpu.dma_semaphore, #tpu.memory_space<semaphore_mem>>)
    %dma_wait3A_27 = arith.constant 128 : i32
    %dma_wait3A_28 = tpu.memref_slice %arg5[%dma_wait3A_27] : memref<512xi32, #tpu.memory_space<vmem>> -> memref<128xi32, #tpu.memory_space<vmem>>
    %dma_wait3A_29 = arith.constant 0 : i32
    %dma_wait3A_30 = arith.constant 0 : i32
    %dma_wait3A_31 = tpu.memref_slice %arg2[%dma_wait3A_29, %dma_wait3A_30] : memref<1024x256xf32, #tpu.memory_space<hbm>> -> memref<1024x256xf32, #tpu.memory_space<hbm>>
    tpu.wait_indirect_dma semaphore(%arg10 : memref<!tpu.dma_semaphore, #tpu.memory_space<semaphore_mem>>) src(%dma_wait3A_31 : memref<1024x256xf32, #tpu.memory_space<hbm>>) dst(%arg7 : memref<128x256xf32, #tpu.memory_space<vmem>>)
    %add3A_32 = arith.constant 128 : i32
    %add3A_33 = arith.addi %mul3A_2, %add3A_32 : i32
    %dma_start3A_34 = arith.constant 0 : i32
    %dma_start3A_35 = tpu.memref_slice %arg4[%add3A_33, %dma_start3A_34] : memref<16384x256xf32, #tpu.memory_space<hbm>> -> memref<128x256xf32, #tpu.memory_space<hbm>>
    %dma_start3A_36 = arith.constant 0 : i32
    %dma_start3A_37 = tpu.memref_slice %arg4[%add3A_33, %dma_start3A_36] : memref<16384x256xf32, #tpu.memory_space<hbm>> -> memref<128x256xf32, #tpu.memory_space<hbm>>
    tpu.enqueue_dma source(%arg7 : memref<128x256xf32, #tpu.memory_space<vmem>>) target(%dma_start3A_37 : memref<128x256xf32, #tpu.memory_space<hbm>>) target_semaphore(%arg13 : memref<!tpu.dma_semaphore, #tpu.memory_space<semaphore_mem>>)
    %dma_wait3A_38 = arith.constant 0 : i32
    %dma_wait3A_39 = tpu.memref_slice %arg4[%add3A_17, %dma_wait3A_38] : memref<16384x256xf32, #tpu.memory_space<hbm>> -> memref<128x256xf32, #tpu.memory_space<hbm>>
    %dma_wait3A_40 = arith.constant 0 : i32
    %dma_wait3A_41 = tpu.memref_slice %arg4[%add3A_17, %dma_wait3A_40] : memref<16384x256xf32, #tpu.memory_space<hbm>> -> memref<128x256xf32, #tpu.memory_space<hbm>>
    tpu.wait_dma2 semaphore(%arg12 : memref<!tpu.dma_semaphore, #tpu.memory_space<semaphore_mem>>) src(%arg6 : memref<128x256xf32, #tpu.memory_space<vmem>>) dst(%dma_wait3A_41 : memref<128x256xf32, #tpu.memory_space<hbm>>)
    %dma_start3A_42 = arith.constant 384 : i32
    %dma_start3A_43 = tpu.memref_slice %arg5[%dma_start3A_42] : memref<512xi32, #tpu.memory_space<vmem>> -> memref<128xi32, #tpu.memory_space<vmem>>
    %dma_start3A_44 = arith.constant 0 : i32
    %dma_start3A_45 = arith.constant 0 : i32
    %dma_start3A_46 = tpu.memref_slice %arg2[%dma_start3A_44, %dma_start3A_45] : memref<1024x256xf32, #tpu.memory_space<hbm>> -> memref<1024x256xf32, #tpu.memory_space<hbm>>
    tpu.enqueue_indirect_dma source(%dma_start3A_46 : memref<1024x256xf32, #tpu.memory_space<hbm>>) target(%arg6 : memref<128x256xf32, #tpu.memory_space<vmem>>) offsets(%dma_start3A_43 : memref<128xi32, #tpu.memory_space<vmem>>) semaphore(%arg9 : memref<!tpu.dma_semaphore, #tpu.memory_space<semaphore_mem>>)
    %dma_wait3A_47 = arith.constant 256 : i32
    %dma_wait3A_48 = tpu.memref_slice %arg5[%dma_wait3A_47] : memref<512xi32, #tpu.memory_space<vmem>> -> memref<128xi32, #tpu.memory_space<vmem>>
    %dma_wait3A_49 = arith.constant 0 : i32
    %dma_wait3A_50 = arith.constant 0 : i32
    %dma_wait3A_51 = tpu.memref_slice %arg2[%dma_wait3A_49, %dma_wait3A_50] : memref<1024x256xf32, #tpu.memory_space<hbm>> -> memref<1024x256xf32, #tpu.memory_space<hbm>>
    tpu.wait_indirect_dma semaphore(%arg11 : memref<!tpu.dma_semaphore, #tpu.memory_space<semaphore_mem>>) src(%dma_wait3A_51 : memref<1024x256xf32, #tpu.memory_space<hbm>>) dst(%arg8 : memref<128x256xf32, #tpu.memory_space<vmem>>)
    %add3A_52 = arith.constant 256 : i32
    %add3A_53 = arith.addi %mul3A_2, %add3A_52 : i32
    %dma_start3A_54 = arith.constant 0 : i32
    %dma_start3A_55 = tpu.memref_slice %arg4[%add3A_53, %dma_start3A_54] : memref<16384x256xf32, #tpu.memory_space<hbm>> -> memref<128x256xf32, #tpu.memory_space<hbm>>
    %dma_start3A_56 = arith.constant 0 : i32
    %dma_start3A_57 = tpu.memref_slice %arg4[%add3A_53, %dma_start3A_56] : memref<16384x256xf32, #tpu.memory_space<hbm>> -> memref<128x256xf32, #tpu.memory_space<hbm>>
    tpu.enqueue_dma source(%arg8 : memref<128x256xf32, #tpu.memory_space<vmem>>) target(%dma_start3A_57 : memref<128x256xf32, #tpu.memory_space<hbm>>) target_semaphore(%arg14 : memref<!tpu.dma_semaphore, #tpu.memory_space<semaphore_mem>>)
    %dma_wait3A_58 = arith.constant 384 : i32
    %dma_wait3A_59 = tpu.memref_slice %arg5[%dma_wait3A_58] : memref<512xi32, #tpu.memory_space<vmem>> -> memref<128xi32, #tpu.memory_space<vmem>>
    %dma_wait3A_60 = arith.constant 0 : i32
    %dma_wait3A_61 = arith.constant 0 : i32
    %dma_wait3A_62 = tpu.memref_slice %arg2[%dma_wait3A_60, %dma_wait3A_61] : memref<1024x256xf32, #tpu.memory_space<hbm>> -> memref<1024x256xf32, #tpu.memory_space<hbm>>
    tpu.wait_indirect_dma semaphore(%arg9 : memref<!tpu.dma_semaphore, #tpu.memory_space<semaphore_mem>>) src(%dma_wait3A_62 : memref<1024x256xf32, #tpu.memory_space<hbm>>) dst(%arg6 : memref<128x256xf32, #tpu.memory_space<vmem>>)
    %add3A_63 = arith.constant 384 : i32
    %add3A_64 = arith.addi %mul3A_2, %add3A_63 : i32
    %dma_start3A_65 = arith.constant 0 : i32
    %dma_start3A_66 = tpu.memref_slice %arg4[%add3A_64, %dma_start3A_65] : memref<16384x256xf32, #tpu.memory_space<hbm>> -> memref<128x256xf32, #tpu.memory_space<hbm>>
    %dma_start3A_67 = arith.constant 0 : i32
    %dma_start3A_68 = tpu.memref_slice %arg4[%add3A_64, %dma_start3A_67] : memref<16384x256xf32, #tpu.memory_space<hbm>> -> memref<128x256xf32, #tpu.memory_space<hbm>>
    tpu.enqueue_dma source(%arg6 : memref<128x256xf32, #tpu.memory_space<vmem>>) target(%dma_start3A_68 : memref<128x256xf32, #tpu.memory_space<hbm>>) target_semaphore(%arg12 : memref<!tpu.dma_semaphore, #tpu.memory_space<semaphore_mem>>)
    %dma_wait3A_69 = arith.constant 0 : i32
    %dma_wait3A_70 = tpu.memref_slice %arg4[%add3A_33, %dma_wait3A_69] : memref<16384x256xf32, #tpu.memory_space<hbm>> -> memref<128x256xf32, #tpu.memory_space<hbm>>
    %dma_wait3A_71 = arith.constant 0 : i32
    %dma_wait3A_72 = tpu.memref_slice %arg4[%add3A_33, %dma_wait3A_71] : memref<16384x256xf32, #tpu.memory_space<hbm>> -> memref<128x256xf32, #tpu.memory_space<hbm>>
    tpu.wait_dma2 semaphore(%arg13 : memref<!tpu.dma_semaphore, #tpu.memory_space<semaphore_mem>>) src(%arg7 : memref<128x256xf32, #tpu.memory_space<vmem>>) dst(%dma_wait3A_72 : memref<128x256xf32, #tpu.memory_space<hbm>>)
    %dma_wait3A_73 = arith.constant 0 : i32
    %dma_wait3A_74 = tpu.memref_slice %arg4[%add3A_53, %dma_wait3A_73] : memref<16384x256xf32, #tpu.memory_space<hbm>> -> memref<128x256xf32, #tpu.memory_space<hbm>>
    %dma_wait3A_75 = arith.constant 0 : i32
    %dma_wait3A_76 = tpu.memref_slice %arg4[%add3A_53, %dma_wait3A_75] : memref<16384x256xf32, #tpu.memory_space<hbm>> -> memref<128x256xf32, #tpu.memory_space<hbm>>
    tpu.wait_dma2 semaphore(%arg14 : memref<!tpu.dma_semaphore, #tpu.memory_space<semaphore_mem>>) src(%arg8 : memref<128x256xf32, #tpu.memory_space<vmem>>) dst(%dma_wait3A_76 : memref<128x256xf32, #tpu.memory_space<hbm>>)
    %dma_wait3A_77 = arith.constant 0 : i32
    %dma_wait3A_78 = tpu.memref_slice %arg4[%add3A_64, %dma_wait3A_77] : memref<16384x256xf32, #tpu.memory_space<hbm>> -> memref<128x256xf32, #tpu.memory_space<hbm>>
    %dma_wait3A_79 = arith.constant 0 : i32
    %dma_wait3A_80 = tpu.memref_slice %arg4[%add3A_64, %dma_wait3A_79] : memref<16384x256xf32, #tpu.memory_space<hbm>> -> memref<128x256xf32, #tpu.memory_space<hbm>>
    tpu.wait_dma2 semaphore(%arg12 : memref<!tpu.dma_semaphore, #tpu.memory_space<semaphore_mem>>) src(%arg6 : memref<128x256xf32, #tpu.memory_space<vmem>>) dst(%dma_wait3A_80 : memref<128x256xf32, #tpu.memory_space<hbm>>)
    return
  }
}

#map = affine_map<(d0, d1) -> (0, 0)>
#map1 = affine_map<(d0, d1) -> (0)>
module attributes {stable_mosaic.version = 14 : i64} {
  func.func @gather_kernel(%arg0: i32, %arg1: i32, %arg2: memref<1024x256xf32, #tpu.memory_space<hbm>>, %arg3: memref<16384xi32, #tpu.memory_space<hbm>>, %arg4: memref<16384x256xf32, #tpu.memory_space<hbm>>, %arg5: memref<512xi32, #tpu.memory_space<vmem>>, %arg6: memref<128x256xf32, #tpu.memory_space<vmem>>, %arg7: memref<128x256xf32, #tpu.memory_space<vmem>>, %arg8: memref<128x256xf32, #tpu.memory_space<vmem>>, %arg9: memref<!tpu.dma_semaphore, #tpu.memory_space<semaphore_mem>>, %arg10: memref<!tpu.dma_semaphore, #tpu.memory_space<semaphore_mem>>, %arg11: memref<!tpu.dma_semaphore, #tpu.memory_space<semaphore_mem>>, %arg12: memref<!tpu.dma_semaphore, #tpu.memory_space<semaphore_mem>>, %arg13: memref<!tpu.dma_semaphore, #tpu.memory_space<semaphore_mem>>, %arg14: memref<!tpu.dma_semaphore, #tpu.memory_space<semaphore_mem>>) attributes {dimension_semantics = [#tpu.dimension_semantics<core_parallel>, #tpu.dimension_semantics<subcore_parallel>], iteration_bounds = array<i64: 2, 16>, scalar_prefetch = 0 : i64, scratch_operands = 10 : i64, tpu.core_type = #tpu.core_type<sc_vector_subcore>, window_params = [{transform_indices = #map}, {transform_indices = #map1}, {transform_indices = #map}]} {
    %mul3A = arith.constant 2 : i32
    %mul3A_0 = arith.muli %arg1, %mul3A : i32
    %add3A = arith.addi %mul3A_0, %arg0 : i32
    %mul3A_1 = arith.constant 512 : i32
    %mul3A_2 = arith.muli %add3A, %mul3A_1 : i32
    "tpu.region"() ({
      %run_scoped3A = tpu.sem_alloc : memref<!tpu.dma_semaphore, #tpu.memory_space<semaphore_mem>>
      %dma_start3A_81 = tpu.memref_slice %arg3[%mul3A_2] : memref<16384xi32, #tpu.memory_space<hbm>> -> memref<512xi32, #tpu.memory_space<hbm>>
      %dma_start3A_82 = tpu.memref_slice %arg3[%mul3A_2] : memref<16384xi32, #tpu.memory_space<hbm>> -> memref<512xi32, #tpu.memory_space<hbm>>
      tpu.enqueue_dma source(%dma_start3A_82 : memref<512xi32, #tpu.memory_space<hbm>>) target(%arg5 : memref<512xi32, #tpu.memory_space<vmem>>) target_semaphore(%run_scoped3A : memref<!tpu.dma_semaphore, #tpu.memory_space<semaphore_mem>>)
      %dma_wait3A_83 = tpu.memref_slice %arg3[%mul3A_2] : memref<16384xi32, #tpu.memory_space<hbm>> -> memref<512xi32, #tpu.memory_space<hbm>>
      %dma_wait3A_84 = tpu.memref_slice %arg3[%mul3A_2] : memref<16384xi32, #tpu.memory_space<hbm>> -> memref<512xi32, #tpu.memory_space<hbm>>
      tpu.wait_dma2 semaphore(%run_scoped3A : memref<!tpu.dma_semaphore, #tpu.memory_space<semaphore_mem>>) src(%dma_wait3A_84 : memref<512xi32, #tpu.memory_space<hbm>>) dst(%arg5 : memref<512xi32, #tpu.memory_space<vmem>>)
      tpu.yield
    }) : () -> ()
    %dma_start3A = arith.constant 0 : i32
    %dma_start3A_3 = tpu.memref_slice %arg5[%dma_start3A] : memref<512xi32, #tpu.memory_space<vmem>> -> memref<128xi32, #tpu.memory_space<vmem>>
    %dma_start3A_4 = arith.constant 0 : i32
    %dma_start3A_5 = arith.constant 0 : i32
    %dma_start3A_6 = tpu.memref_slice %arg2[%dma_start3A_4, %dma_start3A_5] : memref<1024x256xf32, #tpu.memory_space<hbm>> -> memref<1024x256xf32, #tpu.memory_space<hbm>>
    tpu.enqueue_indirect_dma source(%dma_start3A_6 : memref<1024x256xf32, #tpu.memory_space<hbm>>) target(%arg6 : memref<128x256xf32, #tpu.memory_space<vmem>>) offsets(%dma_start3A_3 : memref<128xi32, #tpu.memory_space<vmem>>) semaphore(%arg9 : memref<!tpu.dma_semaphore, #tpu.memory_space<semaphore_mem>>)
    %dma_start3A_7 = arith.constant 128 : i32
    %dma_start3A_8 = tpu.memref_slice %arg5[%dma_start3A_7] : memref<512xi32, #tpu.memory_space<vmem>> -> memref<128xi32, #tpu.memory_space<vmem>>
    %dma_start3A_9 = arith.constant 0 : i32
    %dma_start3A_10 = arith.constant 0 : i32
    %dma_start3A_11 = tpu.memref_slice %arg2[%dma_start3A_9, %dma_start3A_10] : memref<1024x256xf32, #tpu.memory_space<hbm>> -> memref<1024x256xf32, #tpu.memory_space<hbm>>
    tpu.enqueue_indirect_dma source(%dma_start3A_11 : memref<1024x256xf32, #tpu.memory_space<hbm>>) target(%arg7 : memref<128x256xf32, #tpu.memory_space<vmem>>) offsets(%dma_start3A_8 : memref<128xi32, #tpu.memory_space<vmem>>) semaphore(%arg10 : memref<!tpu.dma_semaphore, #tpu.memory_space<semaphore_mem>>)
    %dma_wait3A = arith.constant 0 : i32
    %dma_wait3A_12 = tpu.memref_slice %arg5[%dma_wait3A] : memref<512xi32, #tpu.memory_space<vmem>> -> memref<128xi32, #tpu.memory_space<vmem>>
    %dma_wait3A_13 = arith.constant 0 : i32
    %dma_wait3A_14 = arith.constant 0 : i32
    %dma_wait3A_15 = tpu.memref_slice %arg2[%dma_wait3A_13, %dma_wait3A_14] : memref<1024x256xf32, #tpu.memory_space<hbm>> -> memref<1024x256xf32, #tpu.memory_space<hbm>>
    tpu.wait_indirect_dma semaphore(%arg9 : memref<!tpu.dma_semaphore, #tpu.memory_space<semaphore_mem>>) src(%dma_wait3A_15 : memref<1024x256xf32, #tpu.memory_space<hbm>>) dst(%arg6 : memref<128x256xf32, #tpu.memory_space<vmem>>)
    %add3A_16 = arith.constant 0 : i32
    %add3A_17 = arith.addi %mul3A_2, %add3A_16 : i32
    %dma_start3A_18 = arith.constant 0 : i32
    %dma_start3A_19 = tpu.memref_slice %arg4[%add3A_17, %dma_start3A_18] : memref<16384x256xf32, #tpu.memory_space<hbm>> -> memref<128x256xf32, #tpu.memory_space<hbm>>
    %dma_start3A_20 = arith.constant 0 : i32
    %dma_start3A_21 = tpu.memref_slice %arg4[%add3A_17, %dma_start3A_20] : memref<16384x256xf32, #tpu.memory_space<hbm>> -> memref<128x256xf32, #tpu.memory_space<hbm>>
    tpu.enqueue_dma source(%arg6 : memref<128x256xf32, #tpu.memory_space<vmem>>) target(%dma_start3A_21 : memref<128x256xf32, #tpu.memory_space<hbm>>) target_semaphore(%arg12 : memref<!tpu.dma_semaphore, #tpu.memory_space<semaphore_mem>>)
    %dma_start3A_22 = arith.constant 256 : i32
    %dma_start3A_23 = tpu.memref_slice %arg5[%dma_start3A_22] : memref<512xi32, #tpu.memory_space<vmem>> -> memref<128xi32, #tpu.memory_space<vmem>>
    %dma_start3A_24 = arith.constant 0 : i32
    %dma_start3A_25 = arith.constant 0 : i32
    %dma_start3A_26 = tpu.memref_slice %arg2[%dma_start3A_24, %dma_start3A_25] : memref<1024x256xf32, #tpu.memory_space<hbm>> -> memref<1024x256xf32, #tpu.memory_space<hbm>>
    tpu.enqueue_indirect_dma source(%dma_start3A_26 : memref<1024x256xf32, #tpu.memory_space<hbm>>) target(%arg8 : memref<128x256xf32, #tpu.memory_space<vmem>>) offsets(%dma_start3A_23 : memref<128xi32, #tpu.memory_space<vmem>>) semaphore(%arg11 : memref<!tpu.dma_semaphore, #tpu.memory_space<semaphore_mem>>)
    %dma_wait3A_27 = arith.constant 128 : i32
    %dma_wait3A_28 = tpu.memref_slice %arg5[%dma_wait3A_27] : memref<512xi32, #tpu.memory_space<vmem>> -> memref<128xi32, #tpu.memory_space<vmem>>
    %dma_wait3A_29 = arith.constant 0 : i32
    %dma_wait3A_30 = arith.constant 0 : i32
    %dma_wait3A_31 = tpu.memref_slice %arg2[%dma_wait3A_29, %dma_wait3A_30] : memref<1024x256xf32, #tpu.memory_space<hbm>> -> memref<1024x256xf32, #tpu.memory_space<hbm>>
    tpu.wait_indirect_dma semaphore(%arg10 : memref<!tpu.dma_semaphore, #tpu.memory_space<semaphore_mem>>) src(%dma_wait3A_31 : memref<1024x256xf32, #tpu.memory_space<hbm>>) dst(%arg7 : memref<128x256xf32, #tpu.memory_space<vmem>>)
    %add3A_32 = arith.constant 128 : i32
    %add3A_33 = arith.addi %mul3A_2, %add3A_32 : i32
    %dma_start3A_34 = arith.constant 0 : i32
    %dma_start3A_35 = tpu.memref_slice %arg4[%add3A_33, %dma_start3A_34] : memref<16384x256xf32, #tpu.memory_space<hbm>> -> memref<128x256xf32, #tpu.memory_space<hbm>>
    %dma_start3A_36 = arith.constant 0 : i32
    %dma_start3A_37 = tpu.memref_slice %arg4[%add3A_33, %dma_start3A_36] : memref<16384x256xf32, #tpu.memory_space<hbm>> -> memref<128x256xf32, #tpu.memory_space<hbm>>
    tpu.enqueue_dma source(%arg7 : memref<128x256xf32, #tpu.memory_space<vmem>>) target(%dma_start3A_37 : memref<128x256xf32, #tpu.memory_space<hbm>>) target_semaphore(%arg13 : memref<!tpu.dma_semaphore, #tpu.memory_space<semaphore_mem>>)
    %dma_wait3A_38 = arith.constant 0 : i32
    %dma_wait3A_39 = tpu.memref_slice %arg4[%add3A_17, %dma_wait3A_38] : memref<16384x256xf32, #tpu.memory_space<hbm>> -> memref<128x256xf32, #tpu.memory_space<hbm>>
    %dma_wait3A_40 = arith.constant 0 : i32
    %dma_wait3A_41 = tpu.memref_slice %arg4[%add3A_17, %dma_wait3A_40] : memref<16384x256xf32, #tpu.memory_space<hbm>> -> memref<128x256xf32, #tpu.memory_space<hbm>>
    tpu.wait_dma2 semaphore(%arg12 : memref<!tpu.dma_semaphore, #tpu.memory_space<semaphore_mem>>) src(%arg6 : memref<128x256xf32, #tpu.memory_space<vmem>>) dst(%dma_wait3A_41 : memref<128x256xf32, #tpu.memory_space<hbm>>)
    %dma_start3A_42 = arith.constant 384 : i32
    %dma_start3A_43 = tpu.memref_slice %arg5[%dma_start3A_42] : memref<512xi32, #tpu.memory_space<vmem>> -> memref<128xi32, #tpu.memory_space<vmem>>
    %dma_start3A_44 = arith.constant 0 : i32
    %dma_start3A_45 = arith.constant 0 : i32
    %dma_start3A_46 = tpu.memref_slice %arg2[%dma_start3A_44, %dma_start3A_45] : memref<1024x256xf32, #tpu.memory_space<hbm>> -> memref<1024x256xf32, #tpu.memory_space<hbm>>
    tpu.enqueue_indirect_dma source(%dma_start3A_46 : memref<1024x256xf32, #tpu.memory_space<hbm>>) target(%arg6 : memref<128x256xf32, #tpu.memory_space<vmem>>) offsets(%dma_start3A_43 : memref<128xi32, #tpu.memory_space<vmem>>) semaphore(%arg9 : memref<!tpu.dma_semaphore, #tpu.memory_space<semaphore_mem>>)
    %dma_wait3A_47 = arith.constant 256 : i32
    %dma_wait3A_48 = tpu.memref_slice %arg5[%dma_wait3A_47] : memref<512xi32, #tpu.memory_space<vmem>> -> memref<128xi32, #tpu.memory_space<vmem>>
    %dma_wait3A_49 = arith.constant 0 : i32
    %dma_wait3A_50 = arith.constant 0 : i32
    %dma_wait3A_51 = tpu.memref_slice %arg2[%dma_wait3A_49, %dma_wait3A_50] : memref<1024x256xf32, #tpu.memory_space<hbm>> -> memref<1024x256xf32, #tpu.memory_space<hbm>>
    tpu.wait_indirect_dma semaphore(%arg11 : memref<!tpu.dma_semaphore, #tpu.memory_space<semaphore_mem>>) src(%dma_wait3A_51 : memref<1024x256xf32, #tpu.memory_space<hbm>>) dst(%arg8 : memref<128x256xf32, #tpu.memory_space<vmem>>)
    %add3A_52 = arith.constant 256 : i32
    %add3A_53 = arith.addi %mul3A_2, %add3A_52 : i32
    %dma_start3A_54 = arith.constant 0 : i32
    %dma_start3A_55 = tpu.memref_slice %arg4[%add3A_53, %dma_start3A_54] : memref<16384x256xf32, #tpu.memory_space<hbm>> -> memref<128x256xf32, #tpu.memory_space<hbm>>
    %dma_start3A_56 = arith.constant 0 : i32
    %dma_start3A_57 = tpu.memref_slice %arg4[%add3A_53, %dma_start3A_56] : memref<16384x256xf32, #tpu.memory_space<hbm>> -> memref<128x256xf32, #tpu.memory_space<hbm>>
    tpu.enqueue_dma source(%arg8 : memref<128x256xf32, #tpu.memory_space<vmem>>) target(%dma_start3A_57 : memref<128x256xf32, #tpu.memory_space<hbm>>) target_semaphore(%arg14 : memref<!tpu.dma_semaphore, #tpu.memory_space<semaphore_mem>>)
    %dma_wait3A_58 = arith.constant 384 : i32
    %dma_wait3A_59 = tpu.memref_slice %arg5[%dma_wait3A_58] : memref<512xi32, #tpu.memory_space<vmem>> -> memref<128xi32, #tpu.memory_space<vmem>>
    %dma_wait3A_60 = arith.constant 0 : i32
    %dma_wait3A_61 = arith.constant 0 : i32
    %dma_wait3A_62 = tpu.memref_slice %arg2[%dma_wait3A_60, %dma_wait3A_61] : memref<1024x256xf32, #tpu.memory_space<hbm>> -> memref<1024x256xf32, #tpu.memory_space<hbm>>
    tpu.wait_indirect_dma semaphore(%arg9 : memref<!tpu.dma_semaphore, #tpu.memory_space<semaphore_mem>>) src(%dma_wait3A_62 : memref<1024x256xf32, #tpu.memory_space<hbm>>) dst(%arg6 : memref<128x256xf32, #tpu.memory_space<vmem>>)
    %add3A_63 = arith.constant 384 : i32
    %add3A_64 = arith.addi %mul3A_2, %add3A_63 : i32
    %dma_start3A_65 = arith.constant 0 : i32
    %dma_start3A_66 = tpu.memref_slice %arg4[%add3A_64, %dma_start3A_65] : memref<16384x256xf32, #tpu.memory_space<hbm>> -> memref<128x256xf32, #tpu.memory_space<hbm>>
    %dma_start3A_67 = arith.constant 0 : i32
    %dma_start3A_68 = tpu.memref_slice %arg4[%add3A_64, %dma_start3A_67] : memref<16384x256xf32, #tpu.memory_space<hbm>> -> memref<128x256xf32, #tpu.memory_space<hbm>>
    tpu.enqueue_dma source(%arg6 : memref<128x256xf32, #tpu.memory_space<vmem>>) target(%dma_start3A_68 : memref<128x256xf32, #tpu.memory_space<hbm>>) target_semaphore(%arg12 : memref<!tpu.dma_semaphore, #tpu.memory_space<semaphore_mem>>)
    %dma_wait3A_69 = arith.constant 0 : i32
    %dma_wait3A_70 = tpu.memref_slice %arg4[%add3A_33, %dma_wait3A_69] : memref<16384x256xf32, #tpu.memory_space<hbm>> -> memref<128x256xf32, #tpu.memory_space<hbm>>
    %dma_wait3A_71 = arith.constant 0 : i32
    %dma_wait3A_72 = tpu.memref_slice %arg4[%add3A_33, %dma_wait3A_71] : memref<16384x256xf32, #tpu.memory_space<hbm>> -> memref<128x256xf32, #tpu.memory_space<hbm>>
    tpu.wait_dma2 semaphore(%arg13 : memref<!tpu.dma_semaphore, #tpu.memory_space<semaphore_mem>>) src(%arg7 : memref<128x256xf32, #tpu.memory_space<vmem>>) dst(%dma_wait3A_72 : memref<128x256xf32, #tpu.memory_space<hbm>>)
    %dma_wait3A_73 = arith.constant 0 : i32
    %dma_wait3A_74 = tpu.memref_slice %arg4[%add3A_53, %dma_wait3A_73] : memref<16384x256xf32, #tpu.memory_space<hbm>> -> memref<128x256xf32, #tpu.memory_space<hbm>>
    %dma_wait3A_75 = arith.constant 0 : i32
    %dma_wait3A_76 = tpu.memref_slice %arg4[%add3A_53, %dma_wait3A_75] : memref<16384x256xf32, #tpu.memory_space<hbm>> -> memref<128x256xf32, #tpu.memory_space<hbm>>
    tpu.wait_dma2 semaphore(%arg14 : memref<!tpu.dma_semaphore, #tpu.memory_space<semaphore_mem>>) src(%arg8 : memref<128x256xf32, #tpu.memory_space<vmem>>) dst(%dma_wait3A_76 : memref<128x256xf32, #tpu.memory_space<hbm>>)
    %dma_wait3A_77 = arith.constant 0 : i32
    %dma_wait3A_78 = tpu.memref_slice %arg4[%add3A_64, %dma_wait3A_77] : memref<16384x256xf32, #tpu.memory_space<hbm>> -> memref<128x256xf32, #tpu.memory_space<hbm>>
    %dma_wait3A_79 = arith.constant 0 : i32
    %dma_wait3A_80 = tpu.memref_slice %arg4[%add3A_64, %dma_wait3A_79] : memref<16384x256xf32, #tpu.memory_space<hbm>> -> memref<128x256xf32, #tpu.memory_space<hbm>>
    tpu.wait_dma2 semaphore(%arg12 : memref<!tpu.dma_semaphore, #tpu.memory_space<semaphore_mem>>) src(%arg6 : memref<128x256xf32, #tpu.memory_space<vmem>>) dst(%dma_wait3A_80 : memref<128x256xf32, #tpu.memory_space<hbm>>)
    return
  }
}

module attributes {stable_mosaic.version = 14 : i64} {
  func.func @_topk_body(%arg0: i32, %arg1: memref<512x64xf32, #tpu.memory_space<vmem>>, %arg2: memref<1024x64xf32, #tpu.memory_space<vmem>>, %arg3: memref<64x128xf32, #tpu.memory_space<vmem>>, %arg4: memref<1x128xf32, #tpu.memory_space<vmem>>, %arg5: memref<128x128xf32, #tpu.memory_space<vmem>>, %arg6: memref<1x128xf32, #tpu.memory_space<vmem>>, %arg7: memref<512x256xf32, #tpu.memory_space<vmem>>, %arg8: memref<512x16xi32, #tpu.memory_space<vmem>>) attributes {dimension_semantics = [#tpu.dimension_semantics<arbitrary>], iteration_bounds = array<i64: 2>, scalar_prefetch = 0 : i64, scratch_operands = 0 : i64, tpu.core_type = #tpu.core_type<tc>, window_params = [{transform_indices = @transform_0, window_bounds = array<i64: 512, 64>}, {transform_indices = @transform_1, window_bounds = array<i64: 1024, 64>}, {pipeline_mode = #tpu.pipeline_mode<synchronous>, transform_indices = @transform_2, window_bounds = array<i64: 64, 128>}, {pipeline_mode = #tpu.pipeline_mode<synchronous>, transform_indices = @transform_3, window_bounds = array<i64: 1, 128>}, {pipeline_mode = #tpu.pipeline_mode<synchronous>, transform_indices = @transform_4, window_bounds = array<i64: 128, 128>}, {pipeline_mode = #tpu.pipeline_mode<synchronous>, transform_indices = @transform_5, window_bounds = array<i64: 1, 128>}, {transform_indices = @transform_6, window_bounds = array<i64: 512, 256>}, {transform_indices = @transform_7, window_bounds = array<i64: 512, 16>}]} {
    %get3A = arith.constant 0 : index
    %get3A_0 = arith.constant 0 : index
    %get3A_1 = vector.load %arg1[%get3A, %get3A_0] : memref<512x64xf32, #tpu.memory_space<vmem>>, vector<512x64xf32>
    %get3A_2 = arith.constant 0 : index
    %get3A_3 = arith.constant 0 : index
    %get3A_4 = vector.load %arg2[%get3A_2, %get3A_3] : memref<1024x64xf32, #tpu.memory_space<vmem>>, vector<1024x64xf32>
    %get3A_5 = arith.constant 0 : index
    %get3A_6 = arith.constant 0 : index
    %get3A_7 = vector.load %arg3[%get3A_5, %get3A_6] : memref<64x128xf32, #tpu.memory_space<vmem>>, vector<64x128xf32>
    %dot_general3A = arith.constant dense<0.000000e+00> : vector<512x128xf32>
    %dot_general3A_8 = tpu.matmul %get3A_1, %get3A_7, %dot_general3A {dimension_numbers = #tpu.dot_dimension_numbers<[1], [0], [0], [1], [0, 0, 1, 1], [], []>, transpose_lhs_hint = false} : vector<512x64xf32>, vector<64x128xf32>, vector<512x128xf32> -> vector<512x128xf32>
    %get3A_9 = arith.constant 0 : index
    %get3A_10 = arith.constant 0 : index
    %get3A_11 = vector.load %arg4[%get3A_9, %get3A_10] : memref<1x128xf32, #tpu.memory_space<vmem>>, vector<1x128xf32>
    %add3A = vector.broadcast %get3A_11 : vector<1x128xf32> to vector<512x128xf32>
    %add3A_12 = arith.addf %dot_general3A_8, %add3A : vector<512x128xf32>
    %max3A = arith.constant 0.000000e+00 : f32
    %max3A_13 = vector.broadcast %max3A : f32 to vector<512x128xf32>
    %max3A_14 = arith.maximumf %add3A_12, %max3A_13 : vector<512x128xf32>
    %get3A_15 = arith.constant 0 : index
    %get3A_16 = arith.constant 0 : index
    %get3A_17 = vector.load %arg5[%get3A_15, %get3A_16] : memref<128x128xf32, #tpu.memory_space<vmem>>, vector<128x128xf32>
    %dot_general3A_18 = arith.constant dense<0.000000e+00> : vector<512x128xf32>
    %dot_general3A_19 = tpu.matmul %max3A_14, %get3A_17, %dot_general3A_18 {dimension_numbers = #tpu.dot_dimension_numbers<[1], [0], [0], [1], [0, 0, 1, 1], [], []>, transpose_lhs_hint = false} : vector<512x128xf32>, vector<128x128xf32>, vector<512x128xf32> -> vector<512x128xf32>
    %get3A_20 = arith.constant 0 : index
    %get3A_21 = arith.constant 0 : index
    %get3A_22 = vector.load %arg6[%get3A_20, %get3A_21] : memref<1x128xf32, #tpu.memory_space<vmem>>, vector<1x128xf32>
    %add3A_23 = vector.broadcast %get3A_22 : vector<1x128xf32> to vector<512x128xf32>
    %add3A_24 = arith.addf %dot_general3A_19, %add3A_23 : vector<512x128xf32>
    %broadcast_in_dim3A = arith.constant 0.000000e+00 : f32
    %broadcast_in_dim3A_25 = vector.broadcast %broadcast_in_dim3A : f32 to vector<512x64xf32>
    %concatenate3A = tpu.concatenate %get3A_1, %broadcast_in_dim3A_25, %add3A_24 in 1 : vector<512x64xf32>, vector<512x64xf32>, vector<512x128xf32> -> vector<512x256xf32>
    %swap3A = arith.constant 0 : index
    %swap3A_26 = arith.constant 0 : index
    %swap3A_27 = vector.load %arg7[%swap3A, %swap3A_26] : memref<512x256xf32, #tpu.memory_space<vmem>>, vector<512x256xf32>
    tpu.vector_store %arg7[%swap3A, %swap3A_26], %concatenate3A {strides = array<i32>} : memref<512x256xf32, #tpu.memory_space<vmem>>, vector<512x256xf32>,
    %dot_general3A_28 = arith.constant dense<0.000000e+00> : vector<512x1024xf32>
    %dot_general3A_29 = tpu.matmul %get3A_1, %get3A_4, %dot_general3A_28 {dimension_numbers = #tpu.dot_dimension_numbers<[1], [1], [0], [0], [0, 0, 1, 0], [], []>, transpose_lhs_hint = false} : vector<512x64xf32>, vector<1024x64xf32>, vector<512x1024xf32> -> vector<512x1024xf32>
    %mul3A = arith.constant -2.000000e+00 : f32
    %mul3A_30 = vector.broadcast %mul3A : f32 to vector<512x1024xf32>
    %mul3A_31 = arith.mulf %mul3A_30, %dot_general3A_29 : vector<512x1024xf32>
    %mul3A_32 = arith.mulf %get3A_1, %get3A_1 : vector<512x64xf32>
    %reduce_sum3A = arith.constant dense<0.000000e+00> : vector<512xf32>
    %reduce_sum3A_33 = vector.multi_reduction <add>, %mul3A_32, %reduce_sum3A [1] : vector<512x64xf32> to vector<512xf32>
    %broadcast_in_dim3A_34 = vector.shape_cast %reduce_sum3A_33 : vector<512xf32> to vector<512x1xf32>
    %add3A_35 = vector.broadcast %broadcast_in_dim3A_34 : vector<512x1xf32> to vector<512x1024xf32>
    %add3A_36 = arith.addf %mul3A_31, %add3A_35 : vector<512x1024xf32>
    %mul3A_37 = arith.mulf %get3A_4, %get3A_4 : vector<1024x64xf32>
    %reduce_sum3A_38 = arith.constant dense<0.000000e+00> : vector<1024xf32>
    %reduce_sum3A_39 = vector.multi_reduction <add>, %mul3A_37, %reduce_sum3A_38 [1] : vector<1024x64xf32> to vector<1024xf32>
    %broadcast_in_dim3A_40 = vector.shape_cast %reduce_sum3A_39 : vector<1024xf32> to vector<1x1024xf32>
    %add3A_41 = vector.broadcast %broadcast_in_dim3A_40 : vector<1x1024xf32> to vector<512x1024xf32>
    %add3A_42 = arith.addf %add3A_36, %add3A_41 : vector<512x1024xf32>
    %iota3A = tpu.iota {dimensions = array<i32: 1>} : vector<512x1024xi32>
    %convert_element_type3A = arith.sitofp %iota3A : vector<512x1024xi32> to vector<512x1024xf32>
    %reduce_min3A = arith.constant dense<0x7F800000> : vector<512xf32>
    %reduce_min3A_43 = vector.multi_reduction <minimumf>, %add3A_42, %reduce_min3A [1] : vector<512x1024xf32> to vector<512xf32>
    %broadcast_in_dim3A_44 = vector.shape_cast %reduce_min3A_43 : vector<512xf32> to vector<512x1xf32>
    %le3A = vector.broadcast %broadcast_in_dim3A_44 : vector<512x1xf32> to vector<512x1024xf32>
    %le3A_45 = arith.cmpf ole, %add3A_42, %le3A : vector<512x1024xf32>
    %jit3A = arith.constant 1.024000e+03 : f32
    %broadcast_in_dim3A_46 = vector.broadcast %jit3A : f32 to vector<512x1024xf32>
    %select_n3A = arith.select %le3A_45, %convert_element_type3A, %broadcast_in_dim3A_46 : vector<512x1024xi1>, vector<512x1024xf32>
    %reduce_min3A_47 = arith.constant dense<0x7F800000> : vector<512xf32>
    %reduce_min3A_48 = vector.multi_reduction <minimumf>, %select_n3A, %reduce_min3A_47 [1] : vector<512x1024xf32> to vector<512xf32>
    %broadcast_in_dim3A_49 = vector.shape_cast %reduce_min3A_48 : vector<512xf32> to vector<512x1xf32>
    %eq3A = vector.broadcast %broadcast_in_dim3A_49 : vector<512x1xf32> to vector<512x1024xf32>
    %eq3A_50 = arith.cmpf oeq, %convert_element_type3A, %eq3A : vector<512x1024xf32>
    %jit3A_51 = arith.constant 3.000000e+38 : f32
    %broadcast_in_dim3A_52 = vector.broadcast %jit3A_51 : f32 to vector<512x1024xf32>
    %select_n3A_53 = arith.select %eq3A_50, %broadcast_in_dim3A_52, %add3A_42 : vector<512x1024xi1>, vector<512x1024xf32>
    %reduce_min3A_54 = arith.constant dense<0x7F800000> : vector<512xf32>
    %reduce_min3A_55 = vector.multi_reduction <minimumf>, %select_n3A_53, %reduce_min3A_54 [1] : vector<512x1024xf32> to vector<512xf32>
    %broadcast_in_dim3A_56 = vector.shape_cast %reduce_min3A_55 : vector<512xf32> to vector<512x1xf32>
    %le3A_57 = vector.broadcast %broadcast_in_dim3A_56 : vector<512x1xf32> to vector<512x1024xf32>
    %le3A_58 = arith.cmpf ole, %select_n3A_53, %le3A_57 : vector<512x1024xf32>
    %jit3A_59 = arith.constant 1.024000e+03 : f32
    %broadcast_in_dim3A_60 = vector.broadcast %jit3A_59 : f32 to vector<512x1024xf32>
    %select_n3A_61 = arith.select %le3A_58, %convert_element_type3A, %broadcast_in_dim3A_60 : vector<512x1024xi1>, vector<512x1024xf32>
    %reduce_min3A_62 = arith.constant dense<0x7F800000> : vector<512xf32>
    %reduce_min3A_63 = vector.multi_reduction <minimumf>, %select_n3A_61, %reduce_min3A_62 [1] : vector<512x1024xf32> to vector<512xf32>
    %broadcast_in_dim3A_64 = vector.shape_cast %reduce_min3A_63 : vector<512xf32> to vector<512x1xf32>
    %eq3A_65 = vector.broadcast %broadcast_in_dim3A_64 : vector<512x1xf32> to vector<512x1024xf32>
    %eq3A_66 = arith.cmpf oeq, %convert_element_type3A, %eq3A_65 : vector<512x1024xf32>
    %jit3A_67 = arith.constant 3.000000e+38 : f32
    %broadcast_in_dim3A_68 = vector.broadcast %jit3A_67 : f32 to vector<512x1024xf32>
    %select_n3A_69 = arith.select %eq3A_66, %broadcast_in_dim3A_68, %select_n3A_53 : vector<512x1024xi1>, vector<512x1024xf32>
    %reduce_min3A_70 = arith.constant dense<0x7F800000> : vector<512xf32>
    %reduce_min3A_71 = vector.multi_reduction <minimumf>, %select_n3A_69, %reduce_min3A_70 [1] : vector<512x1024xf32> to vector<512xf32>
    %broadcast_in_dim3A_72 = vector.shape_cast %reduce_min3A_71 : vector<512xf32> to vector<512x1xf32>
    %le3A_73 = vector.broadcast %broadcast_in_dim3A_72 : vector<512x1xf32> to vector<512x1024xf32>
    %le3A_74 = arith.cmpf ole, %select_n3A_69, %le3A_73 : vector<512x1024xf32>
    %jit3A_75 = arith.constant 1.024000e+03 : f32
    %broadcast_in_dim3A_76 = vector.broadcast %jit3A_75 : f32 to vector<512x1024xf32>
    %select_n3A_77 = arith.select %le3A_74, %convert_element_type3A, %broadcast_in_dim3A_76 : vector<512x1024xi1>, vector<512x1024xf32>
    %reduce_min3A_78 = arith.constant dense<0x7F800000> : vector<512xf32>
    %reduce_min3A_79 = vector.multi_reduction <minimumf>, %select_n3A_77, %reduce_min3A_78 [1] : vector<512x1024xf32> to vector<512xf32>
    %broadcast_in_dim3A_80 = vector.shape_cast %reduce_min3A_79 : vector<512xf32> to vector<512x1xf32>
    %eq3A_81 = vector.broadcast %broadcast_in_dim3A_80 : vector<512x1xf32> to vector<512x1024xf32>
    %eq3A_82 = arith.cmpf oeq, %convert_element_type3A, %eq3A_81 : vector<512x1024xf32>
    %jit3A_83 = arith.constant 3.000000e+38 : f32
    %broadcast_in_dim3A_84 = vector.broadcast %jit3A_83 : f32 to vector<512x1024xf32>
    %select_n3A_85 = arith.select %eq3A_82, %broadcast_in_dim3A_84, %select_n3A_69 : vector<512x1024xi1>, vector<512x1024xf32>
    %reduce_min3A_86 = arith.constant dense<0x7F800000> : vector<512xf32>
    %reduce_min3A_87 = vector.multi_reduction <minimumf>, %select_n3A_85, %reduce_min3A_86 [1] : vector<512x1024xf32> to vector<512xf32>
    %broadcast_in_dim3A_88 = vector.shape_cast %reduce_min3A_87 : vector<512xf32> to vector<512x1xf32>
    %le3A_89 = vector.broadcast %broadcast_in_dim3A_88 : vector<512x1xf32> to vector<512x1024xf32>
    %le3A_90 = arith.cmpf ole, %select_n3A_85, %le3A_89 : vector<512x1024xf32>
    %jit3A_91 = arith.constant 1.024000e+03 : f32
    %broadcast_in_dim3A_92 = vector.broadcast %jit3A_91 : f32 to vector<512x1024xf32>
    %select_n3A_93 = arith.select %le3A_90, %convert_element_type3A, %broadcast_in_dim3A_92 : vector<512x1024xi1>, vector<512x1024xf32>
    %reduce_min3A_94 = arith.constant dense<0x7F800000> : vector<512xf32>
    %reduce_min3A_95 = vector.multi_reduction <minimumf>, %select_n3A_93, %reduce_min3A_94 [1] : vector<512x1024xf32> to vector<512xf32>
    %broadcast_in_dim3A_96 = vector.shape_cast %reduce_min3A_95 : vector<512xf32> to vector<512x1xf32>
    %eq3A_97 = vector.broadcast %broadcast_in_dim3A_96 : vector<512x1xf32> to vector<512x1024xf32>
    %eq3A_98 = arith.cmpf oeq, %convert_element_type3A, %eq3A_97 : vector<512x1024xf32>
    %jit3A_99 = arith.constant 3.000000e+38 : f32
    %broadcast_in_dim3A_100 = vector.broadcast %jit3A_99 : f32 to vector<512x1024xf32>
    %select_n3A_101 = arith.select %eq3A_98, %broadcast_in_dim3A_100, %select_n3A_85 : vector<512x1024xi1>, vector<512x1024xf32>
    %reduce_min3A_102 = arith.constant dense<0x7F800000> : vector<512xf32>
    %reduce_min3A_103 = vector.multi_reduction <minimumf>, %select_n3A_101, %reduce_min3A_102 [1] : vector<512x1024xf32> to vector<512xf32>
    %broadcast_in_dim3A_104 = vector.shape_cast %reduce_min3A_103 : vector<512xf32> to vector<512x1xf32>
    %le3A_105 = vector.broadcast %broadcast_in_dim3A_104 : vector<512x1xf32> to vector<512x1024xf32>
    %le3A_106 = arith.cmpf ole, %select_n3A_101, %le3A_105 : vector<512x1024xf32>
    %jit3A_107 = arith.constant 1.024000e+03 : f32
    %broadcast_in_dim3A_108 = vector.broadcast %jit3A_107 : f32 to vector<512x1024xf32>
    %select_n3A_109 = arith.select %le3A_106, %convert_element_type3A, %broadcast_in_dim3A_108 : vector<512x1024xi1>, vector<512x1024xf32>
    %reduce_min3A_110 = arith.constant dense<0x7F800000> : vector<512xf32>
    %reduce_min3A_111 = vector.multi_reduction <minimumf>, %select_n3A_109, %reduce_min3A_110 [1] : vector<512x1024xf32> to vector<512xf32>
    %broadcast_in_dim3A_112 = vector.shape_cast %reduce_min3A_111 : vector<512xf32> to vector<512x1xf32>
    %eq3A_113 = vector.broadcast %broadcast_in_dim3A_112 : vector<512x1xf32> to vector<512x1024xf32>
    %eq3A_114 = arith.cmpf oeq, %convert_element_type3A, %eq3A_113 : vector<512x1024xf32>
    %jit3A_115 = arith.constant 3.000000e+38 : f32
    %broadcast_in_dim3A_116 = vector.broadcast %jit3A_115 : f32 to vector<512x1024xf32>
    %select_n3A_117 = arith.select %eq3A_114, %broadcast_in_dim3A_116, %select_n3A_101 : vector<512x1024xi1>, vector<512x1024xf32>
    %reduce_min3A_118 = arith.constant dense<0x7F800000> : vector<512xf32>
    %reduce_min3A_119 = vector.multi_reduction <minimumf>, %select_n3A_117, %reduce_min3A_118 [1] : vector<512x1024xf32> to vector<512xf32>
    %broadcast_in_dim3A_120 = vector.shape_cast %reduce_min3A_119 : vector<512xf32> to vector<512x1xf32>
    %le3A_121 = vector.broadcast %broadcast_in_dim3A_120 : vector<512x1xf32> to vector<512x1024xf32>
    %le3A_122 = arith.cmpf ole, %select_n3A_117, %le3A_121 : vector<512x1024xf32>
    %jit3A_123 = arith.constant 1.024000e+03 : f32
    %broadcast_in_dim3A_124 = vector.broadcast %jit3A_123 : f32 to vector<512x1024xf32>
    %select_n3A_125 = arith.select %le3A_122, %convert_element_type3A, %broadcast_in_dim3A_124 : vector<512x1024xi1>, vector<512x1024xf32>
    %reduce_min3A_126 = arith.constant dense<0x7F800000> : vector<512xf32>
    %reduce_min3A_127 = vector.multi_reduction <minimumf>, %select_n3A_125, %reduce_min3A_126 [1] : vector<512x1024xf32> to vector<512xf32>
    %broadcast_in_dim3A_128 = vector.shape_cast %reduce_min3A_127 : vector<512xf32> to vector<512x1xf32>
    %eq3A_129 = vector.broadcast %broadcast_in_dim3A_128 : vector<512x1xf32> to vector<512x1024xf32>
    %eq3A_130 = arith.cmpf oeq, %convert_element_type3A, %eq3A_129 : vector<512x1024xf32>
    %jit3A_131 = arith.constant 3.000000e+38 : f32
    %broadcast_in_dim3A_132 = vector.broadcast %jit3A_131 : f32 to vector<512x1024xf32>
    %select_n3A_133 = arith.select %eq3A_130, %broadcast_in_dim3A_132, %select_n3A_117 : vector<512x1024xi1>, vector<512x1024xf32>
    %reduce_min3A_134 = arith.constant dense<0x7F800000> : vector<512xf32>
    %reduce_min3A_135 = vector.multi_reduction <minimumf>, %select_n3A_133, %reduce_min3A_134 [1] : vector<512x1024xf32> to vector<512xf32>
    %broadcast_in_dim3A_136 = vector.shape_cast %reduce_min3A_135 : vector<512xf32> to vector<512x1xf32>
    %le3A_137 = vector.broadcast %broadcast_in_dim3A_136 : vector<512x1xf32> to vector<512x1024xf32>
    %le3A_138 = arith.cmpf ole, %select_n3A_133, %le3A_137 : vector<512x1024xf32>
    %jit3A_139 = arith.constant 1.024000e+03 : f32
    %broadcast_in_dim3A_140 = vector.broadcast %jit3A_139 : f32 to vector<512x1024xf32>
    %select_n3A_141 = arith.select %le3A_138, %convert_element_type3A, %broadcast_in_dim3A_140 : vector<512x1024xi1>, vector<512x1024xf32>
    %reduce_min3A_142 = arith.constant dense<0x7F800000> : vector<512xf32>
    %reduce_min3A_143 = vector.multi_reduction <minimumf>, %select_n3A_141, %reduce_min3A_142 [1] : vector<512x1024xf32> to vector<512xf32>
    %broadcast_in_dim3A_144 = vector.shape_cast %reduce_min3A_143 : vector<512xf32> to vector<512x1xf32>
    %eq3A_145 = vector.broadcast %broadcast_in_dim3A_144 : vector<512x1xf32> to vector<512x1024xf32>
    %eq3A_146 = arith.cmpf oeq, %convert_element_type3A, %eq3A_145 : vector<512x1024xf32>
    %jit3A_147 = arith.constant 3.000000e+38 : f32
    %broadcast_in_dim3A_148 = vector.broadcast %jit3A_147 : f32 to vector<512x1024xf32>
    %select_n3A_149 = arith.select %eq3A_146, %broadcast_in_dim3A_148, %select_n3A_133 : vector<512x1024xi1>, vector<512x1024xf32>
    %reduce_min3A_150 = arith.constant dense<0x7F800000> : vector<512xf32>
    %reduce_min3A_151 = vector.multi_reduction <minimumf>, %select_n3A_149, %reduce_min3A_150 [1] : vector<512x1024xf32> to vector<512xf32>
    %broadcast_in_dim3A_152 = vector.shape_cast %reduce_min3A_151 : vector<512xf32> to vector<512x1xf32>
    %le3A_153 = vector.broadcast %broadcast_in_dim3A_152 : vector<512x1xf32> to vector<512x1024xf32>
    %le3A_154 = arith.cmpf ole, %select_n3A_149, %le3A_153 : vector<512x1024xf32>
    %jit3A_155 = arith.constant 1.024000e+03 : f32
    %broadcast_in_dim3A_156 = vector.broadcast %jit3A_155 : f32 to vector<512x1024xf32>
    %select_n3A_157 = arith.select %le3A_154, %convert_element_type3A, %broadcast_in_dim3A_156 : vector<512x1024xi1>, vector<512x1024xf32>
    %reduce_min3A_158 = arith.constant dense<0x7F800000> : vector<512xf32>
    %reduce_min3A_159 = vector.multi_reduction <minimumf>, %select_n3A_157, %reduce_min3A_158 [1] : vector<512x1024xf32> to vector<512xf32>
    %broadcast_in_dim3A_160 = vector.shape_cast %reduce_min3A_159 : vector<512xf32> to vector<512x1xf32>
    %eq3A_161 = vector.broadcast %broadcast_in_dim3A_160 : vector<512x1xf32> to vector<512x1024xf32>
    %eq3A_162 = arith.cmpf oeq, %convert_element_type3A, %eq3A_161 : vector<512x1024xf32>
    %jit3A_163 = arith.constant 3.000000e+38 : f32
    %broadcast_in_dim3A_164 = vector.broadcast %jit3A_163 : f32 to vector<512x1024xf32>
    %select_n3A_165 = arith.select %eq3A_162, %broadcast_in_dim3A_164, %select_n3A_149 : vector<512x1024xi1>, vector<512x1024xf32>
    %reduce_min3A_166 = arith.constant dense<0x7F800000> : vector<512xf32>
    %reduce_min3A_167 = vector.multi_reduction <minimumf>, %select_n3A_165, %reduce_min3A_166 [1] : vector<512x1024xf32> to vector<512xf32>
    %broadcast_in_dim3A_168 = vector.shape_cast %reduce_min3A_167 : vector<512xf32> to vector<512x1xf32>
    %le3A_169 = vector.broadcast %broadcast_in_dim3A_168 : vector<512x1xf32> to vector<512x1024xf32>
    %le3A_170 = arith.cmpf ole, %select_n3A_165, %le3A_169 : vector<512x1024xf32>
    %jit3A_171 = arith.constant 1.024000e+03 : f32
    %broadcast_in_dim3A_172 = vector.broadcast %jit3A_171 : f32 to vector<512x1024xf32>
    %select_n3A_173 = arith.select %le3A_170, %convert_element_type3A, %broadcast_in_dim3A_172 : vector<512x1024xi1>, vector<512x1024xf32>
    %reduce_min3A_174 = arith.constant dense<0x7F800000> : vector<512xf32>
    %reduce_min3A_175 = vector.multi_reduction <minimumf>, %select_n3A_173, %reduce_min3A_174 [1] : vector<512x1024xf32> to vector<512xf32>
    %broadcast_in_dim3A_176 = vector.shape_cast %reduce_min3A_175 : vector<512xf32> to vector<512x1xf32>
    %eq3A_177 = vector.broadcast %broadcast_in_dim3A_176 : vector<512x1xf32> to vector<512x1024xf32>
    %eq3A_178 = arith.cmpf oeq, %convert_element_type3A, %eq3A_177 : vector<512x1024xf32>
    %jit3A_179 = arith.constant 3.000000e+38 : f32
    %broadcast_in_dim3A_180 = vector.broadcast %jit3A_179 : f32 to vector<512x1024xf32>
    %select_n3A_181 = arith.select %eq3A_178, %broadcast_in_dim3A_180, %select_n3A_165 : vector<512x1024xi1>, vector<512x1024xf32>
    %reduce_min3A_182 = arith.constant dense<0x7F800000> : vector<512xf32>
    %reduce_min3A_183 = vector.multi_reduction <minimumf>, %select_n3A_181, %reduce_min3A_182 [1] : vector<512x1024xf32> to vector<512xf32>
    %broadcast_in_dim3A_184 = vector.shape_cast %reduce_min3A_183 : vector<512xf32> to vector<512x1xf32>
    %le3A_185 = vector.broadcast %broadcast_in_dim3A_184 : vector<512x1xf32> to vector<512x1024xf32>
    %le3A_186 = arith.cmpf ole, %select_n3A_181, %le3A_185 : vector<512x1024xf32>
    %jit3A_187 = arith.constant 1.024000e+03 : f32
    %broadcast_in_dim3A_188 = vector.broadcast %jit3A_187 : f32 to vector<512x1024xf32>
    %select_n3A_189 = arith.select %le3A_186, %convert_element_type3A, %broadcast_in_dim3A_188 : vector<512x1024xi1>, vector<512x1024xf32>
    %reduce_min3A_190 = arith.constant dense<0x7F800000> : vector<512xf32>
    %reduce_min3A_191 = vector.multi_reduction <minimumf>, %select_n3A_189, %reduce_min3A_190 [1] : vector<512x1024xf32> to vector<512xf32>
    %broadcast_in_dim3A_192 = vector.shape_cast %reduce_min3A_191 : vector<512xf32> to vector<512x1xf32>
    %eq3A_193 = vector.broadcast %broadcast_in_dim3A_192 : vector<512x1xf32> to vector<512x1024xf32>
    %eq3A_194 = arith.cmpf oeq, %convert_element_type3A, %eq3A_193 : vector<512x1024xf32>
    %jit3A_195 = arith.constant 3.000000e+38 : f32
    %broadcast_in_dim3A_196 = vector.broadcast %jit3A_195 : f32 to vector<512x1024xf32>
    %select_n3A_197 = arith.select %eq3A_194, %broadcast_in_dim3A_196, %select_n3A_181 : vector<512x1024xi1>, vector<512x1024xf32>
    %reduce_min3A_198 = arith.constant dense<0x7F800000> : vector<512xf32>
    %reduce_min3A_199 = vector.multi_reduction <minimumf>, %select_n3A_197, %reduce_min3A_198 [1] : vector<512x1024xf32> to vector<512xf32>
    %broadcast_in_dim3A_200 = vector.shape_cast %reduce_min3A_199 : vector<512xf32> to vector<512x1xf32>
    %le3A_201 = vector.broadcast %broadcast_in_dim3A_200 : vector<512x1xf32> to vector<512x1024xf32>
    %le3A_202 = arith.cmpf ole, %select_n3A_197, %le3A_201 : vector<512x1024xf32>
    %jit3A_203 = arith.constant 1.024000e+03 : f32
    %broadcast_in_dim3A_204 = vector.broadcast %jit3A_203 : f32 to vector<512x1024xf32>
    %select_n3A_205 = arith.select %le3A_202, %convert_element_type3A, %broadcast_in_dim3A_204 : vector<512x1024xi1>, vector<512x1024xf32>
    %reduce_min3A_206 = arith.constant dense<0x7F800000> : vector<512xf32>
    %reduce_min3A_207 = vector.multi_reduction <minimumf>, %select_n3A_205, %reduce_min3A_206 [1] : vector<512x1024xf32> to vector<512xf32>
    %broadcast_in_dim3A_208 = vector.shape_cast %reduce_min3A_207 : vector<512xf32> to vector<512x1xf32>
    %eq3A_209 = vector.broadcast %broadcast_in_dim3A_208 : vector<512x1xf32> to vector<512x1024xf32>
    %eq3A_210 = arith.cmpf oeq, %convert_element_type3A, %eq3A_209 : vector<512x1024xf32>
    %jit3A_211 = arith.constant 3.000000e+38 : f32
    %broadcast_in_dim3A_212 = vector.broadcast %jit3A_211 : f32 to vector<512x1024xf32>
    %select_n3A_213 = arith.select %eq3A_210, %broadcast_in_dim3A_212, %select_n3A_197 : vector<512x1024xi1>, vector<512x1024xf32>
    %reduce_min3A_214 = arith.constant dense<0x7F800000> : vector<512xf32>
    %reduce_min3A_215 = vector.multi_reduction <minimumf>, %select_n3A_213, %reduce_min3A_214 [1] : vector<512x1024xf32> to vector<512xf32>
    %broadcast_in_dim3A_216 = vector.shape_cast %reduce_min3A_215 : vector<512xf32> to vector<512x1xf32>
    %le3A_217 = vector.broadcast %broadcast_in_dim3A_216 : vector<512x1xf32> to vector<512x1024xf32>
    %le3A_218 = arith.cmpf ole, %select_n3A_213, %le3A_217 : vector<512x1024xf32>
    %jit3A_219 = arith.constant 1.024000e+03 : f32
    %broadcast_in_dim3A_220 = vector.broadcast %jit3A_219 : f32 to vector<512x1024xf32>
    %select_n3A_221 = arith.select %le3A_218, %convert_element_type3A, %broadcast_in_dim3A_220 : vector<512x1024xi1>, vector<512x1024xf32>
    %reduce_min3A_222 = arith.constant dense<0x7F800000> : vector<512xf32>
    %reduce_min3A_223 = vector.multi_reduction <minimumf>, %select_n3A_221, %reduce_min3A_222 [1] : vector<512x1024xf32> to vector<512xf32>
    %broadcast_in_dim3A_224 = vector.shape_cast %reduce_min3A_223 : vector<512xf32> to vector<512x1xf32>
    %eq3A_225 = vector.broadcast %broadcast_in_dim3A_224 : vector<512x1xf32> to vector<512x1024xf32>
    %eq3A_226 = arith.cmpf oeq, %convert_element_type3A, %eq3A_225 : vector<512x1024xf32>
    %jit3A_227 = arith.constant 3.000000e+38 : f32
    %broadcast_in_dim3A_228 = vector.broadcast %jit3A_227 : f32 to vector<512x1024xf32>
    %select_n3A_229 = arith.select %eq3A_226, %broadcast_in_dim3A_228, %select_n3A_213 : vector<512x1024xi1>, vector<512x1024xf32>
    %reduce_min3A_230 = arith.constant dense<0x7F800000> : vector<512xf32>
    %reduce_min3A_231 = vector.multi_reduction <minimumf>, %select_n3A_229, %reduce_min3A_230 [1] : vector<512x1024xf32> to vector<512xf32>
    %broadcast_in_dim3A_232 = vector.shape_cast %reduce_min3A_231 : vector<512xf32> to vector<512x1xf32>
    %le3A_233 = vector.broadcast %broadcast_in_dim3A_232 : vector<512x1xf32> to vector<512x1024xf32>
    %le3A_234 = arith.cmpf ole, %select_n3A_229, %le3A_233 : vector<512x1024xf32>
    %jit3A_235 = arith.constant 1.024000e+03 : f32
    %broadcast_in_dim3A_236 = vector.broadcast %jit3A_235 : f32 to vector<512x1024xf32>
    %select_n3A_237 = arith.select %le3A_234, %convert_element_type3A, %broadcast_in_dim3A_236 : vector<512x1024xi1>, vector<512x1024xf32>
    %reduce_min3A_238 = arith.constant dense<0x7F800000> : vector<512xf32>
    %reduce_min3A_239 = vector.multi_reduction <minimumf>, %select_n3A_237, %reduce_min3A_238 [1] : vector<512x1024xf32> to vector<512xf32>
    %broadcast_in_dim3A_240 = vector.shape_cast %reduce_min3A_239 : vector<512xf32> to vector<512x1xf32>
    %eq3A_241 = vector.broadcast %broadcast_in_dim3A_240 : vector<512x1xf32> to vector<512x1024xf32>
    %eq3A_242 = arith.cmpf oeq, %convert_element_type3A, %eq3A_241 : vector<512x1024xf32>
    %jit3A_243 = arith.constant 3.000000e+38 : f32
    %broadcast_in_dim3A_244 = vector.broadcast %jit3A_243 : f32 to vector<512x1024xf32>
    %select_n3A_245 = arith.select %eq3A_242, %broadcast_in_dim3A_244, %select_n3A_229 : vector<512x1024xi1>, vector<512x1024xf32>
    %reduce_min3A_246 = arith.constant dense<0x7F800000> : vector<512xf32>
    %reduce_min3A_247 = vector.multi_reduction <minimumf>, %select_n3A_245, %reduce_min3A_246 [1] : vector<512x1024xf32> to vector<512xf32>
    %broadcast_in_dim3A_248 = vector.shape_cast %reduce_min3A_247 : vector<512xf32> to vector<512x1xf32>
    %le3A_249 = vector.broadcast %broadcast_in_dim3A_248 : vector<512x1xf32> to vector<512x1024xf32>
    %le3A_250 = arith.cmpf ole, %select_n3A_245, %le3A_249 : vector<512x1024xf32>
    %jit3A_251 = arith.constant 1.024000e+03 : f32
    %broadcast_in_dim3A_252 = vector.broadcast %jit3A_251 : f32 to vector<512x1024xf32>
    %select_n3A_253 = arith.select %le3A_250, %convert_element_type3A, %broadcast_in_dim3A_252 : vector<512x1024xi1>, vector<512x1024xf32>
    %reduce_min3A_254 = arith.constant dense<0x7F800000> : vector<512xf32>
    %reduce_min3A_255 = vector.multi_reduction <minimumf>, %select_n3A_253, %reduce_min3A_254 [1] : vector<512x1024xf32> to vector<512xf32>
    %broadcast_in_dim3A_256 = vector.shape_cast %reduce_min3A_255 : vector<512xf32> to vector<512x1xf32>
    %eq3A_257 = vector.broadcast %broadcast_in_dim3A_256 : vector<512x1xf32> to vector<512x1024xf32>
    %eq3A_258 = arith.cmpf oeq, %convert_element_type3A, %eq3A_257 : vector<512x1024xf32>
    %jit3A_259 = arith.constant 3.000000e+38 : f32
    %broadcast_in_dim3A_260 = vector.broadcast %jit3A_259 : f32 to vector<512x1024xf32>
    %select_n3A_261 = arith.select %eq3A_258, %broadcast_in_dim3A_260, %select_n3A_245 : vector<512x1024xi1>, vector<512x1024xf32>
    %reduce_min3A_262 = arith.constant dense<0x7F800000> : vector<512xf32>
    %reduce_min3A_263 = vector.multi_reduction <minimumf>, %select_n3A_261, %reduce_min3A_262 [1] : vector<512x1024xf32> to vector<512xf32>
    %broadcast_in_dim3A_264 = vector.shape_cast %reduce_min3A_263 : vector<512xf32> to vector<512x1xf32>
    %le3A_265 = vector.broadcast %broadcast_in_dim3A_264 : vector<512x1xf32> to vector<512x1024xf32>
    %le3A_266 = arith.cmpf ole, %select_n3A_261, %le3A_265 : vector<512x1024xf32>
    %jit3A_267 = arith.constant 1.024000e+03 : f32
    %broadcast_in_dim3A_268 = vector.broadcast %jit3A_267 : f32 to vector<512x1024xf32>
    %select_n3A_269 = arith.select %le3A_266, %convert_element_type3A, %broadcast_in_dim3A_268 : vector<512x1024xi1>, vector<512x1024xf32>
    %reduce_min3A_270 = arith.constant dense<0x7F800000> : vector<512xf32>
    %reduce_min3A_271 = vector.multi_reduction <minimumf>, %select_n3A_269, %reduce_min3A_270 [1] : vector<512x1024xf32> to vector<512xf32>
    %broadcast_in_dim3A_272 = vector.shape_cast %reduce_min3A_271 : vector<512xf32> to vector<512x1xf32>
    %eq3A_273 = vector.broadcast %broadcast_in_dim3A_272 : vector<512x1xf32> to vector<512x1024xf32>
    %eq3A_274 = arith.cmpf oeq, %convert_element_type3A, %eq3A_273 : vector<512x1024xf32>
    %jit3A_275 = arith.constant 3.000000e+38 : f32
    %broadcast_in_dim3A_276 = vector.broadcast %jit3A_275 : f32 to vector<512x1024xf32>
    %select_n3A_277 = arith.select %eq3A_274, %broadcast_in_dim3A_276, %select_n3A_261 : vector<512x1024xi1>, vector<512x1024xf32>
    %reduce_min3A_278 = arith.constant dense<0x7F800000> : vector<512xf32>
    %reduce_min3A_279 = vector.multi_reduction <minimumf>, %select_n3A_277, %reduce_min3A_278 [1] : vector<512x1024xf32> to vector<512xf32>
    %broadcast_in_dim3A_280 = vector.shape_cast %reduce_min3A_279 : vector<512xf32> to vector<512x1xf32>
    %le3A_281 = vector.broadcast %broadcast_in_dim3A_280 : vector<512x1xf32> to vector<512x1024xf32>
    %le3A_282 = arith.cmpf ole, %select_n3A_277, %le3A_281 : vector<512x1024xf32>
    %jit3A_283 = arith.constant 1.024000e+03 : f32
    %broadcast_in_dim3A_284 = vector.broadcast %jit3A_283 : f32 to vector<512x1024xf32>
    %select_n3A_285 = arith.select %le3A_282, %convert_element_type3A, %broadcast_in_dim3A_284 : vector<512x1024xi1>, vector<512x1024xf32>
    %reduce_min3A_286 = arith.constant dense<0x7F800000> : vector<512xf32>
    %reduce_min3A_287 = vector.multi_reduction <minimumf>, %select_n3A_285, %reduce_min3A_286 [1] : vector<512x1024xf32> to vector<512xf32>
    %broadcast_in_dim3A_288 = vector.shape_cast %reduce_min3A_287 : vector<512xf32> to vector<512x1xf32>
    %concatenate3A_289 = tpu.concatenate %broadcast_in_dim3A_49, %broadcast_in_dim3A_64, %broadcast_in_dim3A_80, %broadcast_in_dim3A_96, %broadcast_in_dim3A_112, %broadcast_in_dim3A_128, %broadcast_in_dim3A_144, %broadcast_in_dim3A_160, %broadcast_in_dim3A_176, %broadcast_in_dim3A_192, %broadcast_in_dim3A_208, %broadcast_in_dim3A_224, %broadcast_in_dim3A_240, %broadcast_in_dim3A_256, %broadcast_in_dim3A_272, %broadcast_in_dim3A_288 in 1 : vector<512x1xf32>, vector<512x1xf32>, vector<512x1xf32>, vector<512x1xf32>, vector<512x1xf32>, vector<512x1xf32>, vector<512x1xf32>, vector<512x1xf32>, vector<512x1xf32>, vector<512x1xf32>, vector<512x1xf32>, vector<512x1xf32>, vector<512x1xf32>, vector<512x1xf32>, vector<512x1xf32>, vector<512x1xf32> -> vector<512x16xf32>
    %convert_element_type3A_290 = arith.fptosi %concatenate3A_289 : vector<512x16xf32> to vector<512x16xi32>
    %swap3A_291 = arith.constant 0 : index
    %swap3A_292 = arith.constant 0 : index
    %swap3A_293 = vector.load %arg8[%swap3A_291, %swap3A_292] : memref<512x16xi32, #tpu.memory_space<vmem>>, vector<512x16xi32>
    tpu.vector_store %arg8[%swap3A_291, %swap3A_292], %convert_element_type3A_290 {strides = array<i32>} : memref<512x16xi32, #tpu.memory_space<vmem>>, vector<512x16xi32>,
    return
  }
  func.func @transform_0(%arg0: i32) -> (i32, i32) {
    %add3A = arith.constant 0 : i32
    %add3A_0 = arith.addi %add3A, %arg0 : i32
    %c0_i32 = arith.constant 0 : i32
    %c0_i32_1 = arith.constant 0 : i32
    return %add3A_0, %c0_i32 : i32, i32
  }
  func.func @transform_1(%arg0: i32) -> (i32, i32) {
    %c0_i32 = arith.constant 0 : i32
    %c0_i32_0 = arith.constant 0 : i32
    %c0_i32_1 = arith.constant 0 : i32
    return %c0_i32, %c0_i32_0 : i32, i32
  }
  func.func @transform_2(%arg0: i32) -> (i32, i32) {
    %c0_i32 = arith.constant 0 : i32
    %c0_i32_0 = arith.constant 0 : i32
    %c0_i32_1 = arith.constant 0 : i32
    return %c0_i32, %c0_i32_0 : i32, i32
  }
  func.func @transform_3(%arg0: i32) -> (i32, i32) {
    %c0_i32 = arith.constant 0 : i32
    %c0_i32_0 = arith.constant 0 : i32
    %c0_i32_1 = arith.constant 0 : i32
    return %c0_i32, %c0_i32_0 : i32, i32
  }
  func.func @transform_4(%arg0: i32) -> (i32, i32) {
    %c0_i32 = arith.constant 0 : i32
    %c0_i32_0 = arith.constant 0 : i32
    %c0_i32_1 = arith.constant 0 : i32
    return %c0_i32, %c0_i32_0 : i32, i32
  }
  func.func @transform_5(%arg0: i32) -> (i32, i32) {
    %c0_i32 = arith.constant 0 : i32
    %c0_i32_0 = arith.constant 0 : i32
    %c0_i32_1 = arith.constant 0 : i32
    return %c0_i32, %c0_i32_0 : i32, i32
  }
  func.func @transform_6(%arg0: i32) -> (i32, i32) {
    %c0_i32 = arith.constant 0 : i32
    %c0_i32_0 = arith.constant 0 : i32
    return %arg0, %c0_i32 : i32, i32
  }
  func.func @transform_7(%arg0: i32) -> (i32, i32) {
    %c0_i32 = arith.constant 0 : i32
    %c0_i32_0 = arith.constant 0 : i32
    return %arg0, %c0_i32 : i32, i32
  }
}

module attributes {stable_mosaic.version = 14 : i64} {
  func.func @_topk_body(%arg0: i32, %arg1: memref<512x64xf32, #tpu.memory_space<vmem>>, %arg2: memref<1024x64xf32, #tpu.memory_space<vmem>>, %arg3: memref<64x128xf32, #tpu.memory_space<vmem>>, %arg4: memref<1x128xf32, #tpu.memory_space<vmem>>, %arg5: memref<128x128xf32, #tpu.memory_space<vmem>>, %arg6: memref<1x128xf32, #tpu.memory_space<vmem>>, %arg7: memref<512x256xf32, #tpu.memory_space<vmem>>, %arg8: memref<512x16xi32, #tpu.memory_space<vmem>>) attributes {dimension_semantics = [#tpu.dimension_semantics<arbitrary>], iteration_bounds = array<i64: 2>, scalar_prefetch = 0 : i64, scratch_operands = 0 : i64, tpu.core_type = #tpu.core_type<tc>, window_params = [{transform_indices = @transform_0, window_bounds = array<i64: 512, 64>}, {transform_indices = @transform_1, window_bounds = array<i64: 1024, 64>}, {pipeline_mode = #tpu.pipeline_mode<synchronous>, transform_indices = @transform_2, window_bounds = array<i64: 64, 128>}, {pipeline_mode = #tpu.pipeline_mode<synchronous>, transform_indices = @transform_3, window_bounds = array<i64: 1, 128>}, {pipeline_mode = #tpu.pipeline_mode<synchronous>, transform_indices = @transform_4, window_bounds = array<i64: 128, 128>}, {pipeline_mode = #tpu.pipeline_mode<synchronous>, transform_indices = @transform_5, window_bounds = array<i64: 1, 128>}, {transform_indices = @transform_6, window_bounds = array<i64: 512, 256>}, {transform_indices = @transform_7, window_bounds = array<i64: 512, 16>}]} {
    %get3A = arith.constant 0 : index
    %get3A_0 = arith.constant 0 : index
    %get3A_1 = vector.load %arg1[%get3A, %get3A_0] : memref<512x64xf32, #tpu.memory_space<vmem>>, vector<512x64xf32>
    %get3A_2 = arith.constant 0 : index
    %get3A_3 = arith.constant 0 : index
    %get3A_4 = vector.load %arg2[%get3A_2, %get3A_3] : memref<1024x64xf32, #tpu.memory_space<vmem>>, vector<1024x64xf32>
    %get3A_5 = arith.constant 0 : index
    %get3A_6 = arith.constant 0 : index
    %get3A_7 = vector.load %arg3[%get3A_5, %get3A_6] : memref<64x128xf32, #tpu.memory_space<vmem>>, vector<64x128xf32>
    %dot_general3A = arith.constant dense<0.000000e+00> : vector<512x128xf32>
    %dot_general3A_8 = tpu.matmul %get3A_1, %get3A_7, %dot_general3A {dimension_numbers = #tpu.dot_dimension_numbers<[1], [0], [0], [1], [0, 0, 1, 1], [], []>, transpose_lhs_hint = false} : vector<512x64xf32>, vector<64x128xf32>, vector<512x128xf32> -> vector<512x128xf32>
    %get3A_9 = arith.constant 0 : index
    %get3A_10 = arith.constant 0 : index
    %get3A_11 = vector.load %arg4[%get3A_9, %get3A_10] : memref<1x128xf32, #tpu.memory_space<vmem>>, vector<1x128xf32>
    %add3A = vector.broadcast %get3A_11 : vector<1x128xf32> to vector<512x128xf32>
    %add3A_12 = arith.addf %dot_general3A_8, %add3A : vector<512x128xf32>
    %max3A = arith.constant 0.000000e+00 : f32
    %max3A_13 = vector.broadcast %max3A : f32 to vector<512x128xf32>
    %max3A_14 = arith.maximumf %add3A_12, %max3A_13 : vector<512x128xf32>
    %get3A_15 = arith.constant 0 : index
    %get3A_16 = arith.constant 0 : index
    %get3A_17 = vector.load %arg5[%get3A_15, %get3A_16] : memref<128x128xf32, #tpu.memory_space<vmem>>, vector<128x128xf32>
    %dot_general3A_18 = arith.constant dense<0.000000e+00> : vector<512x128xf32>
    %dot_general3A_19 = tpu.matmul %max3A_14, %get3A_17, %dot_general3A_18 {dimension_numbers = #tpu.dot_dimension_numbers<[1], [0], [0], [1], [0, 0, 1, 1], [], []>, transpose_lhs_hint = false} : vector<512x128xf32>, vector<128x128xf32>, vector<512x128xf32> -> vector<512x128xf32>
    %get3A_20 = arith.constant 0 : index
    %get3A_21 = arith.constant 0 : index
    %get3A_22 = vector.load %arg6[%get3A_20, %get3A_21] : memref<1x128xf32, #tpu.memory_space<vmem>>, vector<1x128xf32>
    %add3A_23 = vector.broadcast %get3A_22 : vector<1x128xf32> to vector<512x128xf32>
    %add3A_24 = arith.addf %dot_general3A_19, %add3A_23 : vector<512x128xf32>
    %broadcast_in_dim3A = arith.constant 0.000000e+00 : f32
    %broadcast_in_dim3A_25 = vector.broadcast %broadcast_in_dim3A : f32 to vector<512x64xf32>
    %concatenate3A = tpu.concatenate %get3A_1, %broadcast_in_dim3A_25, %add3A_24 in 1 : vector<512x64xf32>, vector<512x64xf32>, vector<512x128xf32> -> vector<512x256xf32>
    %swap3A = arith.constant 0 : index
    %swap3A_26 = arith.constant 0 : index
    %swap3A_27 = vector.load %arg7[%swap3A, %swap3A_26] : memref<512x256xf32, #tpu.memory_space<vmem>>, vector<512x256xf32>
    tpu.vector_store %arg7[%swap3A, %swap3A_26], %concatenate3A {strides = array<i32>} : memref<512x256xf32, #tpu.memory_space<vmem>>, vector<512x256xf32>,
    %dot_general3A_28 = arith.constant dense<0.000000e+00> : vector<512x1024xf32>
    %dot_general3A_29 = tpu.matmul %get3A_1, %get3A_4, %dot_general3A_28 {dimension_numbers = #tpu.dot_dimension_numbers<[1], [1], [0], [0], [0, 0, 1, 0], [], []>, transpose_lhs_hint = false} : vector<512x64xf32>, vector<1024x64xf32>, vector<512x1024xf32> -> vector<512x1024xf32>
    %mul3A = arith.constant -2.000000e+00 : f32
    %mul3A_30 = vector.broadcast %mul3A : f32 to vector<512x1024xf32>
    %mul3A_31 = arith.mulf %mul3A_30, %dot_general3A_29 : vector<512x1024xf32>
    %mul3A_32 = arith.mulf %get3A_1, %get3A_1 : vector<512x64xf32>
    %reduce_sum3A = arith.constant dense<0.000000e+00> : vector<512xf32>
    %reduce_sum3A_33 = vector.multi_reduction <add>, %mul3A_32, %reduce_sum3A [1] : vector<512x64xf32> to vector<512xf32>
    %broadcast_in_dim3A_34 = vector.shape_cast %reduce_sum3A_33 : vector<512xf32> to vector<512x1xf32>
    %add3A_35 = vector.broadcast %broadcast_in_dim3A_34 : vector<512x1xf32> to vector<512x1024xf32>
    %add3A_36 = arith.addf %mul3A_31, %add3A_35 : vector<512x1024xf32>
    %mul3A_37 = arith.mulf %get3A_4, %get3A_4 : vector<1024x64xf32>
    %reduce_sum3A_38 = arith.constant dense<0.000000e+00> : vector<1024xf32>
    %reduce_sum3A_39 = vector.multi_reduction <add>, %mul3A_37, %reduce_sum3A_38 [1] : vector<1024x64xf32> to vector<1024xf32>
    %broadcast_in_dim3A_40 = vector.shape_cast %reduce_sum3A_39 : vector<1024xf32> to vector<1x1024xf32>
    %add3A_41 = vector.broadcast %broadcast_in_dim3A_40 : vector<1x1024xf32> to vector<512x1024xf32>
    %add3A_42 = arith.addf %add3A_36, %add3A_41 : vector<512x1024xf32>
    %iota3A = tpu.iota {dimensions = array<i32: 1>} : vector<512x1024xi32>
    %convert_element_type3A = arith.sitofp %iota3A : vector<512x1024xi32> to vector<512x1024xf32>
    %reduce_min3A = arith.constant dense<0x7F800000> : vector<512xf32>
    %reduce_min3A_43 = vector.multi_reduction <minimumf>, %add3A_42, %reduce_min3A [1] : vector<512x1024xf32> to vector<512xf32>
    %broadcast_in_dim3A_44 = vector.shape_cast %reduce_min3A_43 : vector<512xf32> to vector<512x1xf32>
    %le3A = vector.broadcast %broadcast_in_dim3A_44 : vector<512x1xf32> to vector<512x1024xf32>
    %le3A_45 = arith.cmpf ole, %add3A_42, %le3A : vector<512x1024xf32>
    %jit3A = arith.constant 1.024000e+03 : f32
    %broadcast_in_dim3A_46 = vector.broadcast %jit3A : f32 to vector<512x1024xf32>
    %select_n3A = arith.select %le3A_45, %convert_element_type3A, %broadcast_in_dim3A_46 : vector<512x1024xi1>, vector<512x1024xf32>
    %reduce_min3A_47 = arith.constant dense<0x7F800000> : vector<512xf32>
    %reduce_min3A_48 = vector.multi_reduction <minimumf>, %select_n3A, %reduce_min3A_47 [1] : vector<512x1024xf32> to vector<512xf32>
    %broadcast_in_dim3A_49 = vector.shape_cast %reduce_min3A_48 : vector<512xf32> to vector<512x1xf32>
    %eq3A = vector.broadcast %broadcast_in_dim3A_49 : vector<512x1xf32> to vector<512x1024xf32>
    %eq3A_50 = arith.cmpf oeq, %convert_element_type3A, %eq3A : vector<512x1024xf32>
    %jit3A_51 = arith.constant 3.000000e+38 : f32
    %broadcast_in_dim3A_52 = vector.broadcast %jit3A_51 : f32 to vector<512x1024xf32>
    %select_n3A_53 = arith.select %eq3A_50, %broadcast_in_dim3A_52, %add3A_42 : vector<512x1024xi1>, vector<512x1024xf32>
    %reduce_min3A_54 = arith.constant dense<0x7F800000> : vector<512xf32>
    %reduce_min3A_55 = vector.multi_reduction <minimumf>, %select_n3A_53, %reduce_min3A_54 [1] : vector<512x1024xf32> to vector<512xf32>
    %broadcast_in_dim3A_56 = vector.shape_cast %reduce_min3A_55 : vector<512xf32> to vector<512x1xf32>
    %le3A_57 = vector.broadcast %broadcast_in_dim3A_56 : vector<512x1xf32> to vector<512x1024xf32>
    %le3A_58 = arith.cmpf ole, %select_n3A_53, %le3A_57 : vector<512x1024xf32>
    %jit3A_59 = arith.constant 1.024000e+03 : f32
    %broadcast_in_dim3A_60 = vector.broadcast %jit3A_59 : f32 to vector<512x1024xf32>
    %select_n3A_61 = arith.select %le3A_58, %convert_element_type3A, %broadcast_in_dim3A_60 : vector<512x1024xi1>, vector<512x1024xf32>
    %reduce_min3A_62 = arith.constant dense<0x7F800000> : vector<512xf32>
    %reduce_min3A_63 = vector.multi_reduction <minimumf>, %select_n3A_61, %reduce_min3A_62 [1] : vector<512x1024xf32> to vector<512xf32>
    %broadcast_in_dim3A_64 = vector.shape_cast %reduce_min3A_63 : vector<512xf32> to vector<512x1xf32>
    %eq3A_65 = vector.broadcast %broadcast_in_dim3A_64 : vector<512x1xf32> to vector<512x1024xf32>
    %eq3A_66 = arith.cmpf oeq, %convert_element_type3A, %eq3A_65 : vector<512x1024xf32>
    %jit3A_67 = arith.constant 3.000000e+38 : f32
    %broadcast_in_dim3A_68 = vector.broadcast %jit3A_67 : f32 to vector<512x1024xf32>
    %select_n3A_69 = arith.select %eq3A_66, %broadcast_in_dim3A_68, %select_n3A_53 : vector<512x1024xi1>, vector<512x1024xf32>
    %reduce_min3A_70 = arith.constant dense<0x7F800000> : vector<512xf32>
    %reduce_min3A_71 = vector.multi_reduction <minimumf>, %select_n3A_69, %reduce_min3A_70 [1] : vector<512x1024xf32> to vector<512xf32>
    %broadcast_in_dim3A_72 = vector.shape_cast %reduce_min3A_71 : vector<512xf32> to vector<512x1xf32>
    %le3A_73 = vector.broadcast %broadcast_in_dim3A_72 : vector<512x1xf32> to vector<512x1024xf32>
    %le3A_74 = arith.cmpf ole, %select_n3A_69, %le3A_73 : vector<512x1024xf32>
    %jit3A_75 = arith.constant 1.024000e+03 : f32
    %broadcast_in_dim3A_76 = vector.broadcast %jit3A_75 : f32 to vector<512x1024xf32>
    %select_n3A_77 = arith.select %le3A_74, %convert_element_type3A, %broadcast_in_dim3A_76 : vector<512x1024xi1>, vector<512x1024xf32>
    %reduce_min3A_78 = arith.constant dense<0x7F800000> : vector<512xf32>
    %reduce_min3A_79 = vector.multi_reduction <minimumf>, %select_n3A_77, %reduce_min3A_78 [1] : vector<512x1024xf32> to vector<512xf32>
    %broadcast_in_dim3A_80 = vector.shape_cast %reduce_min3A_79 : vector<512xf32> to vector<512x1xf32>
    %eq3A_81 = vector.broadcast %broadcast_in_dim3A_80 : vector<512x1xf32> to vector<512x1024xf32>
    %eq3A_82 = arith.cmpf oeq, %convert_element_type3A, %eq3A_81 : vector<512x1024xf32>
    %jit3A_83 = arith.constant 3.000000e+38 : f32
    %broadcast_in_dim3A_84 = vector.broadcast %jit3A_83 : f32 to vector<512x1024xf32>
    %select_n3A_85 = arith.select %eq3A_82, %broadcast_in_dim3A_84, %select_n3A_69 : vector<512x1024xi1>, vector<512x1024xf32>
    %reduce_min3A_86 = arith.constant dense<0x7F800000> : vector<512xf32>
    %reduce_min3A_87 = vector.multi_reduction <minimumf>, %select_n3A_85, %reduce_min3A_86 [1] : vector<512x1024xf32> to vector<512xf32>
    %broadcast_in_dim3A_88 = vector.shape_cast %reduce_min3A_87 : vector<512xf32> to vector<512x1xf32>
    %le3A_89 = vector.broadcast %broadcast_in_dim3A_88 : vector<512x1xf32> to vector<512x1024xf32>
    %le3A_90 = arith.cmpf ole, %select_n3A_85, %le3A_89 : vector<512x1024xf32>
    %jit3A_91 = arith.constant 1.024000e+03 : f32
    %broadcast_in_dim3A_92 = vector.broadcast %jit3A_91 : f32 to vector<512x1024xf32>
    %select_n3A_93 = arith.select %le3A_90, %convert_element_type3A, %broadcast_in_dim3A_92 : vector<512x1024xi1>, vector<512x1024xf32>
    %reduce_min3A_94 = arith.constant dense<0x7F800000> : vector<512xf32>
    %reduce_min3A_95 = vector.multi_reduction <minimumf>, %select_n3A_93, %reduce_min3A_94 [1] : vector<512x1024xf32> to vector<512xf32>
    %broadcast_in_dim3A_96 = vector.shape_cast %reduce_min3A_95 : vector<512xf32> to vector<512x1xf32>
    %eq3A_97 = vector.broadcast %broadcast_in_dim3A_96 : vector<512x1xf32> to vector<512x1024xf32>
    %eq3A_98 = arith.cmpf oeq, %convert_element_type3A, %eq3A_97 : vector<512x1024xf32>
    %jit3A_99 = arith.constant 3.000000e+38 : f32
    %broadcast_in_dim3A_100 = vector.broadcast %jit3A_99 : f32 to vector<512x1024xf32>
    %select_n3A_101 = arith.select %eq3A_98, %broadcast_in_dim3A_100, %select_n3A_85 : vector<512x1024xi1>, vector<512x1024xf32>
    %reduce_min3A_102 = arith.constant dense<0x7F800000> : vector<512xf32>
    %reduce_min3A_103 = vector.multi_reduction <minimumf>, %select_n3A_101, %reduce_min3A_102 [1] : vector<512x1024xf32> to vector<512xf32>
    %broadcast_in_dim3A_104 = vector.shape_cast %reduce_min3A_103 : vector<512xf32> to vector<512x1xf32>
    %le3A_105 = vector.broadcast %broadcast_in_dim3A_104 : vector<512x1xf32> to vector<512x1024xf32>
    %le3A_106 = arith.cmpf ole, %select_n3A_101, %le3A_105 : vector<512x1024xf32>
    %jit3A_107 = arith.constant 1.024000e+03 : f32
    %broadcast_in_dim3A_108 = vector.broadcast %jit3A_107 : f32 to vector<512x1024xf32>
    %select_n3A_109 = arith.select %le3A_106, %convert_element_type3A, %broadcast_in_dim3A_108 : vector<512x1024xi1>, vector<512x1024xf32>
    %reduce_min3A_110 = arith.constant dense<0x7F800000> : vector<512xf32>
    %reduce_min3A_111 = vector.multi_reduction <minimumf>, %select_n3A_109, %reduce_min3A_110 [1] : vector<512x1024xf32> to vector<512xf32>
    %broadcast_in_dim3A_112 = vector.shape_cast %reduce_min3A_111 : vector<512xf32> to vector<512x1xf32>
    %eq3A_113 = vector.broadcast %broadcast_in_dim3A_112 : vector<512x1xf32> to vector<512x1024xf32>
    %eq3A_114 = arith.cmpf oeq, %convert_element_type3A, %eq3A_113 : vector<512x1024xf32>
    %jit3A_115 = arith.constant 3.000000e+38 : f32
    %broadcast_in_dim3A_116 = vector.broadcast %jit3A_115 : f32 to vector<512x1024xf32>
    %select_n3A_117 = arith.select %eq3A_114, %broadcast_in_dim3A_116, %select_n3A_101 : vector<512x1024xi1>, vector<512x1024xf32>
    %reduce_min3A_118 = arith.constant dense<0x7F800000> : vector<512xf32>
    %reduce_min3A_119 = vector.multi_reduction <minimumf>, %select_n3A_117, %reduce_min3A_118 [1] : vector<512x1024xf32> to vector<512xf32>
    %broadcast_in_dim3A_120 = vector.shape_cast %reduce_min3A_119 : vector<512xf32> to vector<512x1xf32>
    %le3A_121 = vector.broadcast %broadcast_in_dim3A_120 : vector<512x1xf32> to vector<512x1024xf32>
    %le3A_122 = arith.cmpf ole, %select_n3A_117, %le3A_121 : vector<512x1024xf32>
    %jit3A_123 = arith.constant 1.024000e+03 : f32
    %broadcast_in_dim3A_124 = vector.broadcast %jit3A_123 : f32 to vector<512x1024xf32>
    %select_n3A_125 = arith.select %le3A_122, %convert_element_type3A, %broadcast_in_dim3A_124 : vector<512x1024xi1>, vector<512x1024xf32>
    %reduce_min3A_126 = arith.constant dense<0x7F800000> : vector<512xf32>
    %reduce_min3A_127 = vector.multi_reduction <minimumf>, %select_n3A_125, %reduce_min3A_126 [1] : vector<512x1024xf32> to vector<512xf32>
    %broadcast_in_dim3A_128 = vector.shape_cast %reduce_min3A_127 : vector<512xf32> to vector<512x1xf32>
    %eq3A_129 = vector.broadcast %broadcast_in_dim3A_128 : vector<512x1xf32> to vector<512x1024xf32>
    %eq3A_130 = arith.cmpf oeq, %convert_element_type3A, %eq3A_129 : vector<512x1024xf32>
    %jit3A_131 = arith.constant 3.000000e+38 : f32
    %broadcast_in_dim3A_132 = vector.broadcast %jit3A_131 : f32 to vector<512x1024xf32>
    %select_n3A_133 = arith.select %eq3A_130, %broadcast_in_dim3A_132, %select_n3A_117 : vector<512x1024xi1>, vector<512x1024xf32>
    %reduce_min3A_134 = arith.constant dense<0x7F800000> : vector<512xf32>
    %reduce_min3A_135 = vector.multi_reduction <minimumf>, %select_n3A_133, %reduce_min3A_134 [1] : vector<512x1024xf32> to vector<512xf32>
    %broadcast_in_dim3A_136 = vector.shape_cast %reduce_min3A_135 : vector<512xf32> to vector<512x1xf32>
    %le3A_137 = vector.broadcast %broadcast_in_dim3A_136 : vector<512x1xf32> to vector<512x1024xf32>
    %le3A_138 = arith.cmpf ole, %select_n3A_133, %le3A_137 : vector<512x1024xf32>
    %jit3A_139 = arith.constant 1.024000e+03 : f32
    %broadcast_in_dim3A_140 = vector.broadcast %jit3A_139 : f32 to vector<512x1024xf32>
    %select_n3A_141 = arith.select %le3A_138, %convert_element_type3A, %broadcast_in_dim3A_140 : vector<512x1024xi1>, vector<512x1024xf32>
    %reduce_min3A_142 = arith.constant dense<0x7F800000> : vector<512xf32>
    %reduce_min3A_143 = vector.multi_reduction <minimumf>, %select_n3A_141, %reduce_min3A_142 [1] : vector<512x1024xf32> to vector<512xf32>
    %broadcast_in_dim3A_144 = vector.shape_cast %reduce_min3A_143 : vector<512xf32> to vector<512x1xf32>
    %eq3A_145 = vector.broadcast %broadcast_in_dim3A_144 : vector<512x1xf32> to vector<512x1024xf32>
    %eq3A_146 = arith.cmpf oeq, %convert_element_type3A, %eq3A_145 : vector<512x1024xf32>
    %jit3A_147 = arith.constant 3.000000e+38 : f32
    %broadcast_in_dim3A_148 = vector.broadcast %jit3A_147 : f32 to vector<512x1024xf32>
    %select_n3A_149 = arith.select %eq3A_146, %broadcast_in_dim3A_148, %select_n3A_133 : vector<512x1024xi1>, vector<512x1024xf32>
    %reduce_min3A_150 = arith.constant dense<0x7F800000> : vector<512xf32>
    %reduce_min3A_151 = vector.multi_reduction <minimumf>, %select_n3A_149, %reduce_min3A_150 [1] : vector<512x1024xf32> to vector<512xf32>
    %broadcast_in_dim3A_152 = vector.shape_cast %reduce_min3A_151 : vector<512xf32> to vector<512x1xf32>
    %le3A_153 = vector.broadcast %broadcast_in_dim3A_152 : vector<512x1xf32> to vector<512x1024xf32>
    %le3A_154 = arith.cmpf ole, %select_n3A_149, %le3A_153 : vector<512x1024xf32>
    %jit3A_155 = arith.constant 1.024000e+03 : f32
    %broadcast_in_dim3A_156 = vector.broadcast %jit3A_155 : f32 to vector<512x1024xf32>
    %select_n3A_157 = arith.select %le3A_154, %convert_element_type3A, %broadcast_in_dim3A_156 : vector<512x1024xi1>, vector<512x1024xf32>
    %reduce_min3A_158 = arith.constant dense<0x7F800000> : vector<512xf32>
    %reduce_min3A_159 = vector.multi_reduction <minimumf>, %select_n3A_157, %reduce_min3A_158 [1] : vector<512x1024xf32> to vector<512xf32>
    %broadcast_in_dim3A_160 = vector.shape_cast %reduce_min3A_159 : vector<512xf32> to vector<512x1xf32>
    %eq3A_161 = vector.broadcast %broadcast_in_dim3A_160 : vector<512x1xf32> to vector<512x1024xf32>
    %eq3A_162 = arith.cmpf oeq, %convert_element_type3A, %eq3A_161 : vector<512x1024xf32>
    %jit3A_163 = arith.constant 3.000000e+38 : f32
    %broadcast_in_dim3A_164 = vector.broadcast %jit3A_163 : f32 to vector<512x1024xf32>
    %select_n3A_165 = arith.select %eq3A_162, %broadcast_in_dim3A_164, %select_n3A_149 : vector<512x1024xi1>, vector<512x1024xf32>
    %reduce_min3A_166 = arith.constant dense<0x7F800000> : vector<512xf32>
    %reduce_min3A_167 = vector.multi_reduction <minimumf>, %select_n3A_165, %reduce_min3A_166 [1] : vector<512x1024xf32> to vector<512xf32>
    %broadcast_in_dim3A_168 = vector.shape_cast %reduce_min3A_167 : vector<512xf32> to vector<512x1xf32>
    %le3A_169 = vector.broadcast %broadcast_in_dim3A_168 : vector<512x1xf32> to vector<512x1024xf32>
    %le3A_170 = arith.cmpf ole, %select_n3A_165, %le3A_169 : vector<512x1024xf32>
    %jit3A_171 = arith.constant 1.024000e+03 : f32
    %broadcast_in_dim3A_172 = vector.broadcast %jit3A_171 : f32 to vector<512x1024xf32>
    %select_n3A_173 = arith.select %le3A_170, %convert_element_type3A, %broadcast_in_dim3A_172 : vector<512x1024xi1>, vector<512x1024xf32>
    %reduce_min3A_174 = arith.constant dense<0x7F800000> : vector<512xf32>
    %reduce_min3A_175 = vector.multi_reduction <minimumf>, %select_n3A_173, %reduce_min3A_174 [1] : vector<512x1024xf32> to vector<512xf32>
    %broadcast_in_dim3A_176 = vector.shape_cast %reduce_min3A_175 : vector<512xf32> to vector<512x1xf32>
    %eq3A_177 = vector.broadcast %broadcast_in_dim3A_176 : vector<512x1xf32> to vector<512x1024xf32>
    %eq3A_178 = arith.cmpf oeq, %convert_element_type3A, %eq3A_177 : vector<512x1024xf32>
    %jit3A_179 = arith.constant 3.000000e+38 : f32
    %broadcast_in_dim3A_180 = vector.broadcast %jit3A_179 : f32 to vector<512x1024xf32>
    %select_n3A_181 = arith.select %eq3A_178, %broadcast_in_dim3A_180, %select_n3A_165 : vector<512x1024xi1>, vector<512x1024xf32>
    %reduce_min3A_182 = arith.constant dense<0x7F800000> : vector<512xf32>
    %reduce_min3A_183 = vector.multi_reduction <minimumf>, %select_n3A_181, %reduce_min3A_182 [1] : vector<512x1024xf32> to vector<512xf32>
    %broadcast_in_dim3A_184 = vector.shape_cast %reduce_min3A_183 : vector<512xf32> to vector<512x1xf32>
    %le3A_185 = vector.broadcast %broadcast_in_dim3A_184 : vector<512x1xf32> to vector<512x1024xf32>
    %le3A_186 = arith.cmpf ole, %select_n3A_181, %le3A_185 : vector<512x1024xf32>
    %jit3A_187 = arith.constant 1.024000e+03 : f32
    %broadcast_in_dim3A_188 = vector.broadcast %jit3A_187 : f32 to vector<512x1024xf32>
    %select_n3A_189 = arith.select %le3A_186, %convert_element_type3A, %broadcast_in_dim3A_188 : vector<512x1024xi1>, vector<512x1024xf32>
    %reduce_min3A_190 = arith.constant dense<0x7F800000> : vector<512xf32>
    %reduce_min3A_191 = vector.multi_reduction <minimumf>, %select_n3A_189, %reduce_min3A_190 [1] : vector<512x1024xf32> to vector<512xf32>
    %broadcast_in_dim3A_192 = vector.shape_cast %reduce_min3A_191 : vector<512xf32> to vector<512x1xf32>
    %eq3A_193 = vector.broadcast %broadcast_in_dim3A_192 : vector<512x1xf32> to vector<512x1024xf32>
    %eq3A_194 = arith.cmpf oeq, %convert_element_type3A, %eq3A_193 : vector<512x1024xf32>
    %jit3A_195 = arith.constant 3.000000e+38 : f32
    %broadcast_in_dim3A_196 = vector.broadcast %jit3A_195 : f32 to vector<512x1024xf32>
    %select_n3A_197 = arith.select %eq3A_194, %broadcast_in_dim3A_196, %select_n3A_181 : vector<512x1024xi1>, vector<512x1024xf32>
    %reduce_min3A_198 = arith.constant dense<0x7F800000> : vector<512xf32>
    %reduce_min3A_199 = vector.multi_reduction <minimumf>, %select_n3A_197, %reduce_min3A_198 [1] : vector<512x1024xf32> to vector<512xf32>
    %broadcast_in_dim3A_200 = vector.shape_cast %reduce_min3A_199 : vector<512xf32> to vector<512x1xf32>
    %le3A_201 = vector.broadcast %broadcast_in_dim3A_200 : vector<512x1xf32> to vector<512x1024xf32>
    %le3A_202 = arith.cmpf ole, %select_n3A_197, %le3A_201 : vector<512x1024xf32>
    %jit3A_203 = arith.constant 1.024000e+03 : f32
    %broadcast_in_dim3A_204 = vector.broadcast %jit3A_203 : f32 to vector<512x1024xf32>
    %select_n3A_205 = arith.select %le3A_202, %convert_element_type3A, %broadcast_in_dim3A_204 : vector<512x1024xi1>, vector<512x1024xf32>
    %reduce_min3A_206 = arith.constant dense<0x7F800000> : vector<512xf32>
    %reduce_min3A_207 = vector.multi_reduction <minimumf>, %select_n3A_205, %reduce_min3A_206 [1] : vector<512x1024xf32> to vector<512xf32>
    %broadcast_in_dim3A_208 = vector.shape_cast %reduce_min3A_207 : vector<512xf32> to vector<512x1xf32>
    %eq3A_209 = vector.broadcast %broadcast_in_dim3A_208 : vector<512x1xf32> to vector<512x1024xf32>
    %eq3A_210 = arith.cmpf oeq, %convert_element_type3A, %eq3A_209 : vector<512x1024xf32>
    %jit3A_211 = arith.constant 3.000000e+38 : f32
    %broadcast_in_dim3A_212 = vector.broadcast %jit3A_211 : f32 to vector<512x1024xf32>
    %select_n3A_213 = arith.select %eq3A_210, %broadcast_in_dim3A_212, %select_n3A_197 : vector<512x1024xi1>, vector<512x1024xf32>
    %reduce_min3A_214 = arith.constant dense<0x7F800000> : vector<512xf32>
    %reduce_min3A_215 = vector.multi_reduction <minimumf>, %select_n3A_213, %reduce_min3A_214 [1] : vector<512x1024xf32> to vector<512xf32>
    %broadcast_in_dim3A_216 = vector.shape_cast %reduce_min3A_215 : vector<512xf32> to vector<512x1xf32>
    %le3A_217 = vector.broadcast %broadcast_in_dim3A_216 : vector<512x1xf32> to vector<512x1024xf32>
    %le3A_218 = arith.cmpf ole, %select_n3A_213, %le3A_217 : vector<512x1024xf32>
    %jit3A_219 = arith.constant 1.024000e+03 : f32
    %broadcast_in_dim3A_220 = vector.broadcast %jit3A_219 : f32 to vector<512x1024xf32>
    %select_n3A_221 = arith.select %le3A_218, %convert_element_type3A, %broadcast_in_dim3A_220 : vector<512x1024xi1>, vector<512x1024xf32>
    %reduce_min3A_222 = arith.constant dense<0x7F800000> : vector<512xf32>
    %reduce_min3A_223 = vector.multi_reduction <minimumf>, %select_n3A_221, %reduce_min3A_222 [1] : vector<512x1024xf32> to vector<512xf32>
    %broadcast_in_dim3A_224 = vector.shape_cast %reduce_min3A_223 : vector<512xf32> to vector<512x1xf32>
    %eq3A_225 = vector.broadcast %broadcast_in_dim3A_224 : vector<512x1xf32> to vector<512x1024xf32>
    %eq3A_226 = arith.cmpf oeq, %convert_element_type3A, %eq3A_225 : vector<512x1024xf32>
    %jit3A_227 = arith.constant 3.000000e+38 : f32
    %broadcast_in_dim3A_228 = vector.broadcast %jit3A_227 : f32 to vector<512x1024xf32>
    %select_n3A_229 = arith.select %eq3A_226, %broadcast_in_dim3A_228, %select_n3A_213 : vector<512x1024xi1>, vector<512x1024xf32>
    %reduce_min3A_230 = arith.constant dense<0x7F800000> : vector<512xf32>
    %reduce_min3A_231 = vector.multi_reduction <minimumf>, %select_n3A_229, %reduce_min3A_230 [1] : vector<512x1024xf32> to vector<512xf32>
    %broadcast_in_dim3A_232 = vector.shape_cast %reduce_min3A_231 : vector<512xf32> to vector<512x1xf32>
    %le3A_233 = vector.broadcast %broadcast_in_dim3A_232 : vector<512x1xf32> to vector<512x1024xf32>
    %le3A_234 = arith.cmpf ole, %select_n3A_229, %le3A_233 : vector<512x1024xf32>
    %jit3A_235 = arith.constant 1.024000e+03 : f32
    %broadcast_in_dim3A_236 = vector.broadcast %jit3A_235 : f32 to vector<512x1024xf32>
    %select_n3A_237 = arith.select %le3A_234, %convert_element_type3A, %broadcast_in_dim3A_236 : vector<512x1024xi1>, vector<512x1024xf32>
    %reduce_min3A_238 = arith.constant dense<0x7F800000> : vector<512xf32>
    %reduce_min3A_239 = vector.multi_reduction <minimumf>, %select_n3A_237, %reduce_min3A_238 [1] : vector<512x1024xf32> to vector<512xf32>
    %broadcast_in_dim3A_240 = vector.shape_cast %reduce_min3A_239 : vector<512xf32> to vector<512x1xf32>
    %eq3A_241 = vector.broadcast %broadcast_in_dim3A_240 : vector<512x1xf32> to vector<512x1024xf32>
    %eq3A_242 = arith.cmpf oeq, %convert_element_type3A, %eq3A_241 : vector<512x1024xf32>
    %jit3A_243 = arith.constant 3.000000e+38 : f32
    %broadcast_in_dim3A_244 = vector.broadcast %jit3A_243 : f32 to vector<512x1024xf32>
    %select_n3A_245 = arith.select %eq3A_242, %broadcast_in_dim3A_244, %select_n3A_229 : vector<512x1024xi1>, vector<512x1024xf32>
    %reduce_min3A_246 = arith.constant dense<0x7F800000> : vector<512xf32>
    %reduce_min3A_247 = vector.multi_reduction <minimumf>, %select_n3A_245, %reduce_min3A_246 [1] : vector<512x1024xf32> to vector<512xf32>
    %broadcast_in_dim3A_248 = vector.shape_cast %reduce_min3A_247 : vector<512xf32> to vector<512x1xf32>
    %le3A_249 = vector.broadcast %broadcast_in_dim3A_248 : vector<512x1xf32> to vector<512x1024xf32>
    %le3A_250 = arith.cmpf ole, %select_n3A_245, %le3A_249 : vector<512x1024xf32>
    %jit3A_251 = arith.constant 1.024000e+03 : f32
    %broadcast_in_dim3A_252 = vector.broadcast %jit3A_251 : f32 to vector<512x1024xf32>
    %select_n3A_253 = arith.select %le3A_250, %convert_element_type3A, %broadcast_in_dim3A_252 : vector<512x1024xi1>, vector<512x1024xf32>
    %reduce_min3A_254 = arith.constant dense<0x7F800000> : vector<512xf32>
    %reduce_min3A_255 = vector.multi_reduction <minimumf>, %select_n3A_253, %reduce_min3A_254 [1] : vector<512x1024xf32> to vector<512xf32>
    %broadcast_in_dim3A_256 = vector.shape_cast %reduce_min3A_255 : vector<512xf32> to vector<512x1xf32>
    %eq3A_257 = vector.broadcast %broadcast_in_dim3A_256 : vector<512x1xf32> to vector<512x1024xf32>
    %eq3A_258 = arith.cmpf oeq, %convert_element_type3A, %eq3A_257 : vector<512x1024xf32>
    %jit3A_259 = arith.constant 3.000000e+38 : f32
    %broadcast_in_dim3A_260 = vector.broadcast %jit3A_259 : f32 to vector<512x1024xf32>
    %select_n3A_261 = arith.select %eq3A_258, %broadcast_in_dim3A_260, %select_n3A_245 : vector<512x1024xi1>, vector<512x1024xf32>
    %reduce_min3A_262 = arith.constant dense<0x7F800000> : vector<512xf32>
    %reduce_min3A_263 = vector.multi_reduction <minimumf>, %select_n3A_261, %reduce_min3A_262 [1] : vector<512x1024xf32> to vector<512xf32>
    %broadcast_in_dim3A_264 = vector.shape_cast %reduce_min3A_263 : vector<512xf32> to vector<512x1xf32>
    %le3A_265 = vector.broadcast %broadcast_in_dim3A_264 : vector<512x1xf32> to vector<512x1024xf32>
    %le3A_266 = arith.cmpf ole, %select_n3A_261, %le3A_265 : vector<512x1024xf32>
    %jit3A_267 = arith.constant 1.024000e+03 : f32
    %broadcast_in_dim3A_268 = vector.broadcast %jit3A_267 : f32 to vector<512x1024xf32>
    %select_n3A_269 = arith.select %le3A_266, %convert_element_type3A, %broadcast_in_dim3A_268 : vector<512x1024xi1>, vector<512x1024xf32>
    %reduce_min3A_270 = arith.constant dense<0x7F800000> : vector<512xf32>
    %reduce_min3A_271 = vector.multi_reduction <minimumf>, %select_n3A_269, %reduce_min3A_270 [1] : vector<512x1024xf32> to vector<512xf32>
    %broadcast_in_dim3A_272 = vector.shape_cast %reduce_min3A_271 : vector<512xf32> to vector<512x1xf32>
    %eq3A_273 = vector.broadcast %broadcast_in_dim3A_272 : vector<512x1xf32> to vector<512x1024xf32>
    %eq3A_274 = arith.cmpf oeq, %convert_element_type3A, %eq3A_273 : vector<512x1024xf32>
    %jit3A_275 = arith.constant 3.000000e+38 : f32
    %broadcast_in_dim3A_276 = vector.broadcast %jit3A_275 : f32 to vector<512x1024xf32>
    %select_n3A_277 = arith.select %eq3A_274, %broadcast_in_dim3A_276, %select_n3A_261 : vector<512x1024xi1>, vector<512x1024xf32>
    %reduce_min3A_278 = arith.constant dense<0x7F800000> : vector<512xf32>
    %reduce_min3A_279 = vector.multi_reduction <minimumf>, %select_n3A_277, %reduce_min3A_278 [1] : vector<512x1024xf32> to vector<512xf32>
    %broadcast_in_dim3A_280 = vector.shape_cast %reduce_min3A_279 : vector<512xf32> to vector<512x1xf32>
    %le3A_281 = vector.broadcast %broadcast_in_dim3A_280 : vector<512x1xf32> to vector<512x1024xf32>
    %le3A_282 = arith.cmpf ole, %select_n3A_277, %le3A_281 : vector<512x1024xf32>
    %jit3A_283 = arith.constant 1.024000e+03 : f32
    %broadcast_in_dim3A_284 = vector.broadcast %jit3A_283 : f32 to vector<512x1024xf32>
    %select_n3A_285 = arith.select %le3A_282, %convert_element_type3A, %broadcast_in_dim3A_284 : vector<512x1024xi1>, vector<512x1024xf32>
    %reduce_min3A_286 = arith.constant dense<0x7F800000> : vector<512xf32>
    %reduce_min3A_287 = vector.multi_reduction <minimumf>, %select_n3A_285, %reduce_min3A_286 [1] : vector<512x1024xf32> to vector<512xf32>
    %broadcast_in_dim3A_288 = vector.shape_cast %reduce_min3A_287 : vector<512xf32> to vector<512x1xf32>
    %concatenate3A_289 = tpu.concatenate %broadcast_in_dim3A_49, %broadcast_in_dim3A_64, %broadcast_in_dim3A_80, %broadcast_in_dim3A_96, %broadcast_in_dim3A_112, %broadcast_in_dim3A_128, %broadcast_in_dim3A_144, %broadcast_in_dim3A_160, %broadcast_in_dim3A_176, %broadcast_in_dim3A_192, %broadcast_in_dim3A_208, %broadcast_in_dim3A_224, %broadcast_in_dim3A_240, %broadcast_in_dim3A_256, %broadcast_in_dim3A_272, %broadcast_in_dim3A_288 in 1 : vector<512x1xf32>, vector<512x1xf32>, vector<512x1xf32>, vector<512x1xf32>, vector<512x1xf32>, vector<512x1xf32>, vector<512x1xf32>, vector<512x1xf32>, vector<512x1xf32>, vector<512x1xf32>, vector<512x1xf32>, vector<512x1xf32>, vector<512x1xf32>, vector<512x1xf32>, vector<512x1xf32>, vector<512x1xf32> -> vector<512x16xf32>
    %convert_element_type3A_290 = arith.fptosi %concatenate3A_289 : vector<512x16xf32> to vector<512x16xi32>
    %swap3A_291 = arith.constant 0 : index
    %swap3A_292 = arith.constant 0 : index
    %swap3A_293 = vector.load %arg8[%swap3A_291, %swap3A_292] : memref<512x16xi32, #tpu.memory_space<vmem>>, vector<512x16xi32>
    tpu.vector_store %arg8[%swap3A_291, %swap3A_292], %convert_element_type3A_290 {strides = array<i32>} : memref<512x16xi32, #tpu.memory_space<vmem>>, vector<512x16xi32>,
    return
  }
  func.func @transform_0(%arg0: i32) -> (i32, i32) {
    %add3A = arith.constant 2 : i32
    %add3A_0 = arith.addi %add3A, %arg0 : i32
    %c0_i32 = arith.constant 0 : i32
    %c0_i32_1 = arith.constant 0 : i32
    return %add3A_0, %c0_i32 : i32, i32
  }
  func.func @transform_1(%arg0: i32) -> (i32, i32) {
    %c1_i32 = arith.constant 1 : i32
    %c0_i32 = arith.constant 0 : i32
    %c0_i32_0 = arith.constant 0 : i32
    return %c1_i32, %c0_i32 : i32, i32
  }
  func.func @transform_2(%arg0: i32) -> (i32, i32) {
    %c0_i32 = arith.constant 0 : i32
    %c0_i32_0 = arith.constant 0 : i32
    %c0_i32_1 = arith.constant 0 : i32
    return %c0_i32, %c0_i32_0 : i32, i32
  }
  func.func @transform_3(%arg0: i32) -> (i32, i32) {
    %c0_i32 = arith.constant 0 : i32
    %c0_i32_0 = arith.constant 0 : i32
    %c0_i32_1 = arith.constant 0 : i32
    return %c0_i32, %c0_i32_0 : i32, i32
  }
  func.func @transform_4(%arg0: i32) -> (i32, i32) {
    %c0_i32 = arith.constant 0 : i32
    %c0_i32_0 = arith.constant 0 : i32
    %c0_i32_1 = arith.constant 0 : i32
    return %c0_i32, %c0_i32_0 : i32, i32
  }
  func.func @transform_5(%arg0: i32) -> (i32, i32) {
    %c0_i32 = arith.constant 0 : i32
    %c0_i32_0 = arith.constant 0 : i32
    %c0_i32_1 = arith.constant 0 : i32
    return %c0_i32, %c0_i32_0 : i32, i32
  }
  func.func @transform_6(%arg0: i32) -> (i32, i32) {
    %c0_i32 = arith.constant 0 : i32
    %c0_i32_0 = arith.constant 0 : i32
    return %arg0, %c0_i32 : i32, i32
  }
  func.func @transform_7(%arg0: i32) -> (i32, i32) {
    %c0_i32 = arith.constant 0 : i32
    %c0_i32_0 = arith.constant 0 : i32
    return %arg0, %c0_i32 : i32, i32
  }
}

module attributes {stable_mosaic.version = 14 : i64} {
  func.func @_wprep_body(%arg0: memref<128x256xf32, #tpu.memory_space<vmem>>, %arg1: memref<1x256xf32, #tpu.memory_space<vmem>>, %arg2: memref<256x256xf32, #tpu.memory_space<vmem>>, %arg3: memref<256x256xf32, #tpu.memory_space<vmem>>, %arg4: memref<256x256xf32, #tpu.memory_space<vmem>>, %arg5: memref<256x256xf32, #tpu.memory_space<vmem>>, %arg6: memref<256x256xf32, #tpu.memory_space<vmem>>, %arg7: memref<1x256xf32, #tpu.memory_space<vmem>>, %arg8: memref<1x256xf32, #tpu.memory_space<vmem>>, %arg9: memref<128x256xf32, #tpu.memory_space<vmem>>, %arg10: memref<1x256xf32, #tpu.memory_space<vmem>>, %arg11: memref<128x512xf32, #tpu.memory_space<vmem>>, %arg12: memref<1x512xf32, #tpu.memory_space<vmem>>, %arg13: memref<256x512xf32, #tpu.memory_space<vmem>>) attributes {dimension_semantics = [], scalar_prefetch = 0 : i64, scratch_operands = 0 : i64, tpu.core_type = #tpu.core_type<tc>} {
    %get3A = arith.constant 0 : index
    %get3A_0 = arith.constant 0 : index
    %get3A_1 = vector.load %arg0[%get3A, %get3A_0] : memref<128x256xf32, #tpu.memory_space<vmem>>, vector<128x256xf32>
    %get3A_2 = arith.constant 0 : index
    %get3A_3 = arith.constant 0 : index
    %get3A_4 = vector.load %arg5[%get3A_2, %get3A_3] : memref<256x256xf32, #tpu.memory_space<vmem>>, vector<256x256xf32>
    %get3A_5 = arith.constant 0 : index
    %get3A_6 = arith.constant 0 : index
    %get3A_7 = vector.load %arg2[%get3A_5, %get3A_6] : memref<256x256xf32, #tpu.memory_space<vmem>>, vector<256x256xf32>
    %dot_general3A = arith.constant dense<0.000000e+00> : vector<128x256xf32>
    %dot_general3A_8 = tpu.matmul %get3A_1, %get3A_7, %dot_general3A {dimension_numbers = #tpu.dot_dimension_numbers<[1], [0], [0], [1], [0, 0, 1, 1], [], []>, precision = #tpu.contract_precision<fp32>, transpose_lhs_hint = false} : vector<128x256xf32>, vector<256x256xf32>, vector<128x256xf32> -> vector<128x256xf32>
    %dot_general3A_9 = arith.constant dense<0.000000e+00> : vector<128x256xf32>
    %dot_general3A_10 = tpu.matmul %dot_general3A_8, %get3A_4, %dot_general3A_9 {dimension_numbers = #tpu.dot_dimension_numbers<[1], [0], [0], [1], [0, 0, 1, 1], [], []>, precision = #tpu.contract_precision<fp32>, transpose_lhs_hint = false} : vector<128x256xf32>, vector<256x256xf32>, vector<128x256xf32> -> vector<128x256xf32>
    %swap3A = arith.constant 0 : index
    %swap3A_11 = arith.constant 0 : index
    %swap3A_12 = vector.load %arg9[%swap3A, %swap3A_11] : memref<128x256xf32, #tpu.memory_space<vmem>>, vector<128x256xf32>
    tpu.vector_store %arg9[%swap3A, %swap3A_11], %dot_general3A_10 {strides = array<i32>} : memref<128x256xf32, #tpu.memory_space<vmem>>, vector<128x256xf32>,
    %get3A_13 = arith.constant 0 : index
    %get3A_14 = arith.constant 0 : index
    %get3A_15 = vector.load %arg3[%get3A_13, %get3A_14] : memref<256x256xf32, #tpu.memory_space<vmem>>, vector<256x256xf32>
    %dot_general3A_16 = arith.constant dense<0.000000e+00> : vector<128x256xf32>
    %dot_general3A_17 = tpu.matmul %get3A_1, %get3A_15, %dot_general3A_16 {dimension_numbers = #tpu.dot_dimension_numbers<[1], [0], [0], [1], [0, 0, 1, 1], [], []>, precision = #tpu.contract_precision<fp32>, transpose_lhs_hint = false} : vector<128x256xf32>, vector<256x256xf32>, vector<128x256xf32> -> vector<128x256xf32>
    %dot_general3A_18 = arith.constant dense<0.000000e+00> : vector<128x256xf32>
    %dot_general3A_19 = tpu.matmul %dot_general3A_17, %get3A_4, %dot_general3A_18 {dimension_numbers = #tpu.dot_dimension_numbers<[1], [0], [0], [1], [0, 0, 1, 1], [], []>, precision = #tpu.contract_precision<fp32>, transpose_lhs_hint = false} : vector<128x256xf32>, vector<256x256xf32>, vector<128x256xf32> -> vector<128x256xf32>
    %get3A_20 = arith.constant 0 : index
    %get3A_21 = arith.constant 0 : index
    %get3A_22 = vector.load %arg4[%get3A_20, %get3A_21] : memref<256x256xf32, #tpu.memory_space<vmem>>, vector<256x256xf32>
    %dot_general3A_23 = arith.constant dense<0.000000e+00> : vector<128x256xf32>
    %dot_general3A_24 = tpu.matmul %get3A_1, %get3A_22, %dot_general3A_23 {dimension_numbers = #tpu.dot_dimension_numbers<[1], [0], [0], [1], [0, 0, 1, 1], [], []>, precision = #tpu.contract_precision<fp32>, transpose_lhs_hint = false} : vector<128x256xf32>, vector<256x256xf32>, vector<128x256xf32> -> vector<128x256xf32>
    %concatenate3A = tpu.concatenate %dot_general3A_19, %dot_general3A_24 in 1 : vector<128x256xf32>, vector<128x256xf32> -> vector<128x512xf32>
    %swap3A_25 = arith.constant 0 : index
    %swap3A_26 = arith.constant 0 : index
    %swap3A_27 = vector.load %arg11[%swap3A_25, %swap3A_26] : memref<128x512xf32, #tpu.memory_space<vmem>>, vector<128x512xf32>
    tpu.vector_store %arg11[%swap3A_25, %swap3A_26], %concatenate3A {strides = array<i32>} : memref<128x512xf32, #tpu.memory_space<vmem>>, vector<128x512xf32>,
    %get3A_28 = arith.constant 0 : index
    %get3A_29 = arith.constant 0 : index
    %get3A_30 = vector.load %arg1[%get3A_28, %get3A_29] : memref<1x256xf32, #tpu.memory_space<vmem>>, vector<1x256xf32>
    %get3A_31 = arith.constant 0 : index
    %get3A_32 = arith.constant 0 : index
    %get3A_33 = vector.load %arg2[%get3A_31, %get3A_32] : memref<256x256xf32, #tpu.memory_space<vmem>>, vector<256x256xf32>
    %dot_general3A_34 = arith.constant dense<0.000000e+00> : vector<1x256xf32>
    %dot_general3A_35 = tpu.matmul %get3A_30, %get3A_33, %dot_general3A_34 {dimension_numbers = #tpu.dot_dimension_numbers<[1], [0], [0], [1], [0, 0, 1, 1], [], []>, precision = #tpu.contract_precision<fp32>, transpose_lhs_hint = false} : vector<1x256xf32>, vector<256x256xf32>, vector<1x256xf32> -> vector<1x256xf32>
    %dot_general3A_36 = arith.constant dense<0.000000e+00> : vector<1x256xf32>
    %dot_general3A_37 = tpu.matmul %dot_general3A_35, %get3A_4, %dot_general3A_36 {dimension_numbers = #tpu.dot_dimension_numbers<[1], [0], [0], [1], [0, 0, 1, 1], [], []>, precision = #tpu.contract_precision<fp32>, transpose_lhs_hint = false} : vector<1x256xf32>, vector<256x256xf32>, vector<1x256xf32> -> vector<1x256xf32>
    %get3A_38 = arith.constant 0 : index
    %get3A_39 = arith.constant 0 : index
    %get3A_40 = vector.load %arg7[%get3A_38, %get3A_39] : memref<1x256xf32, #tpu.memory_space<vmem>>, vector<1x256xf32>
    %dot_general3A_41 = arith.constant dense<0.000000e+00> : vector<1x256xf32>
    %dot_general3A_42 = tpu.matmul %get3A_40, %get3A_4, %dot_general3A_41 {dimension_numbers = #tpu.dot_dimension_numbers<[1], [0], [0], [1], [0, 0, 1, 1], [], []>, precision = #tpu.contract_precision<fp32>, transpose_lhs_hint = false} : vector<1x256xf32>, vector<256x256xf32>, vector<1x256xf32> -> vector<1x256xf32>
    %add3A = arith.addf %dot_general3A_37, %dot_general3A_42 : vector<1x256xf32>
    %get3A_43 = arith.constant 0 : index
    %get3A_44 = arith.constant 0 : index
    %get3A_45 = vector.load %arg8[%get3A_43, %get3A_44] : memref<1x256xf32, #tpu.memory_space<vmem>>, vector<1x256xf32>
    %add3A_46 = arith.addf %add3A, %get3A_45 : vector<1x256xf32>
    %swap3A_47 = arith.constant 0 : index
    %swap3A_48 = arith.constant 0 : index
    %swap3A_49 = vector.load %arg10[%swap3A_47, %swap3A_48] : memref<1x256xf32, #tpu.memory_space<vmem>>, vector<1x256xf32>
    tpu.vector_store %arg10[%swap3A_47, %swap3A_48], %add3A_46 {strides = array<i32>} : memref<1x256xf32, #tpu.memory_space<vmem>>, vector<1x256xf32>,
    %get3A_50 = arith.constant 0 : index
    %get3A_51 = arith.constant 0 : index
    %get3A_52 = vector.load %arg3[%get3A_50, %get3A_51] : memref<256x256xf32, #tpu.memory_space<vmem>>, vector<256x256xf32>
    %dot_general3A_53 = arith.constant dense<0.000000e+00> : vector<1x256xf32>
    %dot_general3A_54 = tpu.matmul %get3A_30, %get3A_52, %dot_general3A_53 {dimension_numbers = #tpu.dot_dimension_numbers<[1], [0], [0], [1], [0, 0, 1, 1], [], []>, precision = #tpu.contract_precision<fp32>, transpose_lhs_hint = false} : vector<1x256xf32>, vector<256x256xf32>, vector<1x256xf32> -> vector<1x256xf32>
    %dot_general3A_55 = arith.constant dense<0.000000e+00> : vector<1x256xf32>
    %dot_general3A_56 = tpu.matmul %dot_general3A_54, %get3A_4, %dot_general3A_55 {dimension_numbers = #tpu.dot_dimension_numbers<[1], [0], [0], [1], [0, 0, 1, 1], [], []>, precision = #tpu.contract_precision<fp32>, transpose_lhs_hint = false} : vector<1x256xf32>, vector<256x256xf32>, vector<1x256xf32> -> vector<1x256xf32>
    %get3A_57 = arith.constant 0 : index
    %get3A_58 = arith.constant 0 : index
    %get3A_59 = vector.load %arg4[%get3A_57, %get3A_58] : memref<256x256xf32, #tpu.memory_space<vmem>>, vector<256x256xf32>
    %dot_general3A_60 = arith.constant dense<0.000000e+00> : vector<1x256xf32>
    %dot_general3A_61 = tpu.matmul %get3A_30, %get3A_59, %dot_general3A_60 {dimension_numbers = #tpu.dot_dimension_numbers<[1], [0], [0], [1], [0, 0, 1, 1], [], []>, precision = #tpu.contract_precision<fp32>, transpose_lhs_hint = false} : vector<1x256xf32>, vector<256x256xf32>, vector<1x256xf32> -> vector<1x256xf32>
    %concatenate3A_62 = tpu.concatenate %dot_general3A_56, %dot_general3A_61 in 1 : vector<1x256xf32>, vector<1x256xf32> -> vector<1x512xf32>
    %swap3A_63 = arith.constant 0 : index
    %swap3A_64 = arith.constant 0 : index
    %swap3A_65 = vector.load %arg12[%swap3A_63, %swap3A_64] : memref<1x512xf32, #tpu.memory_space<vmem>>, vector<1x512xf32>
    tpu.vector_store %arg12[%swap3A_63, %swap3A_64], %concatenate3A_62 {strides = array<i32>} : memref<1x512xf32, #tpu.memory_space<vmem>>, vector<1x512xf32>,
    %get3A_66 = arith.constant 0 : index
    %get3A_67 = arith.constant 0 : index
    %get3A_68 = vector.load %arg6[%get3A_66, %get3A_67] : memref<256x256xf32, #tpu.memory_space<vmem>>, vector<256x256xf32>
    %dot_general3A_69 = arith.constant dense<0.000000e+00> : vector<256x256xf32>
    %dot_general3A_70 = tpu.matmul %get3A_68, %get3A_4, %dot_general3A_69 {dimension_numbers = #tpu.dot_dimension_numbers<[1], [0], [0], [1], [0, 0, 1, 1], [], []>, precision = #tpu.contract_precision<fp32>, transpose_lhs_hint = false} : vector<256x256xf32>, vector<256x256xf32>, vector<256x256xf32> -> vector<256x256xf32>
    %get3A_71 = arith.constant 0 : index
    %get3A_72 = arith.constant 0 : index
    %get3A_73 = vector.load %arg6[%get3A_71, %get3A_72] : memref<256x256xf32, #tpu.memory_space<vmem>>, vector<256x256xf32>
    %concatenate3A_74 = tpu.concatenate %get3A_73, %dot_general3A_70 in 1 : vector<256x256xf32>, vector<256x256xf32> -> vector<256x512xf32>
    %swap3A_75 = arith.constant 0 : index
    %swap3A_76 = arith.constant 0 : index
    %swap3A_77 = vector.load %arg13[%swap3A_75, %swap3A_76] : memref<256x512xf32, #tpu.memory_space<vmem>>, vector<256x512xf32>
    tpu.vector_store %arg13[%swap3A_75, %swap3A_76], %concatenate3A_74 {strides = array<i32>} : memref<256x512xf32, #tpu.memory_space<vmem>>, vector<256x512xf32>,
    return
  }
}

module attributes {stable_mosaic.version = 14 : i64} {
  func.func @_stage3_body(%arg0: i32, %arg1: memref<128x16x256xf32, #tpu.memory_space<vmem>>, %arg2: memref<128x64xf32, #tpu.memory_space<vmem>>, %arg3: memref<128x128xf32, #tpu.memory_space<vmem>>, %arg4: memref<128x256xf32, #tpu.memory_space<vmem>>, %arg5: memref<1x256xf32, #tpu.memory_space<vmem>>, %arg6: memref<128x512xf32, #tpu.memory_space<vmem>>, %arg7: memref<1x512xf32, #tpu.memory_space<vmem>>, %arg8: memref<64x256xf32, #tpu.memory_space<vmem>>, %arg9: memref<1x256xf32, #tpu.memory_space<vmem>>, %arg10: memref<256x512xf32, #tpu.memory_space<vmem>>, %arg11: memref<1x256xf32, #tpu.memory_space<vmem>>, %arg12: memref<256x256xf32, #tpu.memory_space<vmem>>, %arg13: memref<1x256xf32, #tpu.memory_space<vmem>>, %arg14: memref<256x128xf32, #tpu.memory_space<vmem>>, %arg15: memref<1x128xf32, #tpu.memory_space<vmem>>, %arg16: memref<128x16x256xf32, #tpu.memory_space<vmem>>, %arg17: memref<128x128xf32, #tpu.memory_space<vmem>>) attributes {dimension_semantics = [#tpu.dimension_semantics<arbitrary>], iteration_bounds = array<i64: 8>, scalar_prefetch = 0 : i64, scratch_operands = 0 : i64, tpu.core_type = #tpu.core_type<tc>, window_params = [{transform_indices = @transform_0, window_bounds = array<i64: 128, 16, 256>}, {transform_indices = @transform_1, window_bounds = array<i64: 128, 64>}, {transform_indices = @transform_2, window_bounds = array<i64: 128, 128>}, {pipeline_mode = #tpu.pipeline_mode<synchronous>, transform_indices = @transform_3, window_bounds = array<i64: 128, 256>}, {pipeline_mode = #tpu.pipeline_mode<synchronous>, transform_indices = @transform_4, window_bounds = array<i64: 1, 256>}, {pipeline_mode = #tpu.pipeline_mode<synchronous>, transform_indices = @transform_5, window_bounds = array<i64: 128, 512>}, {pipeline_mode = #tpu.pipeline_mode<synchronous>, transform_indices = @transform_6, window_bounds = array<i64: 1, 512>}, {pipeline_mode = #tpu.pipeline_mode<synchronous>, transform_indices = @transform_7, window_bounds = array<i64: 64, 256>}, {pipeline_mode = #tpu.pipeline_mode<synchronous>, transform_indices = @transform_8, window_bounds = array<i64: 1, 256>}, {pipeline_mode = #tpu.pipeline_mode<synchronous>, transform_indices = @transform_9, window_bounds = array<i64: 256, 512>}, {pipeline_mode = #tpu.pipeline_mode<synchronous>, transform_indices = @transform_10, window_bounds = array<i64: 1, 256>}, {pipeline_mode = #tpu.pipeline_mode<synchronous>, transform_indices = @transform_11, window_bounds = array<i64: 256, 256>}, {pipeline_mode = #tpu.pipeline_mode<synchronous>, transform_indices = @transform_12, window_bounds = array<i64: 1, 256>}, {pipeline_mode = #tpu.pipeline_mode<synchronous>, transform_indices = @transform_13, window_bounds = array<i64: 256, 128>}, {pipeline_mode = #tpu.pipeline_mode<synchronous>, transform_indices = @transform_14, window_bounds = array<i64: 1, 128>}, {transform_indices = @transform_15, window_bounds = array<i64: 128, 16, 256>}, {transform_indices = @transform_16, window_bounds = array<i64: 128, 128>}]} {
    %get3A = arith.constant 0 : index
    %get3A_0 = arith.constant 0 : index
    %get3A_1 = arith.constant 0 : index
    %get3A_2 = vector.load %arg1[%get3A, %get3A_0, %get3A_1] : memref<128x16x256xf32, #tpu.memory_space<vmem>>, vector<128x16x256xf32>
    %get3A_3 = arith.constant 0 : index
    %get3A_4 = arith.constant 0 : index
    %get3A_5 = vector.load %arg2[%get3A_3, %get3A_4] : memref<128x64xf32, #tpu.memory_space<vmem>>, vector<128x64xf32>
    %get3A_6 = arith.constant 0 : index
    %get3A_7 = arith.constant 0 : index
    %get3A_8 = vector.load %arg3[%get3A_6, %get3A_7] : memref<128x128xf32, #tpu.memory_space<vmem>>, vector<128x128xf32>
    %broadcast_in_dim3A = vector.shape_cast %get3A_5 : vector<128x64xf32> to vector<128x1x64xf32>
    %slice3A = vector.extract_strided_slice %get3A_2 {offsets = [0, 0, 0], sizes = [128, 16, 64], strides = [1, 1, 1]} : vector<128x16x256xf32> to vector<128x16x64xf32>
    %sub3A = vector.broadcast %broadcast_in_dim3A : vector<128x1x64xf32> to vector<128x16x64xf32>
    %sub3A_9 = arith.subf %sub3A, %slice3A : vector<128x16x64xf32>
    %reshape3A = vector.shape_cast %sub3A_9 : vector<128x16x64xf32> to vector<2048x64xf32>
    %get3A_10 = arith.constant 0 : index
    %get3A_11 = arith.constant 0 : index
    %get3A_12 = vector.load %arg8[%get3A_10, %get3A_11] : memref<64x256xf32, #tpu.memory_space<vmem>>, vector<64x256xf32>
    %dot_general3A = arith.constant dense<0.000000e+00> : vector<2048x256xf32>
    %dot_general3A_13 = tpu.matmul %reshape3A, %get3A_12, %dot_general3A {dimension_numbers = #tpu.dot_dimension_numbers<[1], [0], [0], [1], [0, 0, 1, 1], [], []>, transpose_lhs_hint = false} : vector<2048x64xf32>, vector<64x256xf32>, vector<2048x256xf32> -> vector<2048x256xf32>
    %get3A_14 = arith.constant 0 : index
    %get3A_15 = arith.constant 0 : index
    %get3A_16 = vector.load %arg9[%get3A_14, %get3A_15] : memref<1x256xf32, #tpu.memory_space<vmem>>, vector<1x256xf32>
    %add3A = vector.broadcast %get3A_16 : vector<1x256xf32> to vector<2048x256xf32>
    %add3A_17 = arith.addf %dot_general3A_13, %add3A : vector<2048x256xf32>
    %max3A = arith.constant 0.000000e+00 : f32
    %max3A_18 = vector.broadcast %max3A : f32 to vector<2048x256xf32>
    %max3A_19 = arith.maximumf %add3A_17, %max3A_18 : vector<2048x256xf32>
    %get3A_20 = arith.constant 0 : index
    %get3A_21 = arith.constant 0 : index
    %get3A_22 = vector.load %arg10[%get3A_20, %get3A_21] : memref<256x512xf32, #tpu.memory_space<vmem>>, vector<256x512xf32>
    %dot_general3A_23 = arith.constant dense<0.000000e+00> : vector<2048x512xf32>
    %dot_general3A_24 = tpu.matmul %max3A_19, %get3A_22, %dot_general3A_23 {dimension_numbers = #tpu.dot_dimension_numbers<[1], [0], [0], [1], [0, 0, 1, 1], [], []>, transpose_lhs_hint = false} : vector<2048x256xf32>, vector<256x512xf32>, vector<2048x512xf32> -> vector<2048x512xf32>
    %slice3A_25 = vector.extract_strided_slice %dot_general3A_24 {offsets = [0, 0], sizes = [2048, 256], strides = [1, 1]} : vector<2048x512xf32> to vector<2048x256xf32>
    %get3A_26 = arith.constant 0 : index
    %get3A_27 = arith.constant 0 : index
    %get3A_28 = vector.load %arg11[%get3A_26, %get3A_27] : memref<1x256xf32, #tpu.memory_space<vmem>>, vector<1x256xf32>
    %add3A_29 = vector.broadcast %get3A_28 : vector<1x256xf32> to vector<2048x256xf32>
    %add3A_30 = arith.addf %slice3A_25, %add3A_29 : vector<2048x256xf32>
    %slice3A_31 = vector.extract_strided_slice %dot_general3A_24 {offsets = [0, 256], sizes = [2048, 256], strides = [1, 1]} : vector<2048x512xf32> to vector<2048x256xf32>
    %slice3A_32 = vector.extract_strided_slice %get3A_2 {offsets = [0, 0, 128], sizes = [128, 16, 128], strides = [1, 1, 1]} : vector<128x16x256xf32> to vector<128x16x128xf32>
    %reshape3A_33 = vector.shape_cast %slice3A_32 : vector<128x16x128xf32> to vector<2048x128xf32>
    %get3A_34 = arith.constant 0 : index
    %get3A_35 = arith.constant 0 : index
    %get3A_36 = vector.load %arg6[%get3A_34, %get3A_35] : memref<128x512xf32, #tpu.memory_space<vmem>>, vector<128x512xf32>
    %dot_general3A_37 = arith.constant dense<0.000000e+00> : vector<2048x512xf32>
    %dot_general3A_38 = tpu.matmul %reshape3A_33, %get3A_36, %dot_general3A_37 {dimension_numbers = #tpu.dot_dimension_numbers<[1], [0], [0], [1], [0, 0, 1, 1], [], []>, transpose_lhs_hint = false} : vector<2048x128xf32>, vector<128x512xf32>, vector<2048x512xf32> -> vector<2048x512xf32>
    %get3A_39 = arith.constant 0 : index
    %get3A_40 = arith.constant 0 : index
    %get3A_41 = vector.load %arg7[%get3A_39, %get3A_40] : memref<1x512xf32, #tpu.memory_space<vmem>>, vector<1x512xf32>
    %add3A_42 = vector.broadcast %get3A_41 : vector<1x512xf32> to vector<2048x512xf32>
    %add3A_43 = arith.addf %dot_general3A_38, %add3A_42 : vector<2048x512xf32>
    %slice3A_44 = vector.extract_strided_slice %add3A_43 {offsets = [0, 0], sizes = [2048, 256], strides = [1, 1]} : vector<2048x512xf32> to vector<2048x256xf32>
    %slice3A_45 = vector.extract_strided_slice %add3A_43 {offsets = [0, 256], sizes = [2048, 256], strides = [1, 1]} : vector<2048x512xf32> to vector<2048x256xf32>
    %get3A_46 = arith.constant 0 : index
    %get3A_47 = arith.constant 0 : index
    %get3A_48 = vector.load %arg4[%get3A_46, %get3A_47] : memref<128x256xf32, #tpu.memory_space<vmem>>, vector<128x256xf32>
    %dot_general3A_49 = arith.constant dense<0.000000e+00> : vector<128x256xf32>
    %dot_general3A_50 = tpu.matmul %get3A_8, %get3A_48, %dot_general3A_49 {dimension_numbers = #tpu.dot_dimension_numbers<[1], [0], [0], [1], [0, 0, 1, 1], [], []>, transpose_lhs_hint = false} : vector<128x128xf32>, vector<128x256xf32>, vector<128x256xf32> -> vector<128x256xf32>
    %get3A_51 = arith.constant 0 : index
    %get3A_52 = arith.constant 0 : index
    %get3A_53 = vector.load %arg5[%get3A_51, %get3A_52] : memref<1x256xf32, #tpu.memory_space<vmem>>, vector<1x256xf32>
    %add3A_54 = vector.broadcast %get3A_53 : vector<1x256xf32> to vector<128x256xf32>
    %add3A_55 = arith.addf %dot_general3A_50, %add3A_54 : vector<128x256xf32>
    %broadcast_in_dim3A_56 = vector.shape_cast %add3A_55 : vector<128x256xf32> to vector<128x1x256xf32>
    %broadcast_in_dim3A_57 = vector.shape_cast %broadcast_in_dim3A_56 : vector<128x1x256xf32> to vector<128x1x256xf32>
    %broadcast_in_dim3A_58 = vector.broadcast %broadcast_in_dim3A_57 : vector<128x1x256xf32> to vector<128x16x256xf32>
    %reshape3A_59 = vector.shape_cast %broadcast_in_dim3A_58 : vector<128x16x256xf32> to vector<2048x256xf32>
    %sub3A_60 = arith.subf %reshape3A_59, %slice3A_44 : vector<2048x256xf32>
    %add3A_61 = arith.addf %sub3A_60, %slice3A_31 : vector<2048x256xf32>
    %max3A_62 = arith.constant 0.000000e+00 : f32
    %max3A_63 = vector.broadcast %max3A_62 : f32 to vector<2048x256xf32>
    %max3A_64 = arith.maximumf %add3A_61, %max3A_63 : vector<2048x256xf32>
    %get3A_65 = arith.constant 0 : index
    %get3A_66 = arith.constant 0 : index
    %get3A_67 = vector.load %arg12[%get3A_65, %get3A_66] : memref<256x256xf32, #tpu.memory_space<vmem>>, vector<256x256xf32>
    %dot_general3A_68 = arith.constant dense<0.000000e+00> : vector<2048x256xf32>
    %dot_general3A_69 = tpu.matmul %max3A_64, %get3A_67, %dot_general3A_68 {dimension_numbers = #tpu.dot_dimension_numbers<[1], [0], [0], [1], [0, 0, 1, 1], [], []>, transpose_lhs_hint = false} : vector<2048x256xf32>, vector<256x256xf32>, vector<2048x256xf32> -> vector<2048x256xf32>
    %get3A_70 = arith.constant 0 : index
    %get3A_71 = arith.constant 0 : index
    %get3A_72 = vector.load %arg13[%get3A_70, %get3A_71] : memref<1x256xf32, #tpu.memory_space<vmem>>, vector<1x256xf32>
    %add3A_73 = vector.broadcast %get3A_72 : vector<1x256xf32> to vector<2048x256xf32>
    %add3A_74 = arith.addf %dot_general3A_69, %add3A_73 : vector<2048x256xf32>
    %mul3A = arith.constant 6.250000e-02 : f32
    %mul3A_75 = vector.broadcast %mul3A : f32 to vector<2048x256xf32>
    %mul3A_76 = arith.mulf %add3A_74, %mul3A_75 : vector<2048x256xf32>
    %reshape3A_77 = vector.shape_cast %mul3A_76 : vector<2048x256xf32> to vector<128x16x256xf32>
    %reduce_max3A = arith.constant dense<0xFF800000> : vector<128x256xf32>
    %reduce_max3A_78 = vector.multi_reduction <maximumf>, %reshape3A_77, %reduce_max3A [1] : vector<128x16x256xf32> to vector<128x256xf32>
    %broadcast_in_dim3A_79 = vector.shape_cast %reduce_max3A_78 : vector<128x256xf32> to vector<128x1x256xf32>
    %sub3A_80 = vector.broadcast %broadcast_in_dim3A_79 : vector<128x1x256xf32> to vector<128x16x256xf32>
    %sub3A_81 = arith.subf %reshape3A_77, %sub3A_80 : vector<128x16x256xf32>
    %exp3A = math.exp %sub3A_81 : vector<128x16x256xf32>
    %reduce_sum3A = arith.constant dense<0.000000e+00> : vector<128x256xf32>
    %reduce_sum3A_82 = vector.multi_reduction <add>, %exp3A, %reduce_sum3A [1] : vector<128x16x256xf32> to vector<128x256xf32>
    %broadcast_in_dim3A_83 = vector.shape_cast %reduce_sum3A_82 : vector<128x256xf32> to vector<128x1x256xf32>
    %div3A = vector.broadcast %broadcast_in_dim3A_83 : vector<128x1x256xf32> to vector<128x16x256xf32>
    %div3A_84 = arith.divf %exp3A, %div3A : vector<128x16x256xf32>
    %swap3A = arith.constant 0 : index
    %swap3A_85 = arith.constant 0 : index
    %swap3A_86 = arith.constant 0 : index
    %swap3A_87 = vector.load %arg16[%swap3A, %swap3A_85, %swap3A_86] : memref<128x16x256xf32, #tpu.memory_space<vmem>>, vector<128x16x256xf32>
    tpu.vector_store %arg16[%swap3A, %swap3A_85, %swap3A_86], %div3A_84 {strides = array<i32>} : memref<128x16x256xf32, #tpu.memory_space<vmem>>, vector<128x16x256xf32>,
    %reshape3A_88 = vector.shape_cast %add3A_30 : vector<2048x256xf32> to vector<128x16x256xf32>
    %reshape3A_89 = vector.shape_cast %slice3A_45 : vector<2048x256xf32> to vector<128x16x256xf32>
    %add3A_90 = arith.addf %reshape3A_89, %reshape3A_88 : vector<128x16x256xf32>
    %mul3A_91 = arith.mulf %div3A_84, %add3A_90 : vector<128x16x256xf32>
    %reduce_sum3A_92 = arith.constant dense<0.000000e+00> : vector<128x256xf32>
    %reduce_sum3A_93 = vector.multi_reduction <add>, %mul3A_91, %reduce_sum3A_92 [1] : vector<128x16x256xf32> to vector<128x256xf32>
    %get3A_94 = arith.constant 0 : index
    %get3A_95 = arith.constant 0 : index
    %get3A_96 = vector.load %arg14[%get3A_94, %get3A_95] : memref<256x128xf32, #tpu.memory_space<vmem>>, vector<256x128xf32>
    %dot_general3A_97 = arith.constant dense<0.000000e+00> : vector<128x128xf32>
    %dot_general3A_98 = tpu.matmul %reduce_sum3A_93, %get3A_96, %dot_general3A_97 {dimension_numbers = #tpu.dot_dimension_numbers<[1], [0], [0], [1], [0, 0, 1, 1], [], []>, transpose_lhs_hint = false} : vector<128x256xf32>, vector<256x128xf32>, vector<128x128xf32> -> vector<128x128xf32>
    %get3A_99 = arith.constant 0 : index
    %get3A_100 = arith.constant 0 : index
    %get3A_101 = vector.load %arg15[%get3A_99, %get3A_100] : memref<1x128xf32, #tpu.memory_space<vmem>>, vector<1x128xf32>
    %add3A_102 = vector.broadcast %get3A_101 : vector<1x128xf32> to vector<128x128xf32>
    %add3A_103 = arith.addf %dot_general3A_98, %add3A_102 : vector<128x128xf32>
    %add3A_104 = arith.addf %add3A_103, %get3A_8 : vector<128x128xf32>
    %swap3A_105 = arith.constant 0 : index
    %swap3A_106 = arith.constant 0 : index
    %swap3A_107 = vector.load %arg17[%swap3A_105, %swap3A_106] : memref<128x128xf32, #tpu.memory_space<vmem>>, vector<128x128xf32>
    tpu.vector_store %arg17[%swap3A_105, %swap3A_106], %add3A_104 {strides = array<i32>} : memref<128x128xf32, #tpu.memory_space<vmem>>, vector<128x128xf32>,
    return
  }
  func.func @transform_0(%arg0: i32) -> (i32, i32, i32) {
    %c0_i32 = arith.constant 0 : i32
    %c0_i32_0 = arith.constant 0 : i32
    %c0_i32_1 = arith.constant 0 : i32
    return %arg0, %c0_i32, %c0_i32_0 : i32, i32, i32
  }
  func.func @transform_1(%arg0: i32) -> (i32, i32) {
    %add3A = arith.constant 0 : i32
    %add3A_0 = arith.addi %add3A, %arg0 : i32
    %c0_i32 = arith.constant 0 : i32
    %c0_i32_1 = arith.constant 0 : i32
    return %add3A_0, %c0_i32 : i32, i32
  }
  func.func @transform_2(%arg0: i32) -> (i32, i32) {
    %c1_i32 = arith.constant 1 : i32
    %c0_i32 = arith.constant 0 : i32
    return %arg0, %c1_i32 : i32, i32
  }
  func.func @transform_3(%arg0: i32) -> (i32, i32) {
    %c0_i32 = arith.constant 0 : i32
    %c0_i32_0 = arith.constant 0 : i32
    %c0_i32_1 = arith.constant 0 : i32
    return %c0_i32, %c0_i32_0 : i32, i32
  }
  func.func @transform_4(%arg0: i32) -> (i32, i32) {
    %c0_i32 = arith.constant 0 : i32
    %c0_i32_0 = arith.constant 0 : i32
    %c0_i32_1 = arith.constant 0 : i32
    return %c0_i32, %c0_i32_0 : i32, i32
  }
  func.func @transform_5(%arg0: i32) -> (i32, i32) {
    %c0_i32 = arith.constant 0 : i32
    %c0_i32_0 = arith.constant 0 : i32
    %c0_i32_1 = arith.constant 0 : i32
    return %c0_i32, %c0_i32_0 : i32, i32
  }
  func.func @transform_6(%arg0: i32) -> (i32, i32) {
    %c0_i32 = arith.constant 0 : i32
    %c0_i32_0 = arith.constant 0 : i32
    %c0_i32_1 = arith.constant 0 : i32
    return %c0_i32, %c0_i32_0 : i32, i32
  }
  func.func @transform_7(%arg0: i32) -> (i32, i32) {
    %c0_i32 = arith.constant 0 : i32
    %c0_i32_0 = arith.constant 0 : i32
    %c0_i32_1 = arith.constant 0 : i32
    return %c0_i32, %c0_i32_0 : i32, i32
  }
  func.func @transform_8(%arg0: i32) -> (i32, i32) {
    %c0_i32 = arith.constant 0 : i32
    %c0_i32_0 = arith.constant 0 : i32
    %c0_i32_1 = arith.constant 0 : i32
    return %c0_i32, %c0_i32_0 : i32, i32
  }
  func.func @transform_9(%arg0: i32) -> (i32, i32) {
    %c0_i32 = arith.constant 0 : i32
    %c0_i32_0 = arith.constant 0 : i32
    %c0_i32_1 = arith.constant 0 : i32
    return %c0_i32, %c0_i32_0 : i32, i32
  }
  func.func @transform_10(%arg0: i32) -> (i32, i32) {
    %c0_i32 = arith.constant 0 : i32
    %c0_i32_0 = arith.constant 0 : i32
    %c0_i32_1 = arith.constant 0 : i32
    return %c0_i32, %c0_i32_0 : i32, i32
  }
  func.func @transform_11(%arg0: i32) -> (i32, i32) {
    %c0_i32 = arith.constant 0 : i32
    %c0_i32_0 = arith.constant 0 : i32
    %c0_i32_1 = arith.constant 0 : i32
    return %c0_i32, %c0_i32_0 : i32, i32
  }
  func.func @transform_12(%arg0: i32) -> (i32, i32) {
    %c0_i32 = arith.constant 0 : i32
    %c0_i32_0 = arith.constant 0 : i32
    %c0_i32_1 = arith.constant 0 : i32
    return %c0_i32, %c0_i32_0 : i32, i32
  }
  func.func @transform_13(%arg0: i32) -> (i32, i32) {
    %c0_i32 = arith.constant 0 : i32
    %c0_i32_0 = arith.constant 0 : i32
    %c0_i32_1 = arith.constant 0 : i32
    return %c0_i32, %c0_i32_0 : i32, i32
  }
  func.func @transform_14(%arg0: i32) -> (i32, i32) {
    %c0_i32 = arith.constant 0 : i32
    %c0_i32_0 = arith.constant 0 : i32
    %c0_i32_1 = arith.constant 0 : i32
    return %c0_i32, %c0_i32_0 : i32, i32
  }
  func.func @transform_15(%arg0: i32) -> (i32, i32, i32) {
    %add3A = arith.constant 0 : i32
    %add3A_0 = arith.addi %add3A, %arg0 : i32
    %c0_i32 = arith.constant 0 : i32
    %c0_i32_1 = arith.constant 0 : i32
    %c0_i32_2 = arith.constant 0 : i32
    return %add3A_0, %c0_i32, %c0_i32_1 : i32, i32, i32
  }
  func.func @transform_16(%arg0: i32) -> (i32, i32) {
    %add3A = arith.constant 0 : i32
    %add3A_0 = arith.addi %add3A, %arg0 : i32
    %c0_i32 = arith.constant 0 : i32
    %c0_i32_1 = arith.constant 0 : i32
    return %add3A_0, %c0_i32 : i32, i32
  }
}

module attributes {stable_mosaic.version = 14 : i64} {
  func.func @_stage3_body_alias(%arg0: i32, %arg1: memref<2048x16x256xf32, #tpu.memory_space<any>>, %arg2: memref<2048x128xf32, #tpu.memory_space<any>>, %arg3: memref<128x16x256xf32, #tpu.memory_space<vmem>>, %arg4: memref<128x64xf32, #tpu.memory_space<vmem>>, %arg5: memref<128x128xf32, #tpu.memory_space<vmem>>, %arg6: memref<128x256xf32, #tpu.memory_space<vmem>>, %arg7: memref<1x256xf32, #tpu.memory_space<vmem>>, %arg8: memref<128x512xf32, #tpu.memory_space<vmem>>, %arg9: memref<1x512xf32, #tpu.memory_space<vmem>>, %arg10: memref<64x256xf32, #tpu.memory_space<vmem>>, %arg11: memref<1x256xf32, #tpu.memory_space<vmem>>, %arg12: memref<256x512xf32, #tpu.memory_space<vmem>>, %arg13: memref<1x256xf32, #tpu.memory_space<vmem>>, %arg14: memref<256x256xf32, #tpu.memory_space<vmem>>, %arg15: memref<1x256xf32, #tpu.memory_space<vmem>>, %arg16: memref<256x128xf32, #tpu.memory_space<vmem>>, %arg17: memref<1x128xf32, #tpu.memory_space<vmem>>, %arg18: memref<128x16x256xf32, #tpu.memory_space<vmem>>, %arg19: memref<128x128xf32, #tpu.memory_space<vmem>>) attributes {dimension_semantics = [#tpu.dimension_semantics<arbitrary>], iteration_bounds = array<i64: 8>, scalar_prefetch = 0 : i64, scratch_operands = 0 : i64, tpu.core_type = #tpu.core_type<tc>, window_params = [{}, {}, {transform_indices = @transform_2, window_bounds = array<i64: 128, 16, 256>}, {transform_indices = @transform_3, window_bounds = array<i64: 128, 64>}, {transform_indices = @transform_4, window_bounds = array<i64: 128, 128>}, {pipeline_mode = #tpu.pipeline_mode<synchronous>, transform_indices = @transform_5, window_bounds = array<i64: 128, 256>}, {pipeline_mode = #tpu.pipeline_mode<synchronous>, transform_indices = @transform_6, window_bounds = array<i64: 1, 256>}, {pipeline_mode = #tpu.pipeline_mode<synchronous>, transform_indices = @transform_7, window_bounds = array<i64: 128, 512>}, {pipeline_mode = #tpu.pipeline_mode<synchronous>, transform_indices = @transform_8, window_bounds = array<i64: 1, 512>}, {pipeline_mode = #tpu.pipeline_mode<synchronous>, transform_indices = @transform_9, window_bounds = array<i64: 64, 256>}, {pipeline_mode = #tpu.pipeline_mode<synchronous>, transform_indices = @transform_10, window_bounds = array<i64: 1, 256>}, {pipeline_mode = #tpu.pipeline_mode<synchronous>, transform_indices = @transform_11, window_bounds = array<i64: 256, 512>}, {pipeline_mode = #tpu.pipeline_mode<synchronous>, transform_indices = @transform_12, window_bounds = array<i64: 1, 256>}, {pipeline_mode = #tpu.pipeline_mode<synchronous>, transform_indices = @transform_13, window_bounds = array<i64: 256, 256>}, {pipeline_mode = #tpu.pipeline_mode<synchronous>, transform_indices = @transform_14, window_bounds = array<i64: 1, 256>}, {pipeline_mode = #tpu.pipeline_mode<synchronous>, transform_indices = @transform_15, window_bounds = array<i64: 256, 128>}, {pipeline_mode = #tpu.pipeline_mode<synchronous>, transform_indices = @transform_16, window_bounds = array<i64: 1, 128>}, {transform_indices = @transform_17, window_bounds = array<i64: 128, 16, 256>}, {transform_indices = @transform_18, window_bounds = array<i64: 128, 128>}]} {
    %get3A = arith.constant 0 : index
    %get3A_0 = arith.constant 0 : index
    %get3A_1 = arith.constant 0 : index
    %get3A_2 = vector.load %arg3[%get3A, %get3A_0, %get3A_1] : memref<128x16x256xf32, #tpu.memory_space<vmem>>, vector<128x16x256xf32>
    %get3A_3 = arith.constant 0 : index
    %get3A_4 = arith.constant 0 : index
    %get3A_5 = vector.load %arg4[%get3A_3, %get3A_4] : memref<128x64xf32, #tpu.memory_space<vmem>>, vector<128x64xf32>
    %get3A_6 = arith.constant 0 : index
    %get3A_7 = arith.constant 0 : index
    %get3A_8 = vector.load %arg5[%get3A_6, %get3A_7] : memref<128x128xf32, #tpu.memory_space<vmem>>, vector<128x128xf32>
    %broadcast_in_dim3A = vector.shape_cast %get3A_5 : vector<128x64xf32> to vector<128x1x64xf32>
    %slice3A = vector.extract_strided_slice %get3A_2 {offsets = [0, 0, 0], sizes = [128, 16, 64], strides = [1, 1, 1]} : vector<128x16x256xf32> to vector<128x16x64xf32>
    %sub3A = vector.broadcast %broadcast_in_dim3A : vector<128x1x64xf32> to vector<128x16x64xf32>
    %sub3A_9 = arith.subf %sub3A, %slice3A : vector<128x16x64xf32>
    %reshape3A = vector.shape_cast %sub3A_9 : vector<128x16x64xf32> to vector<2048x64xf32>
    %get3A_10 = arith.constant 0 : index
    %get3A_11 = arith.constant 0 : index
    %get3A_12 = vector.load %arg10[%get3A_10, %get3A_11] : memref<64x256xf32, #tpu.memory_space<vmem>>, vector<64x256xf32>
    %dot_general3A = arith.constant dense<0.000000e+00> : vector<2048x256xf32>
    %dot_general3A_13 = tpu.matmul %reshape3A, %get3A_12, %dot_general3A {dimension_numbers = #tpu.dot_dimension_numbers<[1], [0], [0], [1], [0, 0, 1, 1], [], []>, transpose_lhs_hint = false} : vector<2048x64xf32>, vector<64x256xf32>, vector<2048x256xf32> -> vector<2048x256xf32>
    %get3A_14 = arith.constant 0 : index
    %get3A_15 = arith.constant 0 : index
    %get3A_16 = vector.load %arg11[%get3A_14, %get3A_15] : memref<1x256xf32, #tpu.memory_space<vmem>>, vector<1x256xf32>
    %add3A = vector.broadcast %get3A_16 : vector<1x256xf32> to vector<2048x256xf32>
    %add3A_17 = arith.addf %dot_general3A_13, %add3A : vector<2048x256xf32>
    %max3A = arith.constant 0.000000e+00 : f32
    %max3A_18 = vector.broadcast %max3A : f32 to vector<2048x256xf32>
    %max3A_19 = arith.maximumf %add3A_17, %max3A_18 : vector<2048x256xf32>
    %get3A_20 = arith.constant 0 : index
    %get3A_21 = arith.constant 0 : index
    %get3A_22 = vector.load %arg12[%get3A_20, %get3A_21] : memref<256x512xf32, #tpu.memory_space<vmem>>, vector<256x512xf32>
    %dot_general3A_23 = arith.constant dense<0.000000e+00> : vector<2048x512xf32>
    %dot_general3A_24 = tpu.matmul %max3A_19, %get3A_22, %dot_general3A_23 {dimension_numbers = #tpu.dot_dimension_numbers<[1], [0], [0], [1], [0, 0, 1, 1], [], []>, transpose_lhs_hint = false} : vector<2048x256xf32>, vector<256x512xf32>, vector<2048x512xf32> -> vector<2048x512xf32>
    %slice3A_25 = vector.extract_strided_slice %dot_general3A_24 {offsets = [0, 0], sizes = [2048, 256], strides = [1, 1]} : vector<2048x512xf32> to vector<2048x256xf32>
    %get3A_26 = arith.constant 0 : index
    %get3A_27 = arith.constant 0 : index
    %get3A_28 = vector.load %arg13[%get3A_26, %get3A_27] : memref<1x256xf32, #tpu.memory_space<vmem>>, vector<1x256xf32>
    %add3A_29 = vector.broadcast %get3A_28 : vector<1x256xf32> to vector<2048x256xf32>
    %add3A_30 = arith.addf %slice3A_25, %add3A_29 : vector<2048x256xf32>
    %slice3A_31 = vector.extract_strided_slice %dot_general3A_24 {offsets = [0, 256], sizes = [2048, 256], strides = [1, 1]} : vector<2048x512xf32> to vector<2048x256xf32>
    %slice3A_32 = vector.extract_strided_slice %get3A_2 {offsets = [0, 0, 128], sizes = [128, 16, 128], strides = [1, 1, 1]} : vector<128x16x256xf32> to vector<128x16x128xf32>
    %reshape3A_33 = vector.shape_cast %slice3A_32 : vector<128x16x128xf32> to vector<2048x128xf32>
    %get3A_34 = arith.constant 0 : index
    %get3A_35 = arith.constant 0 : index
    %get3A_36 = vector.load %arg8[%get3A_34, %get3A_35] : memref<128x512xf32, #tpu.memory_space<vmem>>, vector<128x512xf32>
    %dot_general3A_37 = arith.constant dense<0.000000e+00> : vector<2048x512xf32>
    %dot_general3A_38 = tpu.matmul %reshape3A_33, %get3A_36, %dot_general3A_37 {dimension_numbers = #tpu.dot_dimension_numbers<[1], [0], [0], [1], [0, 0, 1, 1], [], []>, transpose_lhs_hint = false} : vector<2048x128xf32>, vector<128x512xf32>, vector<2048x512xf32> -> vector<2048x512xf32>
    %get3A_39 = arith.constant 0 : index
    %get3A_40 = arith.constant 0 : index
    %get3A_41 = vector.load %arg9[%get3A_39, %get3A_40] : memref<1x512xf32, #tpu.memory_space<vmem>>, vector<1x512xf32>
    %add3A_42 = vector.broadcast %get3A_41 : vector<1x512xf32> to vector<2048x512xf32>
    %add3A_43 = arith.addf %dot_general3A_38, %add3A_42 : vector<2048x512xf32>
    %slice3A_44 = vector.extract_strided_slice %add3A_43 {offsets = [0, 0], sizes = [2048, 256], strides = [1, 1]} : vector<2048x512xf32> to vector<2048x256xf32>
    %slice3A_45 = vector.extract_strided_slice %add3A_43 {offsets = [0, 256], sizes = [2048, 256], strides = [1, 1]} : vector<2048x512xf32> to vector<2048x256xf32>
    %get3A_46 = arith.constant 0 : index
    %get3A_47 = arith.constant 0 : index
    %get3A_48 = vector.load %arg6[%get3A_46, %get3A_47] : memref<128x256xf32, #tpu.memory_space<vmem>>, vector<128x256xf32>
    %dot_general3A_49 = arith.constant dense<0.000000e+00> : vector<128x256xf32>
    %dot_general3A_50 = tpu.matmul %get3A_8, %get3A_48, %dot_general3A_49 {dimension_numbers = #tpu.dot_dimension_numbers<[1], [0], [0], [1], [0, 0, 1, 1], [], []>, transpose_lhs_hint = false} : vector<128x128xf32>, vector<128x256xf32>, vector<128x256xf32> -> vector<128x256xf32>
    %get3A_51 = arith.constant 0 : index
    %get3A_52 = arith.constant 0 : index
    %get3A_53 = vector.load %arg7[%get3A_51, %get3A_52] : memref<1x256xf32, #tpu.memory_space<vmem>>, vector<1x256xf32>
    %add3A_54 = vector.broadcast %get3A_53 : vector<1x256xf32> to vector<128x256xf32>
    %add3A_55 = arith.addf %dot_general3A_50, %add3A_54 : vector<128x256xf32>
    %broadcast_in_dim3A_56 = vector.shape_cast %add3A_55 : vector<128x256xf32> to vector<128x1x256xf32>
    %broadcast_in_dim3A_57 = vector.shape_cast %broadcast_in_dim3A_56 : vector<128x1x256xf32> to vector<128x1x256xf32>
    %broadcast_in_dim3A_58 = vector.broadcast %broadcast_in_dim3A_57 : vector<128x1x256xf32> to vector<128x16x256xf32>
    %reshape3A_59 = vector.shape_cast %broadcast_in_dim3A_58 : vector<128x16x256xf32> to vector<2048x256xf32>
    %sub3A_60 = arith.subf %reshape3A_59, %slice3A_44 : vector<2048x256xf32>
    %add3A_61 = arith.addf %sub3A_60, %slice3A_31 : vector<2048x256xf32>
    %max3A_62 = arith.constant 0.000000e+00 : f32
    %max3A_63 = vector.broadcast %max3A_62 : f32 to vector<2048x256xf32>
    %max3A_64 = arith.maximumf %add3A_61, %max3A_63 : vector<2048x256xf32>
    %get3A_65 = arith.constant 0 : index
    %get3A_66 = arith.constant 0 : index
    %get3A_67 = vector.load %arg14[%get3A_65, %get3A_66] : memref<256x256xf32, #tpu.memory_space<vmem>>, vector<256x256xf32>
    %dot_general3A_68 = arith.constant dense<0.000000e+00> : vector<2048x256xf32>
    %dot_general3A_69 = tpu.matmul %max3A_64, %get3A_67, %dot_general3A_68 {dimension_numbers = #tpu.dot_dimension_numbers<[1], [0], [0], [1], [0, 0, 1, 1], [], []>, transpose_lhs_hint = false} : vector<2048x256xf32>, vector<256x256xf32>, vector<2048x256xf32> -> vector<2048x256xf32>
    %get3A_70 = arith.constant 0 : index
    %get3A_71 = arith.constant 0 : index
    %get3A_72 = vector.load %arg15[%get3A_70, %get3A_71] : memref<1x256xf32, #tpu.memory_space<vmem>>, vector<1x256xf32>
    %add3A_73 = vector.broadcast %get3A_72 : vector<1x256xf32> to vector<2048x256xf32>
    %add3A_74 = arith.addf %dot_general3A_69, %add3A_73 : vector<2048x256xf32>
    %mul3A = arith.constant 6.250000e-02 : f32
    %mul3A_75 = vector.broadcast %mul3A : f32 to vector<2048x256xf32>
    %mul3A_76 = arith.mulf %add3A_74, %mul3A_75 : vector<2048x256xf32>
    %reshape3A_77 = vector.shape_cast %mul3A_76 : vector<2048x256xf32> to vector<128x16x256xf32>
    %reduce_max3A = arith.constant dense<0xFF800000> : vector<128x256xf32>
    %reduce_max3A_78 = vector.multi_reduction <maximumf>, %reshape3A_77, %reduce_max3A [1] : vector<128x16x256xf32> to vector<128x256xf32>
    %broadcast_in_dim3A_79 = vector.shape_cast %reduce_max3A_78 : vector<128x256xf32> to vector<128x1x256xf32>
    %sub3A_80 = vector.broadcast %broadcast_in_dim3A_79 : vector<128x1x256xf32> to vector<128x16x256xf32>
    %sub3A_81 = arith.subf %reshape3A_77, %sub3A_80 : vector<128x16x256xf32>
    %exp3A = math.exp %sub3A_81 : vector<128x16x256xf32>
    %reduce_sum3A = arith.constant dense<0.000000e+00> : vector<128x256xf32>
    %reduce_sum3A_82 = vector.multi_reduction <add>, %exp3A, %reduce_sum3A [1] : vector<128x16x256xf32> to vector<128x256xf32>
    %broadcast_in_dim3A_83 = vector.shape_cast %reduce_sum3A_82 : vector<128x256xf32> to vector<128x1x256xf32>
    %div3A = vector.broadcast %broadcast_in_dim3A_83 : vector<128x1x256xf32> to vector<128x16x256xf32>
    %div3A_84 = arith.divf %exp3A, %div3A : vector<128x16x256xf32>
    %swap3A = arith.constant 0 : index
    %swap3A_85 = arith.constant 0 : index
    %swap3A_86 = arith.constant 0 : index
    %swap3A_87 = vector.load %arg18[%swap3A, %swap3A_85, %swap3A_86] : memref<128x16x256xf32, #tpu.memory_space<vmem>>, vector<128x16x256xf32>
    tpu.vector_store %arg18[%swap3A, %swap3A_85, %swap3A_86], %div3A_84 {strides = array<i32>} : memref<128x16x256xf32, #tpu.memory_space<vmem>>, vector<128x16x256xf32>,
    %reshape3A_88 = vector.shape_cast %add3A_30 : vector<2048x256xf32> to vector<128x16x256xf32>
    %reshape3A_89 = vector.shape_cast %slice3A_45 : vector<2048x256xf32> to vector<128x16x256xf32>
    %add3A_90 = arith.addf %reshape3A_89, %reshape3A_88 : vector<128x16x256xf32>
    %mul3A_91 = arith.mulf %div3A_84, %add3A_90 : vector<128x16x256xf32>
    %reduce_sum3A_92 = arith.constant dense<0.000000e+00> : vector<128x256xf32>
    %reduce_sum3A_93 = vector.multi_reduction <add>, %mul3A_91, %reduce_sum3A_92 [1] : vector<128x16x256xf32> to vector<128x256xf32>
    %get3A_94 = arith.constant 0 : index
    %get3A_95 = arith.constant 0 : index
    %get3A_96 = vector.load %arg16[%get3A_94, %get3A_95] : memref<256x128xf32, #tpu.memory_space<vmem>>, vector<256x128xf32>
    %dot_general3A_97 = arith.constant dense<0.000000e+00> : vector<128x128xf32>
    %dot_general3A_98 = tpu.matmul %reduce_sum3A_93, %get3A_96, %dot_general3A_97 {dimension_numbers = #tpu.dot_dimension_numbers<[1], [0], [0], [1], [0, 0, 1, 1], [], []>, transpose_lhs_hint = false} : vector<128x256xf32>, vector<256x128xf32>, vector<128x128xf32> -> vector<128x128xf32>
    %get3A_99 = arith.constant 0 : index
    %get3A_100 = arith.constant 0 : index
    %get3A_101 = vector.load %arg17[%get3A_99, %get3A_100] : memref<1x128xf32, #tpu.memory_space<vmem>>, vector<1x128xf32>
    %add3A_102 = vector.broadcast %get3A_101 : vector<1x128xf32> to vector<128x128xf32>
    %add3A_103 = arith.addf %dot_general3A_98, %add3A_102 : vector<128x128xf32>
    %add3A_104 = arith.addf %add3A_103, %get3A_8 : vector<128x128xf32>
    %swap3A_105 = arith.constant 0 : index
    %swap3A_106 = arith.constant 0 : index
    %swap3A_107 = vector.load %arg19[%swap3A_105, %swap3A_106] : memref<128x128xf32, #tpu.memory_space<vmem>>, vector<128x128xf32>
    tpu.vector_store %arg19[%swap3A_105, %swap3A_106], %add3A_104 {strides = array<i32>} : memref<128x128xf32, #tpu.memory_space<vmem>>, vector<128x128xf32>,
    return
  }
  func.func @transform_2(%arg0: i32) -> (i32, i32, i32) {
    %c0_i32 = arith.constant 0 : i32
    %c0_i32_0 = arith.constant 0 : i32
    %c0_i32_1 = arith.constant 0 : i32
    return %arg0, %c0_i32, %c0_i32_0 : i32, i32, i32
  }
  func.func @transform_3(%arg0: i32) -> (i32, i32) {
    %add3A = arith.constant 8 : i32
    %add3A_0 = arith.addi %add3A, %arg0 : i32
    %c0_i32 = arith.constant 0 : i32
    %c0_i32_1 = arith.constant 0 : i32
    return %add3A_0, %c0_i32 : i32, i32
  }
  func.func @transform_4(%arg0: i32) -> (i32, i32) {
    %c1_i32 = arith.constant 1 : i32
    %c0_i32 = arith.constant 0 : i32
    return %arg0, %c1_i32 : i32, i32
  }
  func.func @transform_5(%arg0: i32) -> (i32, i32) {
    %c0_i32 = arith.constant 0 : i32
    %c0_i32_0 = arith.constant 0 : i32
    %c0_i32_1 = arith.constant 0 : i32
    return %c0_i32, %c0_i32_0 : i32, i32
  }
  func.func @transform_6(%arg0: i32) -> (i32, i32) {
    %c0_i32 = arith.constant 0 : i32
    %c0_i32_0 = arith.constant 0 : i32
    %c0_i32_1 = arith.constant 0 : i32
    return %c0_i32, %c0_i32_0 : i32, i32
  }
  func.func @transform_7(%arg0: i32) -> (i32, i32) {
    %c0_i32 = arith.constant 0 : i32
    %c0_i32_0 = arith.constant 0 : i32
    %c0_i32_1 = arith.constant 0 : i32
    return %c0_i32, %c0_i32_0 : i32, i32
  }
  func.func @transform_8(%arg0: i32) -> (i32, i32) {
    %c0_i32 = arith.constant 0 : i32
    %c0_i32_0 = arith.constant 0 : i32
    %c0_i32_1 = arith.constant 0 : i32
    return %c0_i32, %c0_i32_0 : i32, i32
  }
  func.func @transform_9(%arg0: i32) -> (i32, i32) {
    %c0_i32 = arith.constant 0 : i32
    %c0_i32_0 = arith.constant 0 : i32
    %c0_i32_1 = arith.constant 0 : i32
    return %c0_i32, %c0_i32_0 : i32, i32
  }
  func.func @transform_10(%arg0: i32) -> (i32, i32) {
    %c0_i32 = arith.constant 0 : i32
    %c0_i32_0 = arith.constant 0 : i32
    %c0_i32_1 = arith.constant 0 : i32
    return %c0_i32, %c0_i32_0 : i32, i32
  }
  func.func @transform_11(%arg0: i32) -> (i32, i32) {
    %c0_i32 = arith.constant 0 : i32
    %c0_i32_0 = arith.constant 0 : i32
    %c0_i32_1 = arith.constant 0 : i32
    return %c0_i32, %c0_i32_0 : i32, i32
  }
  func.func @transform_12(%arg0: i32) -> (i32, i32) {
    %c0_i32 = arith.constant 0 : i32
    %c0_i32_0 = arith.constant 0 : i32
    %c0_i32_1 = arith.constant 0 : i32
    return %c0_i32, %c0_i32_0 : i32, i32
  }
  func.func @transform_13(%arg0: i32) -> (i32, i32) {
    %c0_i32 = arith.constant 0 : i32
    %c0_i32_0 = arith.constant 0 : i32
    %c0_i32_1 = arith.constant 0 : i32
    return %c0_i32, %c0_i32_0 : i32, i32
  }
  func.func @transform_14(%arg0: i32) -> (i32, i32) {
    %c0_i32 = arith.constant 0 : i32
    %c0_i32_0 = arith.constant 0 : i32
    %c0_i32_1 = arith.constant 0 : i32
    return %c0_i32, %c0_i32_0 : i32, i32
  }
  func.func @transform_15(%arg0: i32) -> (i32, i32) {
    %c0_i32 = arith.constant 0 : i32
    %c0_i32_0 = arith.constant 0 : i32
    %c0_i32_1 = arith.constant 0 : i32
    return %c0_i32, %c0_i32_0 : i32, i32
  }
  func.func @transform_16(%arg0: i32) -> (i32, i32) {
    %c0_i32 = arith.constant 0 : i32
    %c0_i32_0 = arith.constant 0 : i32
    %c0_i32_1 = arith.constant 0 : i32
    return %c0_i32, %c0_i32_0 : i32, i32
  }
  func.func @transform_17(%arg0: i32) -> (i32, i32, i32) {
    %add3A = arith.constant 8 : i32
    %add3A_0 = arith.addi %add3A, %arg0 : i32
    %c0_i32 = arith.constant 0 : i32
    %c0_i32_1 = arith.constant 0 : i32
    %c0_i32_2 = arith.constant 0 : i32
    return %add3A_0, %c0_i32, %c0_i32_1 : i32, i32, i32
  }
  func.func @transform_18(%arg0: i32) -> (i32, i32) {
    %add3A = arith.constant 8 : i32
    %add3A_0 = arith.addi %add3A, %arg0 : i32
    %c0_i32 = arith.constant 0 : i32
    %c0_i32_1 = arith.constant 0 : i32
    return %add3A_0, %c0_i32 : i32, i32
  }
}

</mosaic_0001>

<sc_bundles>
// kernel: kernel.12.cloned.1.call-start
scs
__scs_entry_jumppad:
0x0: {  	(pc) =	sbr.rel $0x88, $3  }
0x1: {  	(tag) =	ssettag $0x0;
	lr =	simm.s32 $0x1  }
0x2: {  	[smem:$0x3F8D] =	sst lr;
	_ =	strace $0xD0000000  }
0x3: {  	_ = 	snop  }
0x4: {  	_ = 	snop  }
0x5: {  	_ = 	snop  }
0x6: {  	_ = 	snop  }
0x7: {  	_ = 	snop  }
__scs_overlays_trampoline_lowered:
0x8: {  	[smem:$0x3F9C] =	sst s0  }
0x9: {  	[smem:$0x3F9D] =	sst s1  }
0xa: {  	[smem:$0x3F9E] =	sst s2  }
0xb: {  	[smem:$0x3F9F] =	sst s3  }
0xc: {  	[smem:$0x3FA0] =	sst s4  }
0xd: {  	[smem:$0x3FA1] =	sst s5  }
0xe: {  	[smem:$0x3FA2] =	sst s6  }
0xf: {  	[smem:$0x3FA3] =	sst s7  }
0x10: {  	[smem:$0x3FA4] =	sst s8  }
0x11: {  	[smem:$0x3FA5] =	sst s9;
	s0 =	simm.s32 @!p0 $0x0  }
0x12: {  	s1 =	sld [smem:$0x3F8B];
	s0 =	simm.s32 @p0 $0x1  }
0x13: {  	[smem:$0x3FA6] =	sst s0;
	s0 =	simm.s32 @!p1 $0x0  }
0x14: {  	s2 =	sld [smem:$0x3F8A];
	s0 =	simm.s32 @p1 $0x1  }
0x15: {  	[smem:$0x3FA7] =	sst s0;
	s0 =	simm.s32 @!p2 $0x0  }
0x16: {  	s3 =	sld [smem:$0x3FDB];
	s0 =	simm.s32 @p2 $0x1  }
0x17: {  	s4 =	simm.s32 $0x1BF5;
	[smem:$0x3FA9] =	sst s0  }
0x18: {  	s0 =	sld [smem:$0x3F8C];
	_ =	swait.ge [sflag:s4], $0x0  }
0x19: {  	s7 =	sld [smem:$0x3F8D]  }
0x1a: {  	s8 =	sadd.s32 $0xFFFFE003, lr  }
0x1b: {  	s9 =	sadd.s32 $0xFFFFFEF7, lr;
	s5 =	simm.s32 $0xFFFFFFFF;
	p2 =	slt.u32 s8, $0xFFFFF086  }
0x1c: {  	p1 =	slt.u32 s9, $0xF7A;
	s5 =	simm.s32 @!p2 $0x0  }
0x1d: {  	s5 =	simm.s32 @p1 $0x1;
	p0 =	seq.s32 s7, s2  }
0x1e: {  	s7 =	smul.u32 @!p0 $0xF7A, s2;
	p2 =	seq.s32 @!p0 s5, $0x0  }
0x1f: {  	s9 =	smul.u32 $0xF7A, s1;
	s8 =	simm.s32 @!p0 $0x1BF5;
	p2 =	por !p2, p0  }
0x20: {  	[sflag:s8] =	ssyncset.s32 @!p0 $0xFFFFF086;
	s6 =	sadd.s32 @!p0 s3, s7;
	s7 =	simm.s32 @!p0 $0x108  }
0x21: {  	s3 =	sadd.s32 s3, s9;
	s6 =	sadd.s32 @!p0 $0x88, s6;
	s7 =	simm.s32 @p2 $0x1082  }
0x22: {  	[simem:s7], [sflag:s8] =	dma.local @!p0 [hbm:s6], $0xF7A  }
0x23: {  	s9 =	sor.u32 $0xD0000000, s2;
	s6 =	simm.s32 $0x108;
	_ =	swait.ge @!p0 [sflag:s8], $0x0  }
0x24: {  	s3 =	sadd.s32 $0x88, s3;
	s6 =	simm.s32 @!p1 $0x1082;
	[sflag:s4] =	ssyncset.s32 $0xFFFFF086  }
0x25: {  	[simem:s6], [sflag:s4] =	dma.local [hbm:s3], $0xF7A  }
0x26: {  	[smem:$0x3F8D] =	sst s1;
	(tag) =	ssettag s2;
	_ =	strace s9  }
0x27: {  	s1 =	sld [smem:$0x3F9D]  }
0x28: {  	s2 =	sld [smem:$0x3F9E]  }
0x29: {  	s4 =	sld [smem:$0x3FA0]  }
0x2a: {  	p0 =	seq.s32 s5, $0x0;
	s5 =	sld [smem:$0x3FA1]  }
0x2b: {  	s6 =	sld [smem:$0x3FA2]  }
0x2c: {  	s7 =	sld [smem:$0x3FA3]  }
0x2d: {  	s3 =	simm.s32 $0x108;
	s8 =	sld [smem:$0x3FA4]  }
0x2e: {  	s3 =	simm.s32 @!p0 $0x1082;
	s9 =	sld [smem:$0x3FA5]  }
0x2f: {  	lr =	sadd.s32 s0, s3;
	s0 =	sld [smem:$0x3F9C]  }
0x30: {  	s3 =	sld [smem:$0x3F9F]  }
0x31: {  	[smem:$0x3FA8] =	sst s10  }
0x32: {  	s10 =	sld [smem:$0x3FA6];
	_ =	sdelay $0x3  }
0x33: {  	p0 =	seq.s32 s10, $0x1;
	s10 =	sld [smem:$0x3FA8];
	_ =	sdelay $0x3  }
0x34: {  	[smem:$0x3FA8] =	sst s10  }
0x35: {  	s10 =	sld [smem:$0x3FA7];
	_ =	sdelay $0x3  }
0x36: {  	p1 =	seq.s32 s10, $0x1;
	s10 =	sld [smem:$0x3FA8];
	_ =	sdelay $0x3  }
0x37: {  	[smem:$0x3FA8] =	sst s10  }
0x38: {  	s10 =	sld [smem:$0x3FA9]  }
0x39: {  	_ = 	snop;
	(pc) =	sbr.ind lr, $3  }
0x3a: {  	_ = 	snop  }
0x3b: {  	_ = 	snop  }
0x3c: {  	p2 =	seq.s32 s10, $0x1;
	s10 =	sld [smem:$0x3FA8]  }
0x3d: {  	_ =	shalt  }
0x3e: {  	_ =	shalt  }
0x3f: {  	_ =	shalt  }
0x40: {  	_ =	shalt  }
0x41: {  	_ =	shalt  }
0x42: {  	_ =	shalt  }
0x43: {  	_ =	shalt  }
0x44: {  	_ =	shalt  }
0x45: {  	_ =	shalt  }
0x46: {  	_ =	shalt  }
0x47: {  	_ =	shalt  }
0x48: {  	_ =	shalt  }
0x49: {  	_ =	shalt  }
0x4a: {  	_ =	shalt  }
0x4b: {  	_ =	shalt  }
0x4c: {  	_ =	shalt  }
0x4d: {  	_ =	shalt  }
0x4e: {  	_ =	shalt  }
0x4f: {  	_ =	shalt  }
0x50: {  	_ =	shalt  }
0x51: {  	_ =	shalt  }
0x52: {  	_ =	shalt  }
0x53: {  	_ =	shalt  }
0x54: {  	_ =	shalt  }
0x55: {  	_ =	shalt  }
0x56: {  	_ =	shalt  }
0x57: {  	_ =	shalt  }
0x58: {  	_ =	shalt  }
0x59: {  	_ =	shalt  }
0x5a: {  	_ =	shalt  }
0x5b: {  	_ =	shalt  }
0x5c: {  	_ =	shalt  }
0x5d: {  	_ =	shalt  }
0x5e: {  	_ =	shalt  }
0x5f: {  	_ =	shalt  }
0x60: {  	_ =	shalt  }
0x61: {  	_ =	shalt  }
0x62: {  	_ =	shalt  }
0x63: {  	_ =	shalt  }
0x64: {  	_ =	shalt  }
0x65: {  	_ =	shalt  }
0x66: {  	_ =	shalt  }
0x67: {  	_ =	shalt  }
0x68: {  	_ =	shalt  }
0x69: {  	_ =	shalt  }
0x6a: {  	_ =	shalt  }
0x6b: {  	_ =	shalt  }
0x6c: {  	_ =	shalt  }
0x6d: {  	_ =	shalt  }
0x6e: {  	_ =	shalt  }
0x6f: {  	_ =	shalt  }
0x70: {  	_ =	shalt  }
0x71: {  	_ =	shalt  }
0x72: {  	_ =	shalt  }
0x73: {  	_ =	shalt  }
0x74: {  	_ =	shalt  }
0x75: {  	_ =	shalt  }
0x76: {  	_ =	shalt  }
0x77: {  	_ =	shalt  }
0x78: {  	_ =	shalt  }
0x79: {  	_ =	shalt  }
0x7a: {  	_ =	shalt  }
0x7b: {  	_ =	shalt  }
0x7c: {  	_ =	shalt  }
0x7d: {  	_ =	shalt  }
0x7e: {  	_ =	shalt  }
0x7f: {  	_ =	shalt  }
0x80: {  	_ =	shalt  }
0x81: {  	_ =	shalt  }
0x82: {  	_ =	shalt  }
0x83: {  	_ =	shalt  }
0x84: {  	_ =	shalt  }
0x85: {  	_ =	shalt  }
0x86: {  	_ =	shalt  }
0x87: {  	_ =	shalt  }
.Lfunc_end0:
.L_simem_size_0:
called_computation.1_lowered:
.L_overlay_start_0:
0x88: {  	s2 =	sld [smem:$0x3FD9]  }
0x89: {  	s3 =	sld [smem:$0x3FFE];
	_ =	sdelay $0x1  }
0x8a: {  	s1 =	srdreg.scid  }
0x8b: {  	s0 =	sand.u32 $0x1, s1  }
0x8c: {  	s17 =	sshll.u32 s0, $0xA;
	s2 =	sadd.s32 s3, s2  }
0x8d: {  	s2 =	sadd.s32 s2, s17  }
0x8e: {  	[smem:$0x3FB4] =	sst s2  }
0x8f: {  	_ = 	snop  }
0x90: {  	(tm) =	ssettm $0x1  }
0x91: {  	s18 =	sld [smem:$0x3FFB];
	_ =	sdelay $0x3  }
0x92: {  	_ =	strace s18  }
0x93: {  	s2 =	sld [smem:$0x3FFC];
	_ =	sdelay $0x3  }
0x94: {  	_ =	strace s2  }
0x95: {  	s2 =	sld [smem:$0x3FFD];
	_ =	sdelay $0x3  }
0x96: {  	_ =	strace s2  }
0x97: {  	_ =	strace $0x8FFFFFFF  }
0x98: {  	s19 =	sld [smem:$0x3FDB];
	_ =	sdelay $0x1  }
0x99: {  	s20 =	simm.s32 $_scs_section_size  }
0x9a: {  	s4 =	simm.s32 $_size__tile_overlayer_lowered;
	s5 =	simm.s32 $_tile_overlayer_lowered  }
0x9b: {  	s6 =	simm.s32 $0x1BFF;
	s21 =	sshll.u32 s5, $0x1;
	s3 =	sadd.s32 s20, s19  }
0x9c: {  	s22 =	simm.s32 $0x0;
	s4 =	sshll.u32 s4, $0x1;
	s5 =	sadd.s32 s21, s3  }
0x9d: {  	[timem:s22], [sflag:s6] =	dma.local [hbm:s5], s4  }
0x9e: {  	_ =	swait.ge [sflag:s6], s4  }
0x9f: {  	s4 =	ssub.s32 $0x0, s4;
	[sflag:s6] =	ssyncset.done $0x0  }
0xa0: {  	[sflag:s6] =	ssyncadd.s32 s4;
	_ =	sdelay $0x1  }
0xa1: {  	s23 =	simm.s32 $0x1B8B  }
0xa2: {  	_ =	swait.ge [sflag:s23], $0x1  }
0xa3: {  	[sflag:s23] =	ssyncset.done $0x0  }
0xa4: {  	[sflag:s23] =	ssyncadd.s32 $0xFFFFFFFF  }
0xa5: {  	s4 =	sld [smem:$0x0]  }
0xa6: {  	s5 =	sand.u32 $0xFFFFFFFE, s1  }
0xa7: {  	p0 =	sne.s32 s1, s5  }
0xa8: {  	s5 =	sshll.u32 @p0 s5, $0xE  }
0xa9: {  	s5 =	sadd.s32 @p0 $0x11B8D, s5;
	s6 =	sshll.u32 @p0 s4, $0x11  }
0xaa: {  	s5 =	sor.u32 @p0 s6, s5  }
0xab: {  	[sflag:s5] =	ssyncadd.remote.s32 @p0 $0x1;
	_ =	sdelay $0x1  }
0xac: {  	s5 =	simm.s32 @p0 $0x1B8D  }
0xad: {  	_ =	swait.eq @p0 [sflag:s5], $0x1  }
0xae: {  	[sflag:s5] =	ssyncadd.s32 @p0 $0xFFFFFFFF  }
0xaf: {  	s6 =	sshll.u32 @!p0 s1, $0xE  }
0xb0: {  	s6 =	sor.u32 @!p0 $0x4000, s6;
	s5 =	simm.s32 @!p0 $0x1B8D  }
0xb1: {  	s4 =	sshll.u32 @!p0 s4, $0x11;
	s6 =	sadd.s32 @!p0 $0x11B8D, s6;
	_ =	swait.eq @!p0 [sflag:s5], $0x1  }
0xb2: {  	s4 =	sor.u32 @!p0 s4, s6;
	[sflag:s5] =	ssyncadd.s32 @!p0 $0xFFFFFFFF  }
0xb3: {  	s25 =	simm.s32 $0x1B8E;
	s24 =	sld [smem:$0x3FFE];
	[sflag:s4] =	ssyncadd.remote.s32 @!p0 $0x1  }
0xb4: {  	s26 =	simm.s32 $execute0_lowered;
	[smem:$0x3FD2] =	sst s25  }
0xb5: {  	s5 =	sshll.u32 s26, $0x1;
	_ =	strace $0x80000049;
	[dreg:$0x1] =	wrdreg $0xFFFFFFFF  }
0xb6: {  	s28 =	simm.s32 $_size_execute0_lowered;
	s3 =	sadd.s32 s3, s5;
	[dreg:$0x0] =	wrdreg $0x0  }
0xb7: {  	s5 =	sshll.u32 s28, $0x1;
	[dreg:$0x2] =	wrdreg s3  }
0xb8: {  	[dreg:$0x3] =	wrdreg s5  }
0xb9: {  	[dreg:$0x4] =	wrdreg $0xC0  }
0xba: {  	_ =	task [dreg:s22], $0x5FFFF  }
0xbb: {  	[dreg:$0x1] =	wrdreg $0xFFFFFFFF  }
0xbc: {  	[dreg:$0x0] =	wrdreg $0x60  }
0xbd: {  	[dreg:$0x2] =	wrdreg s24  }
0xbe: {  	[dreg:$0x3] =	wrdreg $0xA  }
0xbf: {  	_ =	task.clear_ibuf [dreg:s22], $0x4FFFF;
	_ =	strace $0x90000049  }
0xc0: {  	s29 =	simm.s32 $0xA;
	_ =	strace $0x8000004B  }
0xc1: {  	_ =	swait.ge [sflag:s29], $0x1  }
0xc2: {  	[sflag:s29] =	ssyncadd.s32 $0xFFFFFFFF  }
0xc3: {  	_ =	strace $0x9000004B  }
0xc4: {  	_ =	sfence  }
0xc5: {  	s30 =	sld [smem:$0x0];
	_ =	sdelay $0x2  }
0xc6: {  	s31 =	sshll.u32 s1, $0xD;
	s1 =	sshrl.u32 s1, $0x2  }
0xc7: {  	s4 =	sand.u32 $0x4000, s31;
	s1 =	sadd.s32 s1, s30  }
0xc8: {  	s0 =	sor.u32 s4, s0;
	s1 =	sshll.u32 s1, $0x11  }
0xc9: {  	s0 =	sor.u32 s1, s0  }
0xca: {  	s0 =	sadd.s32 $0x8F2B, s0  }
0xcb: {  	[sflag:s0] =	ssyncadd.remote.s32 $0x1  }
0xcc: {  	_ =	sfence.sel $0xFFFF  }
0xcd: {  	[dreg:$0x0] =	wrdreg $0xFFFFFFFF;
	(pc) =	sbr.abs _section_cstart, $3  }
0xce: {  	[dreg:$0x1] =	wrdreg $0xFFFFFFFF  }
0xcf: {  	_ =	task.clear_ibuf [dreg:s22], $0x2FFFF;
	_ =	strace $0x9FFFFFFF  }
0xd0: {  	(tm) =	ssettm $0x7FFFFFFF  }
0xd1: {  	_ =	shalt  }
tec
execute0_lowered:
.L_overlay_start_1:
0x0: {  	(tag) =	ssettag $0x1  }
0x1: {  	s1 =	srdreg.scid  }
0x2: {  	s0 =	stileid.u32;
	s1 =	sand.u32 $0x1, s1  }
0x3: {  	s2 =	sshll.u32 s0, $0xA;
	s3 =	sshll.u32 s1, $0x9  }
0x4: {  	s4 =	rddreg [dreg:$0x0];
	s3 =	sor.u32 s3, s2;
	s2 =	simm.s32 $0x0  }
0x5: {  	s20 =	simm.s32 $0x8A00;
	[smem:$0x7FF] =	sst s2  }
0x6: {  	s21 =	simm.s32 $0x9200;
	_ =	strace $0x8000004A;
	[dreg:$0x7] =	wrdreg s20  }
0x7: {  	s22 =	simm.s32 $0x9A00;
	[dreg:$0x8] =	wrdreg s21  }
0x8: {  	s23 =	simm.s32 $0xA200;
	s24 =	simm.s32 $0xAA00;
	[dreg:$0x9] =	wrdreg s22  }
0x9: {  	s25 =	simm.s32 $0xB200;
	s6 =	simm.s32 $0xC200;
	[dreg:$0xa] =	wrdreg s23  }
0xa: {  	s7 =	simm.s32 $0xCA00;
	s8 =	simm.s32 $0xD200;
	[dreg:$0xb] =	wrdreg s24  }
0xb: {  	s9 =	simm.s32 $0xDA00;
	s0 =	simm.s32 $0xBA00;
	[dreg:$0xc] =	wrdreg s25  }
0xc: {  	s10 =	simm.s32 $0xE200;
	s11 =	simm.s32 $0xEA00;
	[dreg:$0xd] =	wrdreg s0  }
0xd: {  	s12 =	simm.s32 $0xF200;
	s13 =	simm.s32 $0xFA00;
	[dreg:$0xe] =	wrdreg s6  }
0xe: {  	s14 =	simm.s32 $0x10A00;
	s15 =	simm.s32 $0x11200;
	[dreg:$0xf] =	wrdreg s7  }
0xf: {  	s16 =	simm.s32 $0x11A00;
	s28 =	simm.s32 $0x2;
	[dreg:$0x10] =	wrdreg s8  }
0x10: {  	s29 =	simm.s32 $0x4;
	s30 =	simm.s32 $0x3;
	[dreg:$0x11] =	wrdreg s9  }
0x11: {  	s31 =	simm.s32 $0x5;
	s1 =	ssub.s32 $0x2, s1;
	[dreg:$0x12] =	wrdreg s10  }
0x12: {  	s26 =	sshrl.u32 s1, $0x1;
	s5 =	sshrl.u32 s3, $0x3;
	[dreg:$0x13] =	wrdreg s11  }
0x13: {  	s3 =	sshll.u32 s3, $0x5;
	s1 =	ssub.s32 s1, s26;
	[dreg:$0x14] =	wrdreg s12  }
0x14: {  	s26 =	simm.s32 $0x16A00;
	s5 =	sadd.s32 s5, s4;
	[dreg:$0x15] =	wrdreg s13  }
0x15: {  	s3 =	sadd.s32 s3, s4;
	s6 =	simm.s32 $0x200;
	[dreg:$0x16] =	wrdreg s14  }
0x16: {  	s7 =	simm.s32 $0xA00;
	s8 =	simm.s32 $0x1200;
	[dreg:$0x17] =	wrdreg s15  }
0x17: {  	s9 =	simm.s32 $0x1A00;
	s10 =	simm.s32 $0x2200;
	[dreg:$0x18] =	wrdreg s16  }
0x18: {  	s11 =	simm.s32 $0x2A00;
	s20 =	simm.s32 $0x13A00;
	[smem:$0x7FD] =	sst s26  }
0x19: {  	s12 =	simm.s32 $0x3200;
	s21 =	simm.s32 $0x14200;
	[dreg:$0x1c] =	wrdreg s20  }
0x1a: {  	s13 =	simm.s32 $0x3A00;
	s22 =	simm.s32 $0x14A00;
	[dreg:$0x1d] =	wrdreg s21  }
0x1b: {  	s14 =	simm.s32 $0x4200;
	s23 =	simm.s32 $0x15200;
	[dreg:$0x1e] =	wrdreg s22  }
0x1c: {  	s15 =	simm.s32 $0x4A00;
	s24 =	simm.s32 $0x15A00;
	[dreg:$0x1f] =	wrdreg s23  }
0x1d: {  	s16 =	simm.s32 $0x5200;
	s25 =	simm.s32 $0x16200;
	[smem:$0x7FB] =	sst s24  }
0x1e: {  	s26 =	simm.s32 $0x17A00;
	s5 =	sadd.s32 $0xCC00, s5;
	[smem:$0x7FC] =	sst s25  }
0x1f: {  	s17 =	sadd.s32 $0xD400, s3;
	s18 =	sadd.s32 $0xE400, s3;
	[dreg:$0x2] =	wrdreg s5  }
0x20: {  	s19 =	sadd.s32 $0xF400, s3;
	s3 =	sadd.s32 $0x10400, s3;
	[dreg:$0x3] =	wrdreg s17  }
0x21: {  	s20 =	simm.s32 $0x7200;
	s21 =	simm.s32 $0x7A00;
	[dreg:$0x4] =	wrdreg s18  }
0x22: {  	s22 =	simm.s32 $0x8200;
	s23 =	simm.s32 $0x1;
	[dreg:$0x5] =	wrdreg s19  }
0x23: {  	s24 =	simm.s32 $0x10200;
	[dreg:$0x6] =	wrdreg s3;
	s3 =	sadd.s32 $0x4C00, s4  }
0x24: {  	s4 =	smax.u32 s1, $0x1;
	s5 =	simm.s32 $0x7;
	s17 =	simm.s32 $0x12200  }
0x25: {  	v2 =	vlaneseq.u32;
	s18 =	simm.s32 $0x12A00;
	s19 =	simm.s32 $0x13200;
	[dreg:$0x19] =	wrdreg s17  }
0x26: {  	vm0 =	vmmov $0xffff;
	v1 =	vshrl.u32 v2, $0x3;
	s1 =	simm.s32 $0x6;
	[dreg:$0x1a] =	wrdreg s18;
	s17 =	simm.s32 $0x5A00  }
0x27: {  	v0 =	vand.u32 $0x7, v2;
	v2 =	vor.u32 $0x8, v2;
	v1 =	vmul.u32 $0x8, v1;
	[dreg:$0x1b] =	wrdreg s19;
	s18 =	simm.s32 $0x6200;
	s19 =	simm.s32 $0x6A00  }
.LBB2_1:
0x28: {  	s0 =	rddreg [dreg:$0x2]  }
0x29: {  	[tilespmem:s2], [sflag:$0x7] =	stream.linear.gather [hbm4b:s0+s2], $0x200, $0x38;
	[tilespmem:$0x18200] =	vst v63  }
0x2a: {  	_ =	swait.ge [sflag:s5], $0x200  }
0x2b: {  	[sflag:s5] =	ssyncset.done $0x0  }
0x2c: {  	[sflag:s5] =	ssyncadd.s32 $0xFFFFFE00  }
0x2d: {  	v3 =	vld [tilespmem:$0x0];
	_ =	sdelay $0x4  }
0x2e: {  	v4 =	vshll.u32 v3, $0x1  }
0x2f: {  	v3 =	vand.u32 $0x7, v3;
	v4 =	vand.u32 $0xFFFFFFF0, v4  }
0x30: {  	v3 =	vor.u32 v3, v4  }
0x31: {  	v4 =	vperm.xlane v3, v0;
	_ =	sdelay $0x1  }
0x32: {  	v3 =	vperm.xlane v3, v2;
	v4 =	vadd.s32 v1, v4;
	_ =	sdelay $0x1  }
0x33: {  	v3 =	vadd.s32 v1, v3;
	_ =	sdelay $0x2  }
0x34: {  	[tilespmem:s6], [sflag:$0x1] =	stream.indirect_vreg.gather [hbm4b:s3+s2], $0x80, v4, vm0, $0xb8;
	[tilespmem:$0x18200] =	vst v63  }
0x35: {  	_ = 	snop  }
0x36: {  	[tilespmem:s7], [sflag:$0x1] =	stream.indirect_vreg.gather [hbm4b:s3+s2], $0x80, v3, vm0, $0xb8;
	[tilespmem:$0x18200] =	vst v63  }
0x37: {  	v3 =	vld [tilespmem:$0x10];
	_ =	sdelay $0x4  }
0x38: {  	v33 =	vshll.u32 v3, $0x1  }
0x39: {  	v3 =	vand.u32 $0x7, v3;
	v4 =	vand.u32 $0xFFFFFFF0, v33  }
0x3a: {  	v3 =	vor.u32 v3, v4  }
0x3b: {  	v4 =	vperm.xlane v3, v0;
	_ =	sdelay $0x1  }
0x3c: {  	v3 =	vperm.xlane v3, v2;
	v4 =	vadd.s32 v1, v4;
	_ =	sdelay $0x1  }
0x3d: {  	v3 =	vadd.s32 v1, v3;
	_ =	sdelay $0x2  }
0x3e: {  	[tilespmem:s8], [sflag:$0x1] =	stream.indirect_vreg.gather [hbm4b:s3+s2], $0x80, v4, vm0, $0xb8;
	[tilespmem:$0x18200] =	vst v63  }
0x3f: {  	_ = 	snop  }
0x40: {  	[tilespmem:s9], [sflag:$0x1] =	stream.indirect_vreg.gather [hbm4b:s3+s2], $0x80, v3, vm0, $0xb8;
	[tilespmem:$0x18200] =	vst v63  }
0x41: {  	v3 =	vld [tilespmem:$0x20];
	_ =	sdelay $0x4  }
0x42: {  	v34 =	vshll.u32 v3, $0x1  }
0x43: {  	v3 =	vand.u32 $0x7, v3;
	v4 =	vand.u32 $0xFFFFFFF0, v34  }
0x44: {  	v3 =	vor.u32 v3, v4  }
0x45: {  	v4 =	vperm.xlane v3, v0;
	_ =	sdelay $0x1  }
0x46: {  	v3 =	vperm.xlane v3, v2;
	v4 =	vadd.s32 v1, v4;
	_ =	sdelay $0x1  }
0x47: {  	v3 =	vadd.s32 v1, v3;
	_ =	sdelay $0x2  }
0x48: {  	[tilespmem:s10], [sflag:$0x1] =	stream.indirect_vreg.gather [hbm4b:s3+s2], $0x80, v4, vm0, $0xb8;
	[tilespmem:$0x18200] =	vst v63  }
0x49: {  	_ = 	snop  }
0x4a: {  	[tilespmem:s11], [sflag:$0x1] =	stream.indirect_vreg.gather [hbm4b:s3+s2], $0x80, v3, vm0, $0xb8;
	[tilespmem:$0x18200] =	vst v63  }
0x4b: {  	v3 =	vld [tilespmem:$0x30];
	_ =	sdelay $0x4  }
0x4c: {  	v35 =	vshll.u32 v3, $0x1  }
0x4d: {  	v3 =	vand.u32 $0x7, v3;
	v4 =	vand.u32 $0xFFFFFFF0, v35  }
0x4e: {  	v3 =	vor.u32 v3, v4  }
0x4f: {  	v4 =	vperm.xlane v3, v0;
	_ =	sdelay $0x1  }
0x50: {  	v3 =	vperm.xlane v3, v2;
	v4 =	vadd.s32 v1, v4;
	_ =	sdelay $0x1  }
0x51: {  	v3 =	vadd.s32 v1, v3;
	_ =	sdelay $0x2  }
0x52: {  	[tilespmem:s12], [sflag:$0x1] =	stream.indirect_vreg.gather [hbm4b:s3+s2], $0x80, v4, vm0, $0xb8;
	[tilespmem:$0x18200] =	vst v63  }
0x53: {  	_ = 	snop  }
0x54: {  	[tilespmem:s13], [sflag:$0x1] =	stream.indirect_vreg.gather [hbm4b:s3+s2], $0x80, v3, vm0, $0xb8;
	[tilespmem:$0x18200] =	vst v63  }
0x55: {  	v3 =	vld [tilespmem:$0x40];
	_ =	sdelay $0x4  }
0x56: {  	v36 =	vshll.u32 v3, $0x1  }
0x57: {  	v3 =	vand.u32 $0x7, v3;
	v4 =	vand.u32 $0xFFFFFFF0, v36  }
0x58: {  	v3 =	vor.u32 v3, v4  }
0x59: {  	v4 =	vperm.xlane v3, v0;
	_ =	sdelay $0x1  }
0x5a: {  	v3 =	vperm.xlane v3, v2;
	v4 =	vadd.s32 v1, v4;
	_ =	sdelay $0x1  }
0x5b: {  	v3 =	vadd.s32 v1, v3;
	_ =	sdelay $0x2  }
0x5c: {  	[tilespmem:s14], [sflag:$0x1] =	stream.indirect_vreg.gather [hbm4b:s3+s2], $0x80, v4, vm0, $0xb8;
	[tilespmem:$0x18200] =	vst v63  }
0x5d: {  	_ = 	snop  }
0x5e: {  	[tilespmem:s15], [sflag:$0x1] =	stream.indirect_vreg.gather [hbm4b:s3+s2], $0x80, v3, vm0, $0xb8;
	[tilespmem:$0x18200] =	vst v63  }
0x5f: {  	v3 =	vld [tilespmem:$0x50];
	_ =	sdelay $0x4  }
0x60: {  	v37 =	vshll.u32 v3, $0x1  }
0x61: {  	v3 =	vand.u32 $0x7, v3;
	v4 =	vand.u32 $0xFFFFFFF0, v37  }
0x62: {  	v3 =	vor.u32 v3, v4  }
0x63: {  	v4 =	vperm.xlane v3, v0;
	_ =	sdelay $0x1  }
0x64: {  	v3 =	vperm.xlane v3, v2;
	v4 =	vadd.s32 v1, v4;
	_ =	sdelay $0x1  }
0x65: {  	v3 =	vadd.s32 v1, v3;
	_ =	sdelay $0x2  }
0x66: {  	[tilespmem:s16], [sflag:$0x1] =	stream.indirect_vreg.gather [hbm4b:s3+s2], $0x80, v4, vm0, $0xb8;
	[tilespmem:$0x18200] =	vst v63  }
0x67: {  	_ = 	snop  }
0x68: {  	[tilespmem:s17], [sflag:$0x1] =	stream.indirect_vreg.gather [hbm4b:s3+s2], $0x80, v3, vm0, $0xb8;
	[tilespmem:$0x18200] =	vst v63  }
0x69: {  	v3 =	vld [tilespmem:$0x60];
	_ =	sdelay $0x4  }
0x6a: {  	v38 =	vshll.u32 v3, $0x1  }
0x6b: {  	v3 =	vand.u32 $0x7, v3;
	v4 =	vand.u32 $0xFFFFFFF0, v38  }
0x6c: {  	v3 =	vor.u32 v3, v4  }
0x6d: {  	v4 =	vperm.xlane v3, v0;
	_ =	sdelay $0x1  }
0x6e: {  	v3 =	vperm.xlane v3, v2;
	v4 =	vadd.s32 v1, v4;
	_ =	sdelay $0x1  }
0x6f: {  	v3 =	vadd.s32 v1, v3;
	_ =	sdelay $0x2  }
0x70: {  	[tilespmem:s18], [sflag:$0x1] =	stream.indirect_vreg.gather [hbm4b:s3+s2], $0x80, v4, vm0, $0xb8;
	[tilespmem:$0x18200] =	vst v63  }
0x71: {  	_ = 	snop  }
0x72: {  	[tilespmem:s19], [sflag:$0x1] =	stream.indirect_vreg.gather [hbm4b:s3+s2], $0x80, v3, vm0, $0xb8;
	[tilespmem:$0x18200] =	vst v63  }
0x73: {  	v3 =	vld [tilespmem:$0x70];
	_ =	sdelay $0x4  }
0x74: {  	v39 =	vshll.u32 v3, $0x1  }
0x75: {  	v3 =	vand.u32 $0x7, v3;
	v4 =	vand.u32 $0xFFFFFFF0, v39  }
0x76: {  	v3 =	vor.u32 v3, v4  }
0x77: {  	v4 =	vperm.xlane v3, v0;
	_ =	sdelay $0x1  }
0x78: {  	v3 =	vperm.xlane v3, v2;
	v4 =	vadd.s32 v1, v4;
	_ =	sdelay $0x1  }
0x79: {  	v3 =	vadd.s32 v1, v3;
	_ =	sdelay $0x2  }
0x7a: {  	[tilespmem:s20], [sflag:$0x1] =	stream.indirect_vreg.gather [hbm4b:s3+s2], $0x80, v4, vm0, $0xb8;
	[tilespmem:$0x18200] =	vst v63  }
0x7b: {  	_ = 	snop  }
0x7c: {  	[tilespmem:s21], [sflag:$0x1] =	stream.indirect_vreg.gather [hbm4b:s3+s2], $0x80, v3, vm0, $0xb8;
	[tilespmem:$0x18200] =	vst v63  }
0x7d: {  	v3 =	vld [tilespmem:$0x80];
	_ =	sdelay $0x4  }
0x7e: {  	v40 =	vshll.u32 v3, $0x1  }
0x7f: {  	v3 =	vand.u32 $0x7, v3;
	v4 =	vand.u32 $0xFFFFFFF0, v40  }
0x80: {  	v3 =	vor.u32 v3, v4  }
0x81: {  	v4 =	vperm.xlane v3, v0;
	_ =	sdelay $0x1  }
0x82: {  	v3 =	vperm.xlane v3, v2;
	v4 =	vadd.s32 v1, v4;
	_ =	sdelay $0x1  }
0x83: {  	v3 =	vadd.s32 v1, v3;
	_ =	sdelay $0x2  }
0x84: {  	[tilespmem:s22], [sflag:$0x2] =	stream.indirect_vreg.gather [hbm4b:s3+s2], $0x80, v4, vm0, $0xb8;
	[tilespmem:$0x18200] =	vst v63  }
0x85: {  	s25 =	rddreg [dreg:$0x7]  }
0x86: {  	[tilespmem:s25], [sflag:$0x2] =	stream.indirect_vreg.gather [hbm4b:s3+s2], $0x80, v3, vm0, $0xb8;
	[tilespmem:$0x18200] =	vst v63  }
0x87: {  	v3 =	vld [tilespmem:$0x90];
	_ =	sdelay $0x4  }
0x88: {  	v41 =	vshll.u32 v3, $0x1  }
0x89: {  	v3 =	vand.u32 $0x7, v3;
	v4 =	vand.u32 $0xFFFFFFF0, v41  }
0x8a: {  	v3 =	vor.u32 v3, v4  }
0x8b: {  	v4 =	vperm.xlane v3, v0;
	_ =	sdelay $0x1  }
0x8c: {  	v3 =	vperm.xlane v3, v2;
	v4 =	vadd.s32 v1, v4;
	_ =	sdelay $0x1  }
0x8d: {  	v3 =	vadd.s32 v1, v3;
	_ =	sdelay $0x1  }
0x8e: {  	s0 =	rddreg [dreg:$0x8]  }
0x8f: {  	[tilespmem:s0], [sflag:$0x2] =	stream.indirect_vreg.gather [hbm4b:s3+s2], $0x80, v4, vm0, $0xb8;
	[tilespmem:$0x18200] =	vst v63  }
0x90: {  	s25 =	rddreg [dreg:$0x9]  }
0x91: {  	[tilespmem:s25], [sflag:$0x2] =	stream.indirect_vreg.gather [hbm4b:s3+s2], $0x80, v3, vm0, $0xb8;
	[tilespmem:$0x18200] =	vst v63  }
0x92: {  	v3 =	vld [tilespmem:$0xA0];
	_ =	sdelay $0x4  }
0x93: {  	v42 =	vshll.u32 v3, $0x1  }
0x94: {  	v3 =	vand.u32 $0x7, v3;
	v4 =	vand.u32 $0xFFFFFFF0, v42  }
0x95: {  	v3 =	vor.u32 v3, v4  }
0x96: {  	v4 =	vperm.xlane v3, v0;
	_ =	sdelay $0x1  }
0x97: {  	v3 =	vperm.xlane v3, v2;
	v4 =	vadd.s32 v1, v4;
	_ =	sdelay $0x1  }
0x98: {  	v3 =	vadd.s32 v1, v3;
	_ =	sdelay $0x1  }
0x99: {  	s0 =	rddreg [dreg:$0xa]  }
0x9a: {  	[tilespmem:s0], [sflag:$0x2] =	stream.indirect_vreg.gather [hbm4b:s3+s2], $0x80, v4, vm0, $0xb8;
	[tilespmem:$0x18200] =	vst v63  }
0x9b: {  	s25 =	rddreg [dreg:$0xb]  }
0x9c: {  	[tilespmem:s25], [sflag:$0x2] =	stream.indirect_vreg.gather [hbm4b:s3+s2], $0x80, v3, vm0, $0xb8;
	[tilespmem:$0x18200] =	vst v63  }
0x9d: {  	v3 =	vld [tilespmem:$0xB0];
	_ =	sdelay $0x4  }
0x9e: {  	v43 =	vshll.u32 v3, $0x1  }
0x9f: {  	v3 =	vand.u32 $0x7, v3;
	v4 =	vand.u32 $0xFFFFFFF0, v43  }
0xa0: {  	v3 =	vor.u32 v3, v4  }
0xa1: {  	v4 =	vperm.xlane v3, v0;
	_ =	sdelay $0x1  }
0xa2: {  	v3 =	vperm.xlane v3, v2;
	v4 =	vadd.s32 v1, v4;
	_ =	sdelay $0x1  }
0xa3: {  	v3 =	vadd.s32 v1, v3;
	_ =	sdelay $0x1  }
0xa4: {  	s0 =	rddreg [dreg:$0xc]  }
0xa5: {  	[tilespmem:s0], [sflag:$0x2] =	stream.indirect_vreg.gather [hbm4b:s3+s2], $0x80, v4, vm0, $0xb8;
	[tilespmem:$0x18200] =	vst v63  }
0xa6: {  	s25 =	rddreg [dreg:$0xd]  }
0xa7: {  	[tilespmem:s25], [sflag:$0x2] =	stream.indirect_vreg.gather [hbm4b:s3+s2], $0x80, v3, vm0, $0xb8;
	[tilespmem:$0x18200] =	vst v63  }
0xa8: {  	v3 =	vld [tilespmem:$0xC0];
	_ =	sdelay $0x4  }
0xa9: {  	v44 =	vshll.u32 v3, $0x1  }
0xaa: {  	v3 =	vand.u32 $0x7, v3;
	v4 =	vand.u32 $0xFFFFFFF0, v44  }
0xab: {  	v3 =	vor.u32 v3, v4  }
0xac: {  	v4 =	vperm.xlane v3, v0;
	_ =	sdelay $0x1  }
0xad: {  	v3 =	vperm.xlane v3, v2;
	v4 =	vadd.s32 v1, v4;
	_ =	sdelay $0x1  }
0xae: {  	v3 =	vadd.s32 v1, v3;
	_ =	sdelay $0x1  }
0xaf: {  	s0 =	rddreg [dreg:$0xe]  }
0xb0: {  	[tilespmem:s0], [sflag:$0x2] =	stream.indirect_vreg.gather [hbm4b:s3+s2], $0x80, v4, vm0, $0xb8;
	[tilespmem:$0x18200] =	vst v63  }
0xb1: {  	s25 =	rddreg [dreg:$0xf]  }
0xb2: {  	[tilespmem:s25], [sflag:$0x2] =	stream.indirect_vreg.gather [hbm4b:s3+s2], $0x80, v3, vm0, $0xb8;
	[tilespmem:$0x18200] =	vst v63  }
0xb3: {  	v3 =	vld [tilespmem:$0xD0];
	_ =	sdelay $0x4  }
0xb4: {  	v45 =	vshll.u32 v3, $0x1  }
0xb5: {  	v3 =	vand.u32 $0x7, v3;
	v4 =	vand.u32 $0xFFFFFFF0, v45  }
0xb6: {  	v3 =	vor.u32 v3, v4  }
0xb7: {  	v4 =	vperm.xlane v3, v0;
	_ =	sdelay $0x1  }
0xb8: {  	v3 =	vperm.xlane v3, v2;
	v4 =	vadd.s32 v1, v4;
	_ =	sdelay $0x1  }
0xb9: {  	v3 =	vadd.s32 v1, v3;
	_ =	sdelay $0x1  }
0xba: {  	s0 =	rddreg [dreg:$0x10]  }
0xbb: {  	[tilespmem:s0], [sflag:$0x2] =	stream.indirect_vreg.gather [hbm4b:s3+s2], $0x80, v4, vm0, $0xb8;
	[tilespmem:$0x18200] =	vst v63  }
0xbc: {  	s25 =	rddreg [dreg:$0x11]  }
0xbd: {  	[tilespmem:s25], [sflag:$0x2] =	stream.indirect_vreg.gather [hbm4b:s3+s2], $0x80, v3, vm0, $0xb8;
	[tilespmem:$0x18200] =	vst v63  }
0xbe: {  	v3 =	vld [tilespmem:$0xE0];
	_ =	sdelay $0x4  }
0xbf: {  	v46 =	vshll.u32 v3, $0x1  }
0xc0: {  	v3 =	vand.u32 $0x7, v3;
	v4 =	vand.u32 $0xFFFFFFF0, v46  }
0xc1: {  	v3 =	vor.u32 v3, v4  }
0xc2: {  	v4 =	vperm.xlane v3, v0;
	_ =	sdelay $0x1  }
0xc3: {  	v3 =	vperm.xlane v3, v2;
	v4 =	vadd.s32 v1, v4;
	_ =	sdelay $0x1  }
0xc4: {  	v3 =	vadd.s32 v1, v3;
	_ =	sdelay $0x1  }
0xc5: {  	s0 =	rddreg [dreg:$0x12]  }
0xc6: {  	[tilespmem:s0], [sflag:$0x2] =	stream.indirect_vreg.gather [hbm4b:s3+s2], $0x80, v4, vm0, $0xb8;
	[tilespmem:$0x18200] =	vst v63  }
0xc7: {  	s25 =	rddreg [dreg:$0x13]  }
0xc8: {  	[tilespmem:s25], [sflag:$0x2] =	stream.indirect_vreg.gather [hbm4b:s3+s2], $0x80, v3, vm0, $0xb8;
	[tilespmem:$0x18200] =	vst v63  }
0xc9: {  	v3 =	vld [tilespmem:$0xF0];
	_ =	sdelay $0x4  }
0xca: {  	v47 =	vshll.u32 v3, $0x1  }
0xcb: {  	v3 =	vand.u32 $0x7, v3;
	v4 =	vand.u32 $0xFFFFFFF0, v47  }
0xcc: {  	v3 =	vor.u32 v3, v4  }
0xcd: {  	v4 =	vperm.xlane v3, v0;
	_ =	sdelay $0x1  }
0xce: {  	v3 =	vperm.xlane v3, v2;
	v4 =	vadd.s32 v1, v4;
	_ =	sdelay $0x1  }
0xcf: {  	v3 =	vadd.s32 v1, v3;
	_ =	sdelay $0x1  }
0xd0: {  	s0 =	rddreg [dreg:$0x14]  }
0xd1: {  	[tilespmem:s0], [sflag:$0x2] =	stream.indirect_vreg.gather [hbm4b:s3+s2], $0x80, v4, vm0, $0xb8;
	[tilespmem:$0x18200] =	vst v63  }
0xd2: {  	s25 =	rddreg [dreg:$0x15]  }
0xd3: {  	[tilespmem:s25], [sflag:$0x2] =	stream.indirect_vreg.gather [hbm4b:s3+s2], $0x80, v3, vm0, $0xb8;
	[tilespmem:$0x18200] =	vst v63  }
0xd4: {  	_ =	swait.ge [sflag:s23], $0x8000  }
0xd5: {  	[sflag:s23] =	ssyncset.done $0x0  }
0xd6: {  	s25 =	rddreg [dreg:$0x3];
	[sflag:s23] =	ssyncadd.s32 $0xFFFF8000  }
0xd7: {  	[hbm4b:s25+s2] =	stream.linear.scatter [tilespmem:s6], [sflag:$0x4], $0x8000, $0x38;
	[tilespmem:$0x18200] =	vst v63  }
0xd8: {  	v3 =	vld [tilespmem:$0x100];
	_ =	sdelay $0x4  }
0xd9: {  	v48 =	vshll.u32 v3, $0x1  }
0xda: {  	v3 =	vand.u32 $0x7, v3;
	v4 =	vand.u32 $0xFFFFFFF0, v48  }
0xdb: {  	v3 =	vor.u32 v3, v4  }
0xdc: {  	v4 =	vperm.xlane v3, v0;
	_ =	sdelay $0x1  }
0xdd: {  	v3 =	vperm.xlane v3, v2;
	v4 =	vadd.s32 v1, v4;
	_ =	sdelay $0x1  }
0xde: {  	v3 =	vadd.s32 v1, v3;
	_ =	sdelay $0x2  }
0xdf: {  	[tilespmem:s24], [sflag:$0x3] =	stream.indirect_vreg.gather [hbm4b:s3+s2], $0x80, v4, vm0, $0xb8;
	[tilespmem:$0x18200] =	vst v63  }
0xe0: {  	s25 =	rddreg [dreg:$0x16]  }
0xe1: {  	[tilespmem:s25], [sflag:$0x3] =	stream.indirect_vreg.gather [hbm4b:s3+s2], $0x80, v3, vm0, $0xb8;
	[tilespmem:$0x18200] =	vst v63  }
0xe2: {  	v3 =	vld [tilespmem:$0x110];
	_ =	sdelay $0x4  }
0xe3: {  	v49 =	vshll.u32 v3, $0x1  }
0xe4: {  	v3 =	vand.u32 $0x7, v3;
	v4 =	vand.u32 $0xFFFFFFF0, v49  }
0xe5: {  	v3 =	vor.u32 v3, v4  }
0xe6: {  	v4 =	vperm.xlane v3, v0;
	_ =	sdelay $0x1  }
0xe7: {  	v3 =	vperm.xlane v3, v2;
	v4 =	vadd.s32 v1, v4;
	_ =	sdelay $0x1  }
0xe8: {  	v3 =	vadd.s32 v1, v3;
	_ =	sdelay $0x1  }
0xe9: {  	s0 =	rddreg [dreg:$0x17]  }
0xea: {  	[tilespmem:s0], [sflag:$0x3] =	stream.indirect_vreg.gather [hbm4b:s3+s2], $0x80, v4, vm0, $0xb8;
	[tilespmem:$0x18200] =	vst v63  }
0xeb: {  	s25 =	rddreg [dreg:$0x18]  }
0xec: {  	[tilespmem:s25], [sflag:$0x3] =	stream.indirect_vreg.gather [hbm4b:s3+s2], $0x80, v3, vm0, $0xb8;
	[tilespmem:$0x18200] =	vst v63  }
0xed: {  	v3 =	vld [tilespmem:$0x120];
	_ =	sdelay $0x4  }
0xee: {  	v50 =	vshll.u32 v3, $0x1  }
0xef: {  	v3 =	vand.u32 $0x7, v3;
	v4 =	vand.u32 $0xFFFFFFF0, v50  }
0xf0: {  	v3 =	vor.u32 v3, v4  }
0xf1: {  	v4 =	vperm.xlane v3, v0;
	_ =	sdelay $0x1  }
0xf2: {  	v3 =	vperm.xlane v3, v2;
	v4 =	vadd.s32 v1, v4;
	_ =	sdelay $0x1  }
0xf3: {  	v3 =	vadd.s32 v1, v3;
	_ =	sdelay $0x1  }
0xf4: {  	s0 =	rddreg [dreg:$0x19]  }
0xf5: {  	[tilespmem:s0], [sflag:$0x3] =	stream.indirect_vreg.gather [hbm4b:s3+s2], $0x80, v4, vm0, $0xb8;
	[tilespmem:$0x18200] =	vst v63  }
0xf6: {  	s25 =	rddreg [dreg:$0x1a]  }
0xf7: {  	[tilespmem:s25], [sflag:$0x3] =	stream.indirect_vreg.gather [hbm4b:s3+s2], $0x80, v3, vm0, $0xb8;
	[tilespmem:$0x18200] =	vst v63  }
0xf8: {  	v3 =	vld [tilespmem:$0x130];
	_ =	sdelay $0x4  }
0xf9: {  	v51 =	vshll.u32 v3, $0x1  }
0xfa: {  	v3 =	vand.u32 $0x7, v3;
	v4 =	vand.u32 $0xFFFFFFF0, v51  }
0xfb: {  	v3 =	vor.u32 v3, v4  }
0xfc: {  	v4 =	vperm.xlane v3, v0;
	_ =	sdelay $0x1  }
0xfd: {  	v3 =	vperm.xlane v3, v2;
	v4 =	vadd.s32 v1, v4;
	_ =	sdelay $0x1  }
0xfe: {  	v3 =	vadd.s32 v1, v3;
	_ =	sdelay $0x1  }
0xff: {  	s0 =	rddreg [dreg:$0x1b]  }
0x100: {  	[tilespmem:s0], [sflag:$0x3] =	stream.indirect_vreg.gather [hbm4b:s3+s2], $0x80, v4, vm0, $0xb8;
	[tilespmem:$0x18200] =	vst v63  }
0x101: {  	s25 =	rddreg [dreg:$0x1c]  }
0x102: {  	[tilespmem:s25], [sflag:$0x3] =	stream.indirect_vreg.gather [hbm4b:s3+s2], $0x80, v3, vm0, $0xb8;
	[tilespmem:$0x18200] =	vst v63  }
0x103: {  	v3 =	vld [tilespmem:$0x140];
	_ =	sdelay $0x4  }
0x104: {  	v52 =	vshll.u32 v3, $0x1  }
0x105: {  	v3 =	vand.u32 $0x7, v3;
	v4 =	vand.u32 $0xFFFFFFF0, v52  }
0x106: {  	v3 =	vor.u32 v3, v4  }
0x107: {  	v4 =	vperm.xlane v3, v0;
	_ =	sdelay $0x1  }
0x108: {  	v3 =	vperm.xlane v3, v2;
	v4 =	vadd.s32 v1, v4;
	_ =	sdelay $0x1  }
0x109: {  	v3 =	vadd.s32 v1, v3;
	_ =	sdelay $0x1  }
0x10a: {  	s0 =	rddreg [dreg:$0x1d]  }
0x10b: {  	[tilespmem:s0], [sflag:$0x3] =	stream.indirect_vreg.gather [hbm4b:s3+s2], $0x80, v4, vm0, $0xb8;
	[tilespmem:$0x18200] =	vst v63  }
0x10c: {  	s25 =	rddreg [dreg:$0x1e]  }
0x10d: {  	[tilespmem:s25], [sflag:$0x3] =	stream.indirect_vreg.gather [hbm4b:s3+s2], $0x80, v3, vm0, $0xb8;
	[tilespmem:$0x18200] =	vst v63  }
0x10e: {  	v3 =	vld [tilespmem:$0x150];
	_ =	sdelay $0x4  }
0x10f: {  	v53 =	vshll.u32 v3, $0x1  }
0x110: {  	v3 =	vand.u32 $0x7, v3;
	v4 =	vand.u32 $0xFFFFFFF0, v53  }
0x111: {  	v3 =	vor.u32 v3, v4  }
0x112: {  	v4 =	vperm.xlane v3, v0;
	_ =	sdelay $0x1  }
0x113: {  	v3 =	vperm.xlane v3, v2;
	v4 =	vadd.s32 v1, v4;
	_ =	sdelay $0x1  }
0x114: {  	v3 =	vadd.s32 v1, v3  }
0x115: {  	s0 =	rddreg [dreg:$0x1f]  }
0x116: {  	s25 =	sld [smem:$0x7FB]  }
0x117: {  	[tilespmem:s0], [sflag:$0x3] =	stream.indirect_vreg.gather [hbm4b:s3+s2], $0x80, v4, vm0, $0xb8;
	[tilespmem:$0x18200] =	vst v63  }
0x118: {  	_ = 	snop  }
0x119: {  	[tilespmem:s25], [sflag:$0x3] =	stream.indirect_vreg.gather [hbm4b:s3+s2], $0x80, v3, vm0, $0xb8;
	[tilespmem:$0x18200] =	vst v63  }
0x11a: {  	v3 =	vld [tilespmem:$0x160];
	_ =	sdelay $0x4  }
0x11b: {  	v54 =	vshll.u32 v3, $0x1  }
0x11c: {  	v3 =	vand.u32 $0x7, v3;
	v4 =	vand.u32 $0xFFFFFFF0, v54  }
0x11d: {  	v3 =	vor.u32 v3, v4  }
0x11e: {  	v4 =	vperm.xlane v3, v0;
	_ =	sdelay $0x1  }
0x11f: {  	v3 =	vperm.xlane v3, v2;
	v4 =	vadd.s32 v1, v4;
	_ =	sdelay $0x1  }
0x120: {  	s0 =	sld [smem:$0x7FC];
	v3 =	vadd.s32 v1, v3;
	_ =	sdelay $0x1  }
0x121: {  	s25 =	sld [smem:$0x7FD]  }
0x122: {  	[tilespmem:s0], [sflag:$0x3] =	stream.indirect_vreg.gather [hbm4b:s3+s2], $0x80, v4, vm0, $0xb8;
	[tilespmem:$0x18200] =	vst v63  }
0x123: {  	_ = 	snop  }
0x124: {  	[tilespmem:s25], [sflag:$0x3] =	stream.indirect_vreg.gather [hbm4b:s3+s2], $0x80, v3, vm0, $0xb8;
	[tilespmem:$0x18200] =	vst v63  }
0x125: {  	v3 =	vld [tilespmem:$0x170];
	_ =	sdelay $0x4  }
0x126: {  	v55 =	vshll.u32 v3, $0x1  }
0x127: {  	v3 =	vand.u32 $0x7, v3;
	v4 =	vand.u32 $0xFFFFFFF0, v55  }
0x128: {  	v3 =	vor.u32 v3, v4  }
0x129: {  	v4 =	vperm.xlane v3, v0;
	_ =	sdelay $0x1  }
0x12a: {  	v3 =	vperm.xlane v3, v2;
	v4 =	vadd.s32 v1, v4;
	_ =	sdelay $0x1  }
0x12b: {  	v3 =	vadd.s32 v1, v3;
	_ =	sdelay $0x1  }
0x12c: {  	s25 =	simm.s32 $0x17200  }
0x12d: {  	[tilespmem:s25], [sflag:$0x3] =	stream.indirect_vreg.gather [hbm4b:s3+s2], $0x80, v4, vm0, $0xb8;
	[tilespmem:$0x18200] =	vst v63  }
0x12e: {  	_ = 	snop  }
0x12f: {  	[tilespmem:s26], [sflag:$0x3] =	stream.indirect_vreg.gather [hbm4b:s3+s2], $0x80, v3, vm0, $0xb8;
	[tilespmem:$0x18200] =	vst v63  }
0x130: {  	_ =	swait.ge [sflag:s28], $0x8000  }
0x131: {  	[sflag:s28] =	ssyncset.done $0x0  }
0x132: {  	s25 =	rddreg [dreg:$0x4];
	[sflag:s28] =	ssyncadd.s32 $0xFFFF8000  }
0x133: {  	[hbm4b:s25+s2] =	stream.linear.scatter [tilespmem:s22], [sflag:$0x5], $0x8000, $0x38;
	[tilespmem:$0x18200] =	vst v63  }
0x134: {  	_ =	swait.ge [sflag:s29], $0x8000  }
0x135: {  	[sflag:s29] =	ssyncset.done $0x0  }
0x136: {  	[sflag:s29] =	ssyncadd.s32 $0xFFFF8000  }
0x137: {  	v3 =	vld [tilespmem:$0x180];
	_ =	sdelay $0x4  }
0x138: {  	v56 =	vshll.u32 v3, $0x1  }
0x139: {  	v3 =	vand.u32 $0x7, v3;
	v4 =	vand.u32 $0xFFFFFFF0, v56  }
0x13a: {  	v3 =	vor.u32 v3, v4  }
0x13b: {  	v4 =	vperm.xlane v3, v0;
	_ =	sdelay $0x1  }
0x13c: {  	v3 =	vperm.xlane v3, v2;
	v4 =	vadd.s32 v1, v4;
	_ =	sdelay $0x1  }
0x13d: {  	v3 =	vadd.s32 v1, v3;
	_ =	sdelay $0x2  }
0x13e: {  	[tilespmem:s6], [sflag:$0x1] =	stream.indirect_vreg.gather [hbm4b:s3+s2], $0x80, v4, vm0, $0xb8;
	[tilespmem:$0x18200] =	vst v63  }
0x13f: {  	_ = 	snop  }
0x140: {  	[tilespmem:s7], [sflag:$0x1] =	stream.indirect_vreg.gather [hbm4b:s3+s2], $0x80, v3, vm0, $0xb8;
	[tilespmem:$0x18200] =	vst v63  }
0x141: {  	v3 =	vld [tilespmem:$0x190];
	_ =	sdelay $0x4  }
0x142: {  	v57 =	vshll.u32 v3, $0x1  }
0x143: {  	v3 =	vand.u32 $0x7, v3;
	v4 =	vand.u32 $0xFFFFFFF0, v57  }
0x144: {  	v3 =	vor.u32 v3, v4  }
0x145: {  	v4 =	vperm.xlane v3, v0;
	_ =	sdelay $0x1  }
0x146: {  	v3 =	vperm.xlane v3, v2;
	v4 =	vadd.s32 v1, v4;
	_ =	sdelay $0x1  }
0x147: {  	v3 =	vadd.s32 v1, v3;
	_ =	sdelay $0x2  }
0x148: {  	[tilespmem:s8], [sflag:$0x1] =	stream.indirect_vreg.gather [hbm4b:s3+s2], $0x80, v4, vm0, $0xb8;
	[tilespmem:$0x18200] =	vst v63  }
0x149: {  	_ = 	snop  }
0x14a: {  	[tilespmem:s9], [sflag:$0x1] =	stream.indirect_vreg.gather [hbm4b:s3+s2], $0x80, v3, vm0, $0xb8;
	[tilespmem:$0x18200] =	vst v63  }
0x14b: {  	v3 =	vld [tilespmem:$0x1A0];
	_ =	sdelay $0x4  }
0x14c: {  	v58 =	vshll.u32 v3, $0x1  }
0x14d: {  	v3 =	vand.u32 $0x7, v3;
	v4 =	vand.u32 $0xFFFFFFF0, v58  }
0x14e: {  	v3 =	vor.u32 v3, v4  }
0x14f: {  	v4 =	vperm.xlane v3, v0;
	_ =	sdelay $0x1  }
0x150: {  	v3 =	vperm.xlane v3, v2;
	v4 =	vadd.s32 v1, v4;
	_ =	sdelay $0x1  }
0x151: {  	v3 =	vadd.s32 v1, v3;
	_ =	sdelay $0x2  }
0x152: {  	[tilespmem:s10], [sflag:$0x1] =	stream.indirect_vreg.gather [hbm4b:s3+s2], $0x80, v4, vm0, $0xb8;
	[tilespmem:$0x18200] =	vst v63  }
0x153: {  	_ = 	snop  }
0x154: {  	[tilespmem:s11], [sflag:$0x1] =	stream.indirect_vreg.gather [hbm4b:s3+s2], $0x80, v3, vm0, $0xb8;
	[tilespmem:$0x18200] =	vst v63  }
0x155: {  	v3 =	vld [tilespmem:$0x1B0];
	_ =	sdelay $0x4  }
0x156: {  	v59 =	vshll.u32 v3, $0x1  }
0x157: {  	v3 =	vand.u32 $0x7, v3;
	v4 =	vand.u32 $0xFFFFFFF0, v59  }
0x158: {  	v3 =	vor.u32 v3, v4  }
0x159: {  	v4 =	vperm.xlane v3, v0;
	_ =	sdelay $0x1  }
0x15a: {  	v3 =	vperm.xlane v3, v2;
	v4 =	vadd.s32 v1, v4;
	_ =	sdelay $0x1  }
0x15b: {  	v3 =	vadd.s32 v1, v3;
	_ =	sdelay $0x2  }
0x15c: {  	[tilespmem:s12], [sflag:$0x1] =	stream.indirect_vreg.gather [hbm4b:s3+s2], $0x80, v4, vm0, $0xb8;
	[tilespmem:$0x18200] =	vst v63  }
0x15d: {  	_ = 	snop  }
0x15e: {  	[tilespmem:s13], [sflag:$0x1] =	stream.indirect_vreg.gather [hbm4b:s3+s2], $0x80, v3, vm0, $0xb8;
	[tilespmem:$0x18200] =	vst v63  }
0x15f: {  	v3 =	vld [tilespmem:$0x1C0];
	_ =	sdelay $0x4  }
0x160: {  	v60 =	vshll.u32 v3, $0x1  }
0x161: {  	v3 =	vand.u32 $0x7, v3;
	v4 =	vand.u32 $0xFFFFFFF0, v60  }
0x162: {  	v3 =	vor.u32 v3, v4  }
0x163: {  	v4 =	vperm.xlane v3, v0;
	_ =	sdelay $0x1  }
0x164: {  	v3 =	vperm.xlane v3, v2;
	v4 =	vadd.s32 v1, v4;
	_ =	sdelay $0x1  }
0x165: {  	v3 =	vadd.s32 v1, v3;
	_ =	sdelay $0x2  }
0x166: {  	[tilespmem:s14], [sflag:$0x1] =	stream.indirect_vreg.gather [hbm4b:s3+s2], $0x80, v4, vm0, $0xb8;
	[tilespmem:$0x18200] =	vst v63  }
0x167: {  	_ = 	snop  }
0x168: {  	[tilespmem:s15], [sflag:$0x1] =	stream.indirect_vreg.gather [hbm4b:s3+s2], $0x80, v3, vm0, $0xb8;
	[tilespmem:$0x18200] =	vst v63  }
0x169: {  	v3 =	vld [tilespmem:$0x1D0];
	_ =	sdelay $0x4  }
0x16a: {  	v61 =	vshll.u32 v3, $0x1  }
0x16b: {  	v3 =	vand.u32 $0x7, v3;
	v4 =	vand.u32 $0xFFFFFFF0, v61  }
0x16c: {  	v3 =	vor.u32 v3, v4  }
0x16d: {  	v4 =	vperm.xlane v3, v0;
	_ =	sdelay $0x1  }
0x16e: {  	v3 =	vperm.xlane v3, v2;
	v4 =	vadd.s32 v1, v4;
	_ =	sdelay $0x1  }
0x16f: {  	v3 =	vadd.s32 v1, v3;
	_ =	sdelay $0x2  }
0x170: {  	[tilespmem:s16], [sflag:$0x1] =	stream.indirect_vreg.gather [hbm4b:s3+s2], $0x80, v4, vm0, $0xb8;
	[tilespmem:$0x18200] =	vst v63  }
0x171: {  	_ = 	snop  }
0x172: {  	[tilespmem:s17], [sflag:$0x1] =	stream.indirect_vreg.gather [hbm4b:s3+s2], $0x80, v3, vm0, $0xb8;
	[tilespmem:$0x18200] =	vst v63  }
0x173: {  	v3 =	vld [tilespmem:$0x1E0];
	_ =	sdelay $0x4  }
0x174: {  	v62 =	vshll.u32 v3, $0x1  }
0x175: {  	v3 =	vand.u32 $0x7, v3;
	v4 =	vand.u32 $0xFFFFFFF0, v62  }
0x176: {  	v3 =	vor.u32 v3, v4  }
0x177: {  	v4 =	vperm.xlane v3, v0;
	_ =	sdelay $0x1  }
0x178: {  	v3 =	vperm.xlane v3, v2;
	v4 =	vadd.s32 v1, v4;
	_ =	sdelay $0x1  }
0x179: {  	v3 =	vadd.s32 v1, v3;
	_ =	sdelay $0x2  }
0x17a: {  	[tilespmem:s18], [sflag:$0x1] =	stream.indirect_vreg.gather [hbm4b:s3+s2], $0x80, v4, vm0, $0xb8;
	[tilespmem:$0x18200] =	vst v63  }
0x17b: {  	_ = 	snop  }
0x17c: {  	[tilespmem:s19], [sflag:$0x1] =	stream.indirect_vreg.gather [hbm4b:s3+s2], $0x80, v3, vm0, $0xb8;
	[tilespmem:$0x18200] =	vst v63  }
0x17d: {  	v3 =	vld [tilespmem:$0x1F0];
	_ =	sdelay $0x4  }
0x17e: {  	v63 =	vshll.u32 v3, $0x1  }
0x17f: {  	v3 =	vand.u32 $0x7, v3;
	v4 =	vand.u32 $0xFFFFFFF0, v63  }
0x180: {  	v3 =	vor.u32 v3, v4  }
0x181: {  	v4 =	vperm.xlane v3, v0;
	_ =	sdelay $0x1  }
0x182: {  	v3 =	vperm.xlane v3, v2;
	v4 =	vadd.s32 v1, v4;
	_ =	sdelay $0x1  }
0x183: {  	v3 =	vadd.s32 v1, v3;
	_ =	sdelay $0x2  }
0x184: {  	[tilespmem:s20], [sflag:$0x1] =	stream.indirect_vreg.gather [hbm4b:s3+s2], $0x80, v4, vm0, $0xb8;
	[tilespmem:$0x18200] =	vst v63  }
0x185: {  	_ = 	snop  }
0x186: {  	[tilespmem:s21], [sflag:$0x1] =	stream.indirect_vreg.gather [hbm4b:s3+s2], $0x80, v3, vm0, $0xb8;
	[tilespmem:$0x18200] =	vst v63  }
0x187: {  	_ =	swait.ge [sflag:s30], $0x8000  }
0x188: {  	[sflag:s30] =	ssyncset.done $0x0  }
0x189: {  	s25 =	rddreg [dreg:$0x5];
	[sflag:s30] =	ssyncadd.s32 $0xFFFF8000  }
0x18a: {  	[hbm4b:s25+s2] =	stream.linear.scatter [tilespmem:s24], [sflag:$0x6], $0x8000, $0x38;
	[tilespmem:$0x18200] =	vst v63  }
0x18b: {  	_ =	swait.ge [sflag:s23], $0x8000  }
0x18c: {  	[sflag:s23] =	ssyncset.done $0x0  }
0x18d: {  	s25 =	rddreg [dreg:$0x6];
	[sflag:s23] =	ssyncadd.s32 $0xFFFF8000  }
0x18e: {  	[hbm4b:s25+s2] =	stream.linear.scatter [tilespmem:s6], [sflag:$0x4], $0x8000, $0x38;
	[tilespmem:$0x18200] =	vst v63  }
0x18f: {  	_ =	swait.ge [sflag:s31], $0x8000  }
0x190: {  	[sflag:s31] =	ssyncset.done $0x0  }
0x191: {  	[sflag:s31] =	ssyncadd.s32 $0xFFFF8000  }
0x192: {  	p0 =	sne.s32 s4, $0x1;
	_ =	swait.ge [sflag:s1], $0x8000  }
.Ltmp0:
0x193: {  	[sflag:s1] =	ssyncset.done $0x0;
	(pc) =	sbr.rel @p0 .LBB2_1-.Ltmp0, $4  }
0x194: {  	[sflag:s1] =	ssyncadd.s32 $0xFFFF8000  }
0x195: {  	_ =	swait.ge [sflag:s29], $0x8000  }
0x196: {  	[sflag:s29] =	ssyncset.done $0x0  }
0x197: {  	s4 =	sadd.s32 $0xFFFFFFFF, s4;
	[sflag:s29] =	ssyncadd.s32 $0xFFFF8000  }
0x198: {  	_ =	sfence.sel $0x180000  }
0x199: {  	[bflag:$0x0] =	sbarrier.arrive $0xFFFF  }
0x19a: {  	_ =	strace $0x9000004A  }
0x19b: {  	s0 =	stileid.u32;
	[bflag:$0x2] =	sbarrier.arrive $0xFFFF  }
0x19c: {  	p0 =	sne.s32 s0, $0x0;
	s0 =	rddreg [dreg:$0x1]  }
0x19d: {  	s0 =	sadd.s32 @!p0 $0x100000, s0  }
0x19e: {  	[sflag:s0] =	ssyncadd.tile.s32 @!p0 $0x1;
	_ =	shalt  }
.Lfunc_end2:
_tile_overlayer_lowered:
.L_overlay_start_2:
0x19f: {  	(tag) =	ssettag $0x2  }
0x1a0: {  	s0 =	rddreg [dreg:$0x0];
	s2 =	stileid.u32  }
0x1a1: {  	s1 =	rddreg [dreg:$0x1];
	p0 =	sne.s32 s2, $0x0  }
0x1a2: {  	s3 =	rddreg [dreg:$0x2];
	[bflag:$0x3] =	sbarrier.arrive $0xFFFF;
	s2 =	simm.s32 @!p0 $0x1C07  }
0x1a3: {  	[timem:s3], [sflag:s2] =	dma.local @!p0 [hbm:s0], s1  }
0x1a4: {  	s0 =	simm.s32 @!p0 $0x7  }
0x1a5: {  	_ =	swait.ge @!p0 [sflag:s0], s1  }
0x1a6: {  	s1 =	ssub.s32 @!p0 $0x0, s1;
	[sflag:s0] =	ssyncset.done @!p0 $0x0  }
0x1a7: {  	[sflag:s0] =	ssyncadd.s32 @!p0 s1  }
0x1a8: {  	[bflag:$0x3] =	sbarrier.arrive $0xFFFF  }
0x1a9: {  	_ =	shalt  }

// kernel: kernel.9.cloned.1.call-start
scs
__scs_entry_jumppad:
0x0: {  	(pc) =	sbr.rel $0x88, $3  }
0x1: {  	(tag) =	ssettag $0x0;
	lr =	simm.s32 $0x1  }
0x2: {  	[smem:$0x3F8D] =	sst lr;
	_ =	strace $0xD0000000  }
0x3: {  	_ = 	snop  }
0x4: {  	_ = 	snop  }
0x5: {  	_ = 	snop  }
0x6: {  	_ = 	snop  }
0x7: {  	_ = 	snop  }
__scs_overlays_trampoline_lowered:
0x8: {  	[smem:$0x3F9C] =	sst s0  }
0x9: {  	[smem:$0x3F9D] =	sst s1  }
0xa: {  	[smem:$0x3F9E] =	sst s2  }
0xb: {  	[smem:$0x3F9F] =	sst s3  }
0xc: {  	[smem:$0x3FA0] =	sst s4  }
0xd: {  	[smem:$0x3FA1] =	sst s5  }
0xe: {  	[smem:$0x3FA2] =	sst s6  }
0xf: {  	[smem:$0x3FA3] =	sst s7  }
0x10: {  	[smem:$0x3FA4] =	sst s8  }
0x11: {  	[smem:$0x3FA5] =	sst s9;
	s0 =	simm.s32 @!p0 $0x0  }
0x12: {  	s1 =	sld [smem:$0x3F8B];
	s0 =	simm.s32 @p0 $0x1  }
0x13: {  	[smem:$0x3FA6] =	sst s0;
	s0 =	simm.s32 @!p1 $0x0  }
0x14: {  	s2 =	sld [smem:$0x3F8A];
	s0 =	simm.s32 @p1 $0x1  }
0x15: {  	[smem:$0x3FA7] =	sst s0;
	s0 =	simm.s32 @!p2 $0x0  }
0x16: {  	s3 =	sld [smem:$0x3FDB];
	s0 =	simm.s32 @p2 $0x1  }
0x17: {  	s4 =	simm.s32 $0x1BF5;
	[smem:$0x3FA9] =	sst s0  }
0x18: {  	s0 =	sld [smem:$0x3F8C];
	_ =	swait.ge [sflag:s4], $0x0  }
0x19: {  	s7 =	sld [smem:$0x3F8D]  }
0x1a: {  	s8 =	sadd.s32 $0xFFFFE003, lr  }
0x1b: {  	s9 =	sadd.s32 $0xFFFFFEF7, lr;
	s5 =	simm.s32 $0xFFFFFFFF;
	p2 =	slt.u32 s8, $0xFFFFF086  }
0x1c: {  	p1 =	slt.u32 s9, $0xF7A;
	s5 =	simm.s32 @!p2 $0x0  }
0x1d: {  	s5 =	simm.s32 @p1 $0x1;
	p0 =	seq.s32 s7, s2  }
0x1e: {  	s7 =	smul.u32 @!p0 $0xF7A, s2;
	p2 =	seq.s32 @!p0 s5, $0x0  }
0x1f: {  	s9 =	smul.u32 $0xF7A, s1;
	s8 =	simm.s32 @!p0 $0x1BF5;
	p2 =	por !p2, p0  }
0x20: {  	[sflag:s8] =	ssyncset.s32 @!p0 $0xFFFFF086;
	s6 =	sadd.s32 @!p0 s3, s7;
	s7 =	simm.s32 @!p0 $0x108  }
0x21: {  	s3 =	sadd.s32 s3, s9;
	s6 =	sadd.s32 @!p0 $0x88, s6;
	s7 =	simm.s32 @p2 $0x1082  }
0x22: {  	[simem:s7], [sflag:s8] =	dma.local @!p0 [hbm:s6], $0xF7A  }
0x23: {  	s9 =	sor.u32 $0xD0000000, s2;
	s6 =	simm.s32 $0x108;
	_ =	swait.ge @!p0 [sflag:s8], $0x0  }
0x24: {  	s3 =	sadd.s32 $0x88, s3;
	s6 =	simm.s32 @!p1 $0x1082;
	[sflag:s4] =	ssyncset.s32 $0xFFFFF086  }
0x25: {  	[simem:s6], [sflag:s4] =	dma.local [hbm:s3], $0xF7A  }
0x26: {  	[smem:$0x3F8D] =	sst s1;
	(tag) =	ssettag s2;
	_ =	strace s9  }
0x27: {  	s1 =	sld [smem:$0x3F9D]  }
0x28: {  	s2 =	sld [smem:$0x3F9E]  }
0x29: {  	s4 =	sld [smem:$0x3FA0]  }
0x2a: {  	p0 =	seq.s32 s5, $0x0;
	s5 =	sld [smem:$0x3FA1]  }
0x2b: {  	s6 =	sld [smem:$0x3FA2]  }
0x2c: {  	s7 =	sld [smem:$0x3FA3]  }
0x2d: {  	s3 =	simm.s32 $0x108;
	s8 =	sld [smem:$0x3FA4]  }
0x2e: {  	s3 =	simm.s32 @!p0 $0x1082;
	s9 =	sld [smem:$0x3FA5]  }
0x2f: {  	lr =	sadd.s32 s0, s3;
	s0 =	sld [smem:$0x3F9C]  }
0x30: {  	s3 =	sld [smem:$0x3F9F]  }
0x31: {  	[smem:$0x3FA8] =	sst s10  }
0x32: {  	s10 =	sld [smem:$0x3FA6];
	_ =	sdelay $0x3  }
0x33: {  	p0 =	seq.s32 s10, $0x1;
	s10 =	sld [smem:$0x3FA8];
	_ =	sdelay $0x3  }
0x34: {  	[smem:$0x3FA8] =	sst s10  }
0x35: {  	s10 =	sld [smem:$0x3FA7];
	_ =	sdelay $0x3  }
0x36: {  	p1 =	seq.s32 s10, $0x1;
	s10 =	sld [smem:$0x3FA8];
	_ =	sdelay $0x3  }
0x37: {  	[smem:$0x3FA8] =	sst s10  }
0x38: {  	s10 =	sld [smem:$0x3FA9]  }
0x39: {  	_ = 	snop;
	(pc) =	sbr.ind lr, $3  }
0x3a: {  	_ = 	snop  }
0x3b: {  	_ = 	snop  }
0x3c: {  	p2 =	seq.s32 s10, $0x1;
	s10 =	sld [smem:$0x3FA8]  }
0x3d: {  	_ =	shalt  }
0x3e: {  	_ =	shalt  }
0x3f: {  	_ =	shalt  }
0x40: {  	_ =	shalt  }
0x41: {  	_ =	shalt  }
0x42: {  	_ =	shalt  }
0x43: {  	_ =	shalt  }
0x44: {  	_ =	shalt  }
0x45: {  	_ =	shalt  }
0x46: {  	_ =	shalt  }
0x47: {  	_ =	shalt  }
0x48: {  	_ =	shalt  }
0x49: {  	_ =	shalt  }
0x4a: {  	_ =	shalt  }
0x4b: {  	_ =	shalt  }
0x4c: {  	_ =	shalt  }
0x4d: {  	_ =	shalt  }
0x4e: {  	_ =	shalt  }
0x4f: {  	_ =	shalt  }
0x50: {  	_ =	shalt  }
0x51: {  	_ =	shalt  }
0x52: {  	_ =	shalt  }
0x53: {  	_ =	shalt  }
0x54: {  	_ =	shalt  }
0x55: {  	_ =	shalt  }
0x56: {  	_ =	shalt  }
0x57: {  	_ =	shalt  }
0x58: {  	_ =	shalt  }
0x59: {  	_ =	shalt  }
0x5a: {  	_ =	shalt  }
0x5b: {  	_ =	shalt  }
0x5c: {  	_ =	shalt  }
0x5d: {  	_ =	shalt  }
0x5e: {  	_ =	shalt  }
0x5f: {  	_ =	shalt  }
0x60: {  	_ =	shalt  }
0x61: {  	_ =	shalt  }
0x62: {  	_ =	shalt  }
0x63: {  	_ =	shalt  }
0x64: {  	_ =	shalt  }
0x65: {  	_ =	shalt  }
0x66: {  	_ =	shalt  }
0x67: {  	_ =	shalt  }
0x68: {  	_ =	shalt  }
0x69: {  	_ =	shalt  }
0x6a: {  	_ =	shalt  }
0x6b: {  	_ =	shalt  }
0x6c: {  	_ =	shalt  }
0x6d: {  	_ =	shalt  }
0x6e: {  	_ =	shalt  }
0x6f: {  	_ =	shalt  }
0x70: {  	_ =	shalt  }
0x71: {  	_ =	shalt  }
0x72: {  	_ =	shalt  }
0x73: {  	_ =	shalt  }
0x74: {  	_ =	shalt  }
0x75: {  	_ =	shalt  }
0x76: {  	_ =	shalt  }
0x77: {  	_ =	shalt  }
0x78: {  	_ =	shalt  }
0x79: {  	_ =	shalt  }
0x7a: {  	_ =	shalt  }
0x7b: {  	_ =	shalt  }
0x7c: {  	_ =	shalt  }
0x7d: {  	_ =	shalt  }
0x7e: {  	_ =	shalt  }
0x7f: {  	_ =	shalt  }
0x80: {  	_ =	shalt  }
0x81: {  	_ =	shalt  }
0x82: {  	_ =	shalt  }
0x83: {  	_ =	shalt  }
0x84: {  	_ =	shalt  }
0x85: {  	_ =	shalt  }
0x86: {  	_ =	shalt  }
0x87: {  	_ =	shalt  }
.Lfunc_end0:
.L_simem_size_0:
called_computation_lowered:
.L_overlay_start_0:
0x88: {  	s2 =	sld [smem:$0x3FD9]  }
0x89: {  	s3 =	sld [smem:$0x3FFE];
	_ =	sdelay $0x1  }
0x8a: {  	s1 =	srdreg.scid  }
0x8b: {  	s0 =	sand.u32 $0x1, s1  }
0x8c: {  	s14 =	sshll.u32 s0, $0xA;
	s2 =	sadd.s32 s3, s2  }
0x8d: {  	s2 =	sadd.s32 s2, s14  }
0x8e: {  	[smem:$0x3FB4] =	sst s2  }
0x8f: {  	_ = 	snop  }
0x90: {  	s2 =	sld [smem:$0x3FD0];
	_ =	sdelay $0x2  }
0x91: {  	s15 =	simm.s32 $0xB;
	s4 =	simm.s32 $0x10  }
0x92: {  	[smem:s4], [sflag:s15] =	dma.local [hbm:s2], $0x1  }
0x93: {  	_ =	swait.eq [sflag:s15], $0x1  }
0x94: {  	[sflag:s15] =	ssyncset.done $0x0  }
0x95: {  	s16 =	sld [smem:$0x10];
	[sflag:s15] =	ssyncadd.s32 $0xFFFFFFFF  }
0x96: {  	s17 =	sld [smem:$0x11];
	(tm) =	ssettm $0x1  }
0x97: {  	s18 =	sld [smem:$0x3FFB];
	_ =	sdelay $0x3  }
0x98: {  	_ =	strace s18  }
0x99: {  	s4 =	sld [smem:$0x3FFC];
	_ =	sdelay $0x3  }
0x9a: {  	_ =	strace s4  }
0x9b: {  	s4 =	sld [smem:$0x3FFD];
	_ =	sdelay $0x3  }
0x9c: {  	_ =	strace s4  }
0x9d: {  	_ =	strace $0x8FFFFFFF  }
0x9e: {  	s19 =	sld [smem:$0x3FDB];
	_ =	sdelay $0x1  }
0x9f: {  	s5 =	simm.s32 $_scs_section_size  }
0xa0: {  	s6 =	simm.s32 $_size__tile_overlayer_lowered;
	s7 =	simm.s32 $_tile_overlayer_lowered  }
0xa1: {  	s22 =	simm.s32 $0x1BFF;
	s21 =	sshll.u32 s7, $0x1;
	s4 =	sadd.s32 s5, s19  }
0xa2: {  	s8 =	simm.s32 $0x0;
	s20 =	sshll.u32 s6, $0x1;
	s6 =	sadd.s32 s21, s4  }
0xa3: {  	[timem:s8], [sflag:s22] =	dma.local [hbm:s6], s20  }
0xa4: {  	_ =	swait.ge [sflag:s22], s20  }
0xa5: {  	s5 =	ssub.s32 $0x0, s20;
	[sflag:s22] =	ssyncset.done $0x0  }
0xa6: {  	[sflag:s22] =	ssyncadd.s32 s5;
	_ =	sdelay $0x1  }
0xa7: {  	s23 =	simm.s32 $0x1B8B  }
0xa8: {  	_ =	swait.ge [sflag:s23], $0x1  }
0xa9: {  	[sflag:s23] =	ssyncset.done $0x0  }
0xaa: {  	s25 =	simm.s32 $0x1B8E;
	s24 =	sld [smem:$0x3FFE];
	[sflag:s23] =	ssyncadd.s32 $0xFFFFFFFF  }
0xab: {  	s26 =	simm.s32 $execute0_lowered;
	[smem:$0x3FD2] =	sst s25  }
0xac: {  	s6 =	sshll.u32 s26, $0x1;
	_ =	strace $0x80000046;
	[dreg:$0x1] =	wrdreg $0xFFFFFFFF  }
0xad: {  	s28 =	simm.s32 $_size_execute0_lowered;
	s4 =	sadd.s32 s4, s6;
	[dreg:$0x0] =	wrdreg $0x0  }
0xae: {  	s6 =	sshll.u32 s28, $0x1;
	[dreg:$0x2] =	wrdreg s4  }
0xaf: {  	[dreg:$0x3] =	wrdreg s6  }
0xb0: {  	[dreg:$0x4] =	wrdreg $0xC0  }
0xb1: {  	_ =	task [dreg:s8], $0x5FFFF  }
0xb2: {  	[dreg:$0x1] =	wrdreg $0xFFFFFFFF  }
0xb3: {  	[dreg:$0x0] =	wrdreg $0x60  }
0xb4: {  	[dreg:$0x2] =	wrdreg s16  }
0xb5: {  	[dreg:$0x3] =	wrdreg s24  }
0xb6: {  	[dreg:$0x4] =	wrdreg s17  }
0xb7: {  	[dreg:$0x5] =	wrdreg $0x9  }
0xb8: {  	_ =	task.clear_ibuf [dreg:s8], $0x6FFFF;
	_ =	strace $0x90000046  }
0xb9: {  	s29 =	simm.s32 $0x9;
	_ =	strace $0x80000048  }
0xba: {  	_ =	swait.ge [sflag:s29], $0x1  }
0xbb: {  	[sflag:s29] =	ssyncadd.s32 $0xFFFFFFFF  }
0xbc: {  	_ =	strace $0x90000048  }
0xbd: {  	_ =	sfence  }
0xbe: {  	s30 =	sld [smem:$0x0];
	_ =	sdelay $0x2  }
0xbf: {  	s31 =	sshll.u32 s1, $0xD;
	s1 =	sshrl.u32 s1, $0x2  }
0xc0: {  	s3 =	sand.u32 $0x4000, s31;
	s1 =	sadd.s32 s1, s30  }
0xc1: {  	s0 =	sor.u32 s3, s0;
	s1 =	sshll.u32 s1, $0x11  }
0xc2: {  	s0 =	sor.u32 s1, s0  }
0xc3: {  	s0 =	sadd.s32 $0x8F2B, s0  }
0xc4: {  	[sflag:s0] =	ssyncadd.remote.s32 $0x1  }
0xc5: {  	_ =	sfence.sel $0xFFFF  }
0xc6: {  	[dreg:$0x0] =	wrdreg $0xFFFFFFFF;
	(pc) =	sbr.abs _section_cstart, $3  }
0xc7: {  	[dreg:$0x1] =	wrdreg $0xFFFFFFFF  }
0xc8: {  	_ =	task.clear_ibuf [dreg:s8], $0x2FFFF;
	_ =	strace $0x9FFFFFFF  }
0xc9: {  	(tm) =	ssettm $0x7FFFFFFF  }
tec
execute0_lowered:
.L_overlay_start_1:
0x0: {  	(tag) =	ssettag $0x1  }
0x1: {  	s2 =	srdreg.scid  }
0x2: {  	s1 =	rddreg [dreg:$0x0];
	s0 =	stileid.u32;
	s2 =	sand.u32 $0x1, s2  }
0x3: {  	s4 =	rddreg [dreg:$0x1];
	s3 =	sshll.u32 s0, $0xA;
	s5 =	sshll.u32 s2, $0x9  }
0x4: {  	s6 =	rddreg [dreg:$0x2];
	s5 =	sor.u32 s5, s3;
	s3 =	simm.s32 $0x0  }
0x5: {  	s18 =	simm.s32 $0x8A00;
	[smem:$0x7FF] =	sst s3  }
0x6: {  	s19 =	simm.s32 $0x9200;
	_ =	strace $0x80000047;
	[dreg:$0x8] =	wrdreg s18  }
0x7: {  	s20 =	simm.s32 $0x9A00;
	s21 =	simm.s32 $0xA200;
	[dreg:$0x9] =	wrdreg s19  }
0x8: {  	s22 =	simm.s32 $0xAA00;
	s23 =	simm.s32 $0xB200;
	[dreg:$0xa] =	wrdreg s20  }
0x9: {  	s24 =	simm.s32 $0xBA00;
	s25 =	simm.s32 $0xC200;
	[dreg:$0xb] =	wrdreg s21  }
0xa: {  	s8 =	simm.s32 $0xDA00;
	s9 =	simm.s32 $0xE200;
	[dreg:$0xc] =	wrdreg s22  }
0xb: {  	s10 =	simm.s32 $0xEA00;
	s11 =	simm.s32 $0xF200;
	[dreg:$0xd] =	wrdreg s23  }
0xc: {  	s12 =	simm.s32 $0xFA00;
	s13 =	simm.s32 $0x10A00;
	[dreg:$0xe] =	wrdreg s24  }
0xd: {  	s14 =	simm.s32 $0x11200;
	s0 =	simm.s32 $0xCA00;
	[dreg:$0xf] =	wrdreg s25  }
0xe: {  	s15 =	simm.s32 $0x11A00;
	s28 =	simm.s32 $0x2;
	[dreg:$0x10] =	wrdreg s0  }
0xf: {  	s29 =	simm.s32 $0x4;
	s30 =	simm.s32 $0x3;
	[dreg:$0x12] =	wrdreg s8  }
0x10: {  	s31 =	simm.s32 $0x5;
	s2 =	ssub.s32 $0x2, s2;
	[dreg:$0x13] =	wrdreg s9  }
0x11: {  	s26 =	sshrl.u32 s2, $0x1;
	s7 =	sshrl.u32 s5, $0x3;
	[dreg:$0x14] =	wrdreg s10  }
0x12: {  	s5 =	sshll.u32 s5, $0x5;
	s2 =	ssub.s32 s2, s26;
	[dreg:$0x15] =	wrdreg s11  }
0x13: {  	s26 =	simm.s32 $0x17200;
	s4 =	sadd.s32 s7, s4;
	[dreg:$0x16] =	wrdreg s12  }
0x14: {  	s8 =	simm.s32 $0xA00;
	s9 =	simm.s32 $0x1200;
	[dreg:$0x17] =	wrdreg s13  }
0x15: {  	s10 =	simm.s32 $0x1A00;
	s11 =	simm.s32 $0x2200;
	[dreg:$0x18] =	wrdreg s14  }
0x16: {  	s12 =	simm.s32 $0x2A00;
	s13 =	simm.s32 $0x3200;
	[dreg:$0x19] =	wrdreg s15  }
0x17: {  	s14 =	simm.s32 $0x3A00;
	s18 =	simm.s32 $0x13200;
	[smem:$0x7FD] =	sst s26  }
0x18: {  	s15 =	simm.s32 $0x4200;
	s19 =	simm.s32 $0x13A00;
	[dreg:$0x1c] =	wrdreg s18  }
0x19: {  	s20 =	simm.s32 $0x14200;
	s21 =	simm.s32 $0x14A00;
	[dreg:$0x1d] =	wrdreg s19  }
0x1a: {  	s22 =	simm.s32 $0x15200;
	s23 =	simm.s32 $0x15A00;
	[dreg:$0x1e] =	wrdreg s20  }
0x1b: {  	s24 =	simm.s32 $0x16200;
	s25 =	simm.s32 $0x16A00;
	[dreg:$0x1f] =	wrdreg s21  }
0x1c: {  	s7 =	sadd.s32 $0x4400, s4;
	s4 =	sadd.s32 s6, s5;
	[smem:$0x7F9] =	sst s22  }
0x1d: {  	s6 =	simm.s32 $0x7;
	s18 =	simm.s32 $0x5A00;
	[smem:$0x7FA] =	sst s23  }
0x1e: {  	s19 =	simm.s32 $0x6200;
	s20 =	simm.s32 $0x6A00;
	[smem:$0x7FB] =	sst s24  }
0x1f: {  	s21 =	simm.s32 $0x7200;
	s22 =	simm.s32 $0x7A00;
	[smem:$0x7FC] =	sst s25  }
0x20: {  	s23 =	simm.s32 $0x8200;
	[dreg:$0x4] =	wrdreg s7;
	s5 =	sadd.s32 $0x1000, s4  }
0x21: {  	s24 =	simm.s32 $0x1;
	s16 =	sadd.s32 $0x2000, s4;
	[dreg:$0x5] =	wrdreg s5  }
0x22: {  	s25 =	simm.s32 $0x10200;
	s17 =	sadd.s32 $0x3000, s4;
	[dreg:$0x6] =	wrdreg s16  }
0x23: {  	s7 =	simm.s32 $0xD200;
	[dreg:$0x7] =	wrdreg s17;
	s5 =	smax.u32 s2, $0x1  }
0x24: {  	v2 =	vlaneseq.u32;
	[dreg:$0x11] =	wrdreg s7;
	s7 =	simm.s32 $0x200;
	s16 =	simm.s32 $0x12200  }
0x25: {  	vm0 =	vmmov $0xffff;
	v1 =	vshrl.u32 v2, $0x3;
	s17 =	simm.s32 $0x12A00;
	s2 =	simm.s32 $0x6;
	[dreg:$0x1a] =	wrdreg s16  }
0x26: {  	v0 =	vand.u32 $0x7, v2;
	v2 =	vor.u32 $0x8, v2;
	v1 =	vmul.u32 $0x8, v1;
	[dreg:$0x1b] =	wrdreg s17;
	s16 =	simm.s32 $0x4A00;
	s17 =	simm.s32 $0x5200  }
.LBB2_1:
0x27: {  	s0 =	rddreg [dreg:$0x4]  }
0x28: {  	[tilespmem:s3], [sflag:$0x7] =	stream.linear.gather [hbm4b:s0+s3], $0x200, $0x38;
	[tilespmem:$0x18200] =	vst v63  }
0x29: {  	_ =	swait.ge [sflag:s6], $0x200  }
0x2a: {  	[sflag:s6] =	ssyncset.done $0x0  }
0x2b: {  	[sflag:s6] =	ssyncadd.s32 $0xFFFFFE00  }
0x2c: {  	v3 =	vld [tilespmem:$0x0];
	_ =	sdelay $0x4  }
0x2d: {  	v4 =	vshll.u32 v3, $0x1  }
0x2e: {  	v3 =	vand.u32 $0x7, v3;
	v4 =	vand.u32 $0xFFFFFFF0, v4  }
0x2f: {  	v3 =	vor.u32 v3, v4  }
0x30: {  	v4 =	vperm.xlane v3, v0;
	_ =	sdelay $0x1  }
0x31: {  	v3 =	vperm.xlane v3, v2;
	v4 =	vadd.s32 v1, v4;
	_ =	sdelay $0x1  }
0x32: {  	v3 =	vadd.s32 v1, v3;
	_ =	sdelay $0x2  }
0x33: {  	[tilespmem:s7], [sflag:$0x1] =	stream.indirect_vreg.gather [hbm4b:s1+s3], $0x80, v4, vm0, $0xb8;
	[tilespmem:$0x18200] =	vst v63  }
0x34: {  	_ = 	snop  }
0x35: {  	[tilespmem:s8], [sflag:$0x1] =	stream.indirect_vreg.gather [hbm4b:s1+s3], $0x80, v3, vm0, $0xb8;
	[tilespmem:$0x18200] =	vst v63  }
0x36: {  	v3 =	vld [tilespmem:$0x10];
	_ =	sdelay $0x4  }
0x37: {  	v33 =	vshll.u32 v3, $0x1  }
0x38: {  	v3 =	vand.u32 $0x7, v3;
	v4 =	vand.u32 $0xFFFFFFF0, v33  }
0x39: {  	v3 =	vor.u32 v3, v4  }
0x3a: {  	v4 =	vperm.xlane v3, v0;
	_ =	sdelay $0x1  }
0x3b: {  	v3 =	vperm.xlane v3, v2;
	v4 =	vadd.s32 v1, v4;
	_ =	sdelay $0x1  }
0x3c: {  	v3 =	vadd.s32 v1, v3;
	_ =	sdelay $0x2  }
0x3d: {  	[tilespmem:s9], [sflag:$0x1] =	stream.indirect_vreg.gather [hbm4b:s1+s3], $0x80, v4, vm0, $0xb8;
	[tilespmem:$0x18200] =	vst v63  }
0x3e: {  	_ = 	snop  }
0x3f: {  	[tilespmem:s10], [sflag:$0x1] =	stream.indirect_vreg.gather [hbm4b:s1+s3], $0x80, v3, vm0, $0xb8;
	[tilespmem:$0x18200] =	vst v63  }
0x40: {  	v3 =	vld [tilespmem:$0x20];
	_ =	sdelay $0x4  }
0x41: {  	v34 =	vshll.u32 v3, $0x1  }
0x42: {  	v3 =	vand.u32 $0x7, v3;
	v4 =	vand.u32 $0xFFFFFFF0, v34  }
0x43: {  	v3 =	vor.u32 v3, v4  }
0x44: {  	v4 =	vperm.xlane v3, v0;
	_ =	sdelay $0x1  }
0x45: {  	v3 =	vperm.xlane v3, v2;
	v4 =	vadd.s32 v1, v4;
	_ =	sdelay $0x1  }
0x46: {  	v3 =	vadd.s32 v1, v3;
	_ =	sdelay $0x2  }
0x47: {  	[tilespmem:s11], [sflag:$0x1] =	stream.indirect_vreg.gather [hbm4b:s1+s3], $0x80, v4, vm0, $0xb8;
	[tilespmem:$0x18200] =	vst v63  }
0x48: {  	_ = 	snop  }
0x49: {  	[tilespmem:s12], [sflag:$0x1] =	stream.indirect_vreg.gather [hbm4b:s1+s3], $0x80, v3, vm0, $0xb8;
	[tilespmem:$0x18200] =	vst v63  }
0x4a: {  	v3 =	vld [tilespmem:$0x30];
	_ =	sdelay $0x4  }
0x4b: {  	v35 =	vshll.u32 v3, $0x1  }
0x4c: {  	v3 =	vand.u32 $0x7, v3;
	v4 =	vand.u32 $0xFFFFFFF0, v35  }
0x4d: {  	v3 =	vor.u32 v3, v4  }
0x4e: {  	v4 =	vperm.xlane v3, v0;
	_ =	sdelay $0x1  }
0x4f: {  	v3 =	vperm.xlane v3, v2;
	v4 =	vadd.s32 v1, v4;
	_ =	sdelay $0x1  }
0x50: {  	v3 =	vadd.s32 v1, v3;
	_ =	sdelay $0x2  }
0x51: {  	[tilespmem:s13], [sflag:$0x1] =	stream.indirect_vreg.gather [hbm4b:s1+s3], $0x80, v4, vm0, $0xb8;
	[tilespmem:$0x18200] =	vst v63  }
0x52: {  	_ = 	snop  }
0x53: {  	[tilespmem:s14], [sflag:$0x1] =	stream.indirect_vreg.gather [hbm4b:s1+s3], $0x80, v3, vm0, $0xb8;
	[tilespmem:$0x18200] =	vst v63  }
0x54: {  	v3 =	vld [tilespmem:$0x40];
	_ =	sdelay $0x4  }
0x55: {  	v36 =	vshll.u32 v3, $0x1  }
0x56: {  	v3 =	vand.u32 $0x7, v3;
	v4 =	vand.u32 $0xFFFFFFF0, v36  }
0x57: {  	v3 =	vor.u32 v3, v4  }
0x58: {  	v4 =	vperm.xlane v3, v0;
	_ =	sdelay $0x1  }
0x59: {  	v3 =	vperm.xlane v3, v2;
	v4 =	vadd.s32 v1, v4;
	_ =	sdelay $0x1  }
0x5a: {  	v3 =	vadd.s32 v1, v3;
	_ =	sdelay $0x2  }
0x5b: {  	[tilespmem:s15], [sflag:$0x1] =	stream.indirect_vreg.gather [hbm4b:s1+s3], $0x80, v4, vm0, $0xb8;
	[tilespmem:$0x18200] =	vst v63  }
0x5c: {  	_ = 	snop  }
0x5d: {  	[tilespmem:s16], [sflag:$0x1] =	stream.indirect_vreg.gather [hbm4b:s1+s3], $0x80, v3, vm0, $0xb8;
	[tilespmem:$0x18200] =	vst v63  }
0x5e: {  	v3 =	vld [tilespmem:$0x50];
	_ =	sdelay $0x4  }
0x5f: {  	v37 =	vshll.u32 v3, $0x1  }
0x60: {  	v3 =	vand.u32 $0x7, v3;
	v4 =	vand.u32 $0xFFFFFFF0, v37  }
0x61: {  	v3 =	vor.u32 v3, v4  }
0x62: {  	v4 =	vperm.xlane v3, v0;
	_ =	sdelay $0x1  }
0x63: {  	v3 =	vperm.xlane v3, v2;
	v4 =	vadd.s32 v1, v4;
	_ =	sdelay $0x1  }
0x64: {  	v3 =	vadd.s32 v1, v3;
	_ =	sdelay $0x2  }
0x65: {  	[tilespmem:s17], [sflag:$0x1] =	stream.indirect_vreg.gather [hbm4b:s1+s3], $0x80, v4, vm0, $0xb8;
	[tilespmem:$0x18200] =	vst v63  }
0x66: {  	_ = 	snop  }
0x67: {  	[tilespmem:s18], [sflag:$0x1] =	stream.indirect_vreg.gather [hbm4b:s1+s3], $0x80, v3, vm0, $0xb8;
	[tilespmem:$0x18200] =	vst v63  }
0x68: {  	v3 =	vld [tilespmem:$0x60];
	_ =	sdelay $0x4  }
0x69: {  	v38 =	vshll.u32 v3, $0x1  }
0x6a: {  	v3 =	vand.u32 $0x7, v3;
	v4 =	vand.u32 $0xFFFFFFF0, v38  }
0x6b: {  	v3 =	vor.u32 v3, v4  }
0x6c: {  	v4 =	vperm.xlane v3, v0;
	_ =	sdelay $0x1  }
0x6d: {  	v3 =	vperm.xlane v3, v2;
	v4 =	vadd.s32 v1, v4;
	_ =	sdelay $0x1  }
0x6e: {  	v3 =	vadd.s32 v1, v3;
	_ =	sdelay $0x2  }
0x6f: {  	[tilespmem:s19], [sflag:$0x1] =	stream.indirect_vreg.gather [hbm4b:s1+s3], $0x80, v4, vm0, $0xb8;
	[tilespmem:$0x18200] =	vst v63  }
0x70: {  	_ = 	snop  }
0x71: {  	[tilespmem:s20], [sflag:$0x1] =	stream.indirect_vreg.gather [hbm4b:s1+s3], $0x80, v3, vm0, $0xb8;
	[tilespmem:$0x18200] =	vst v63  }
0x72: {  	v3 =	vld [tilespmem:$0x70];
	_ =	sdelay $0x4  }
0x73: {  	v39 =	vshll.u32 v3, $0x1  }
0x74: {  	v3 =	vand.u32 $0x7, v3;
	v4 =	vand.u32 $0xFFFFFFF0, v39  }
0x75: {  	v3 =	vor.u32 v3, v4  }
0x76: {  	v4 =	vperm.xlane v3, v0;
	_ =	sdelay $0x1  }
0x77: {  	v3 =	vperm.xlane v3, v2;
	v4 =	vadd.s32 v1, v4;
	_ =	sdelay $0x1  }
0x78: {  	v3 =	vadd.s32 v1, v3;
	_ =	sdelay $0x2  }
0x79: {  	[tilespmem:s21], [sflag:$0x1] =	stream.indirect_vreg.gather [hbm4b:s1+s3], $0x80, v4, vm0, $0xb8;
	[tilespmem:$0x18200] =	vst v63  }
0x7a: {  	_ = 	snop  }
0x7b: {  	[tilespmem:s22], [sflag:$0x1] =	stream.indirect_vreg.gather [hbm4b:s1+s3], $0x80, v3, vm0, $0xb8;
	[tilespmem:$0x18200] =	vst v63  }
0x7c: {  	v3 =	vld [tilespmem:$0x80];
	_ =	sdelay $0x4  }
0x7d: {  	v40 =	vshll.u32 v3, $0x1  }
0x7e: {  	v3 =	vand.u32 $0x7, v3;
	v4 =	vand.u32 $0xFFFFFFF0, v40  }
0x7f: {  	v3 =	vor.u32 v3, v4  }
0x80: {  	v4 =	vperm.xlane v3, v0;
	_ =	sdelay $0x1  }
0x81: {  	v3 =	vperm.xlane v3, v2;
	v4 =	vadd.s32 v1, v4;
	_ =	sdelay $0x1  }
0x82: {  	v3 =	vadd.s32 v1, v3;
	_ =	sdelay $0x2  }
0x83: {  	[tilespmem:s23], [sflag:$0x2] =	stream.indirect_vreg.gather [hbm4b:s1+s3], $0x80, v4, vm0, $0xb8;
	[tilespmem:$0x18200] =	vst v63  }
0x84: {  	s26 =	rddreg [dreg:$0x8]  }
0x85: {  	[tilespmem:s26], [sflag:$0x2] =	stream.indirect_vreg.gather [hbm4b:s1+s3], $0x80, v3, vm0, $0xb8;
	[tilespmem:$0x18200] =	vst v63  }
0x86: {  	v3 =	vld [tilespmem:$0x90];
	_ =	sdelay $0x4  }
0x87: {  	v41 =	vshll.u32 v3, $0x1  }
0x88: {  	v3 =	vand.u32 $0x7, v3;
	v4 =	vand.u32 $0xFFFFFFF0, v41  }
0x89: {  	v3 =	vor.u32 v3, v4  }
0x8a: {  	v4 =	vperm.xlane v3, v0;
	_ =	sdelay $0x1  }
0x8b: {  	v3 =	vperm.xlane v3, v2;
	v4 =	vadd.s32 v1, v4;
	_ =	sdelay $0x1  }
0x8c: {  	v3 =	vadd.s32 v1, v3;
	_ =	sdelay $0x1  }
0x8d: {  	s0 =	rddreg [dreg:$0x9]  }
0x8e: {  	[tilespmem:s0], [sflag:$0x2] =	stream.indirect_vreg.gather [hbm4b:s1+s3], $0x80, v4, vm0, $0xb8;
	[tilespmem:$0x18200] =	vst v63  }
0x8f: {  	s26 =	rddreg [dreg:$0xa]  }
0x90: {  	[tilespmem:s26], [sflag:$0x2] =	stream.indirect_vreg.gather [hbm4b:s1+s3], $0x80, v3, vm0, $0xb8;
	[tilespmem:$0x18200] =	vst v63  }
0x91: {  	v3 =	vld [tilespmem:$0xA0];
	_ =	sdelay $0x4  }
0x92: {  	v42 =	vshll.u32 v3, $0x1  }
0x93: {  	v3 =	vand.u32 $0x7, v3;
	v4 =	vand.u32 $0xFFFFFFF0, v42  }
0x94: {  	v3 =	vor.u32 v3, v4  }
0x95: {  	v4 =	vperm.xlane v3, v0;
	_ =	sdelay $0x1  }
0x96: {  	v3 =	vperm.xlane v3, v2;
	v4 =	vadd.s32 v1, v4;
	_ =	sdelay $0x1  }
0x97: {  	v3 =	vadd.s32 v1, v3;
	_ =	sdelay $0x1  }
0x98: {  	s0 =	rddreg [dreg:$0xb]  }
0x99: {  	[tilespmem:s0], [sflag:$0x2] =	stream.indirect_vreg.gather [hbm4b:s1+s3], $0x80, v4, vm0, $0xb8;
	[tilespmem:$0x18200] =	vst v63  }
0x9a: {  	s26 =	rddreg [dreg:$0xc]  }
0x9b: {  	[tilespmem:s26], [sflag:$0x2] =	stream.indirect_vreg.gather [hbm4b:s1+s3], $0x80, v3, vm0, $0xb8;
	[tilespmem:$0x18200] =	vst v63  }
0x9c: {  	v3 =	vld [tilespmem:$0xB0];
	_ =	sdelay $0x4  }
0x9d: {  	v43 =	vshll.u32 v3, $0x1  }
0x9e: {  	v3 =	vand.u32 $0x7, v3;
	v4 =	vand.u32 $0xFFFFFFF0, v43  }
0x9f: {  	v3 =	vor.u32 v3, v4  }
0xa0: {  	v4 =	vperm.xlane v3, v0;
	_ =	sdelay $0x1  }
0xa1: {  	v3 =	vperm.xlane v3, v2;
	v4 =	vadd.s32 v1, v4;
	_ =	sdelay $0x1  }
0xa2: {  	v3 =	vadd.s32 v1, v3;
	_ =	sdelay $0x1  }
0xa3: {  	s0 =	rddreg [dreg:$0xd]  }
0xa4: {  	[tilespmem:s0], [sflag:$0x2] =	stream.indirect_vreg.gather [hbm4b:s1+s3], $0x80, v4, vm0, $0xb8;
	[tilespmem:$0x18200] =	vst v63  }
0xa5: {  	s26 =	rddreg [dreg:$0xe]  }
0xa6: {  	[tilespmem:s26], [sflag:$0x2] =	stream.indirect_vreg.gather [hbm4b:s1+s3], $0x80, v3, vm0, $0xb8;
	[tilespmem:$0x18200] =	vst v63  }
0xa7: {  	v3 =	vld [tilespmem:$0xC0];
	_ =	sdelay $0x4  }
0xa8: {  	v44 =	vshll.u32 v3, $0x1  }
0xa9: {  	v3 =	vand.u32 $0x7, v3;
	v4 =	vand.u32 $0xFFFFFFF0, v44  }
0xaa: {  	v3 =	vor.u32 v3, v4  }
0xab: {  	v4 =	vperm.xlane v3, v0;
	_ =	sdelay $0x1  }
0xac: {  	v3 =	vperm.xlane v3, v2;
	v4 =	vadd.s32 v1, v4;
	_ =	sdelay $0x1  }
0xad: {  	v3 =	vadd.s32 v1, v3;
	_ =	sdelay $0x1  }
0xae: {  	s0 =	rddreg [dreg:$0xf]  }
0xaf: {  	[tilespmem:s0], [sflag:$0x2] =	stream.indirect_vreg.gather [hbm4b:s1+s3], $0x80, v4, vm0, $0xb8;
	[tilespmem:$0x18200] =	vst v63  }
0xb0: {  	s26 =	rddreg [dreg:$0x10]  }
0xb1: {  	[tilespmem:s26], [sflag:$0x2] =	stream.indirect_vreg.gather [hbm4b:s1+s3], $0x80, v3, vm0, $0xb8;
	[tilespmem:$0x18200] =	vst v63  }
0xb2: {  	v3 =	vld [tilespmem:$0xD0];
	_ =	sdelay $0x4  }
0xb3: {  	v45 =	vshll.u32 v3, $0x1  }
0xb4: {  	v3 =	vand.u32 $0x7, v3;
	v4 =	vand.u32 $0xFFFFFFF0, v45  }
0xb5: {  	v3 =	vor.u32 v3, v4  }
0xb6: {  	v4 =	vperm.xlane v3, v0;
	_ =	sdelay $0x1  }
0xb7: {  	v3 =	vperm.xlane v3, v2;
	v4 =	vadd.s32 v1, v4;
	_ =	sdelay $0x1  }
0xb8: {  	v3 =	vadd.s32 v1, v3;
	_ =	sdelay $0x1  }
0xb9: {  	s0 =	rddreg [dreg:$0x11]  }
0xba: {  	[tilespmem:s0], [sflag:$0x2] =	stream.indirect_vreg.gather [hbm4b:s1+s3], $0x80, v4, vm0, $0xb8;
	[tilespmem:$0x18200] =	vst v63  }
0xbb: {  	s26 =	rddreg [dreg:$0x12]  }
0xbc: {  	[tilespmem:s26], [sflag:$0x2] =	stream.indirect_vreg.gather [hbm4b:s1+s3], $0x80, v3, vm0, $0xb8;
	[tilespmem:$0x18200] =	vst v63  }
0xbd: {  	v3 =	vld [tilespmem:$0xE0];
	_ =	sdelay $0x4  }
0xbe: {  	v46 =	vshll.u32 v3, $0x1  }
0xbf: {  	v3 =	vand.u32 $0x7, v3;
	v4 =	vand.u32 $0xFFFFFFF0, v46  }
0xc0: {  	v3 =	vor.u32 v3, v4  }
0xc1: {  	v4 =	vperm.xlane v3, v0;
	_ =	sdelay $0x1  }
0xc2: {  	v3 =	vperm.xlane v3, v2;
	v4 =	vadd.s32 v1, v4;
	_ =	sdelay $0x1  }
0xc3: {  	v3 =	vadd.s32 v1, v3;
	_ =	sdelay $0x1  }
0xc4: {  	s0 =	rddreg [dreg:$0x13]  }
0xc5: {  	[tilespmem:s0], [sflag:$0x2] =	stream.indirect_vreg.gather [hbm4b:s1+s3], $0x80, v4, vm0, $0xb8;
	[tilespmem:$0x18200] =	vst v63  }
0xc6: {  	s26 =	rddreg [dreg:$0x14]  }
0xc7: {  	[tilespmem:s26], [sflag:$0x2] =	stream.indirect_vreg.gather [hbm4b:s1+s3], $0x80, v3, vm0, $0xb8;
	[tilespmem:$0x18200] =	vst v63  }
0xc8: {  	v3 =	vld [tilespmem:$0xF0];
	_ =	sdelay $0x4  }
0xc9: {  	v47 =	vshll.u32 v3, $0x1  }
0xca: {  	v3 =	vand.u32 $0x7, v3;
	v4 =	vand.u32 $0xFFFFFFF0, v47  }
0xcb: {  	v3 =	vor.u32 v3, v4  }
0xcc: {  	v4 =	vperm.xlane v3, v0;
	_ =	sdelay $0x1  }
0xcd: {  	v3 =	vperm.xlane v3, v2;
	v4 =	vadd.s32 v1, v4;
	_ =	sdelay $0x1  }
0xce: {  	v3 =	vadd.s32 v1, v3;
	_ =	sdelay $0x1  }
0xcf: {  	s0 =	rddreg [dreg:$0x15]  }
0xd0: {  	[tilespmem:s0], [sflag:$0x2] =	stream.indirect_vreg.gather [hbm4b:s1+s3], $0x80, v4, vm0, $0xb8;
	[tilespmem:$0x18200] =	vst v63  }
0xd1: {  	s26 =	rddreg [dreg:$0x16]  }
0xd2: {  	[tilespmem:s26], [sflag:$0x2] =	stream.indirect_vreg.gather [hbm4b:s1+s3], $0x80, v3, vm0, $0xb8;
	[tilespmem:$0x18200] =	vst v63  }
0xd3: {  	_ =	swait.ge [sflag:s24], $0x8000  }
0xd4: {  	[sflag:s24] =	ssyncset.done $0x0  }
0xd5: {  	[sflag:s24] =	ssyncadd.s32 $0xFFFF8000  }
0xd6: {  	[hbm4b:s4+s3] =	stream.linear.scatter [tilespmem:s7], [sflag:$0x4], $0x8000, $0x38;
	[tilespmem:$0x18200] =	vst v63  }
0xd7: {  	v3 =	vld [tilespmem:$0x100];
	_ =	sdelay $0x4  }
0xd8: {  	v48 =	vshll.u32 v3, $0x1  }
0xd9: {  	v3 =	vand.u32 $0x7, v3;
	v4 =	vand.u32 $0xFFFFFFF0, v48  }
0xda: {  	v3 =	vor.u32 v3, v4  }
0xdb: {  	v4 =	vperm.xlane v3, v0;
	_ =	sdelay $0x1  }
0xdc: {  	v3 =	vperm.xlane v3, v2;
	v4 =	vadd.s32 v1, v4;
	_ =	sdelay $0x1  }
0xdd: {  	v3 =	vadd.s32 v1, v3;
	_ =	sdelay $0x2  }
0xde: {  	[tilespmem:s25], [sflag:$0x3] =	stream.indirect_vreg.gather [hbm4b:s1+s3], $0x80, v4, vm0, $0xb8;
	[tilespmem:$0x18200] =	vst v63  }
0xdf: {  	s26 =	rddreg [dreg:$0x17]  }
0xe0: {  	[tilespmem:s26], [sflag:$0x3] =	stream.indirect_vreg.gather [hbm4b:s1+s3], $0x80, v3, vm0, $0xb8;
	[tilespmem:$0x18200] =	vst v63  }
0xe1: {  	v3 =	vld [tilespmem:$0x110];
	_ =	sdelay $0x4  }
0xe2: {  	v49 =	vshll.u32 v3, $0x1  }
0xe3: {  	v3 =	vand.u32 $0x7, v3;
	v4 =	vand.u32 $0xFFFFFFF0, v49  }
0xe4: {  	v3 =	vor.u32 v3, v4  }
0xe5: {  	v4 =	vperm.xlane v3, v0;
	_ =	sdelay $0x1  }
0xe6: {  	v3 =	vperm.xlane v3, v2;
	v4 =	vadd.s32 v1, v4;
	_ =	sdelay $0x1  }
0xe7: {  	v3 =	vadd.s32 v1, v3;
	_ =	sdelay $0x1  }
0xe8: {  	s0 =	rddreg [dreg:$0x18]  }
0xe9: {  	[tilespmem:s0], [sflag:$0x3] =	stream.indirect_vreg.gather [hbm4b:s1+s3], $0x80, v4, vm0, $0xb8;
	[tilespmem:$0x18200] =	vst v63  }
0xea: {  	s26 =	rddreg [dreg:$0x19]  }
0xeb: {  	[tilespmem:s26], [sflag:$0x3] =	stream.indirect_vreg.gather [hbm4b:s1+s3], $0x80, v3, vm0, $0xb8;
	[tilespmem:$0x18200] =	vst v63  }
0xec: {  	v3 =	vld [tilespmem:$0x120];
	_ =	sdelay $0x4  }
0xed: {  	v50 =	vshll.u32 v3, $0x1  }
0xee: {  	v3 =	vand.u32 $0x7, v3;
	v4 =	vand.u32 $0xFFFFFFF0, v50  }
0xef: {  	v3 =	vor.u32 v3, v4  }
0xf0: {  	v4 =	vperm.xlane v3, v0;
	_ =	sdelay $0x1  }
0xf1: {  	v3 =	vperm.xlane v3, v2;
	v4 =	vadd.s32 v1, v4;
	_ =	sdelay $0x1  }
0xf2: {  	v3 =	vadd.s32 v1, v3;
	_ =	sdelay $0x1  }
0xf3: {  	s0 =	rddreg [dreg:$0x1a]  }
0xf4: {  	[tilespmem:s0], [sflag:$0x3] =	stream.indirect_vreg.gather [hbm4b:s1+s3], $0x80, v4, vm0, $0xb8;
	[tilespmem:$0x18200] =	vst v63  }
0xf5: {  	s26 =	rddreg [dreg:$0x1b]  }
0xf6: {  	[tilespmem:s26], [sflag:$0x3] =	stream.indirect_vreg.gather [hbm4b:s1+s3], $0x80, v3, vm0, $0xb8;
	[tilespmem:$0x18200] =	vst v63  }
0xf7: {  	v3 =	vld [tilespmem:$0x130];
	_ =	sdelay $0x4  }
0xf8: {  	v51 =	vshll.u32 v3, $0x1  }
0xf9: {  	v3 =	vand.u32 $0x7, v3;
	v4 =	vand.u32 $0xFFFFFFF0, v51  }
0xfa: {  	v3 =	vor.u32 v3, v4  }
0xfb: {  	v4 =	vperm.xlane v3, v0;
	_ =	sdelay $0x1  }
0xfc: {  	v3 =	vperm.xlane v3, v2;
	v4 =	vadd.s32 v1, v4;
	_ =	sdelay $0x1  }
0xfd: {  	v3 =	vadd.s32 v1, v3;
	_ =	sdelay $0x1  }
0xfe: {  	s0 =	rddreg [dreg:$0x1c]  }
0xff: {  	[tilespmem:s0], [sflag:$0x3] =	stream.indirect_vreg.gather [hbm4b:s1+s3], $0x80, v4, vm0, $0xb8;
	[tilespmem:$0x18200] =	vst v63  }
0x100: {  	s26 =	rddreg [dreg:$0x1d]  }
0x101: {  	[tilespmem:s26], [sflag:$0x3] =	stream.indirect_vreg.gather [hbm4b:s1+s3], $0x80, v3, vm0, $0xb8;
	[tilespmem:$0x18200] =	vst v63  }
0x102: {  	v3 =	vld [tilespmem:$0x140];
	_ =	sdelay $0x4  }
0x103: {  	v52 =	vshll.u32 v3, $0x1  }
0x104: {  	v3 =	vand.u32 $0x7, v3;
	v4 =	vand.u32 $0xFFFFFFF0, v52  }
0x105: {  	v3 =	vor.u32 v3, v4  }
0x106: {  	v4 =	vperm.xlane v3, v0;
	_ =	sdelay $0x1  }
0x107: {  	v3 =	vperm.xlane v3, v2;
	v4 =	vadd.s32 v1, v4;
	_ =	sdelay $0x1  }
0x108: {  	v3 =	vadd.s32 v1, v3;
	_ =	sdelay $0x1  }
0x109: {  	s0 =	rddreg [dreg:$0x1e]  }
0x10a: {  	[tilespmem:s0], [sflag:$0x3] =	stream.indirect_vreg.gather [hbm4b:s1+s3], $0x80, v4, vm0, $0xb8;
	[tilespmem:$0x18200] =	vst v63  }
0x10b: {  	s26 =	rddreg [dreg:$0x1f]  }
0x10c: {  	[tilespmem:s26], [sflag:$0x3] =	stream.indirect_vreg.gather [hbm4b:s1+s3], $0x80, v3, vm0, $0xb8;
	[tilespmem:$0x18200] =	vst v63  }
0x10d: {  	v3 =	vld [tilespmem:$0x150];
	_ =	sdelay $0x4  }
0x10e: {  	v53 =	vshll.u32 v3, $0x1  }
0x10f: {  	v3 =	vand.u32 $0x7, v3;
	v4 =	vand.u32 $0xFFFFFFF0, v53  }
0x110: {  	v3 =	vor.u32 v3, v4  }
0x111: {  	v4 =	vperm.xlane v3, v0;
	_ =	sdelay $0x1  }
0x112: {  	v3 =	vperm.xlane v3, v2;
	v4 =	vadd.s32 v1, v4;
	_ =	sdelay $0x1  }
0x113: {  	s0 =	sld [smem:$0x7F9];
	v3 =	vadd.s32 v1, v3;
	_ =	sdelay $0x1  }
0x114: {  	s26 =	sld [smem:$0x7FA]  }
0x115: {  	[tilespmem:s0], [sflag:$0x3] =	stream.indirect_vreg.gather [hbm4b:s1+s3], $0x80, v4, vm0, $0xb8;
	[tilespmem:$0x18200] =	vst v63  }
0x116: {  	_ = 	snop  }
0x117: {  	[tilespmem:s26], [sflag:$0x3] =	stream.indirect_vreg.gather [hbm4b:s1+s3], $0x80, v3, vm0, $0xb8;
	[tilespmem:$0x18200] =	vst v63  }
0x118: {  	v3 =	vld [tilespmem:$0x160];
	_ =	sdelay $0x4  }
0x119: {  	v54 =	vshll.u32 v3, $0x1  }
0x11a: {  	v3 =	vand.u32 $0x7, v3;
	v4 =	vand.u32 $0xFFFFFFF0, v54  }
0x11b: {  	v3 =	vor.u32 v3, v4  }
0x11c: {  	v4 =	vperm.xlane v3, v0;
	_ =	sdelay $0x1  }
0x11d: {  	v3 =	vperm.xlane v3, v2;
	v4 =	vadd.s32 v1, v4;
	_ =	sdelay $0x1  }
0x11e: {  	s0 =	sld [smem:$0x7FB];
	v3 =	vadd.s32 v1, v3;
	_ =	sdelay $0x1  }
0x11f: {  	s26 =	sld [smem:$0x7FC]  }
0x120: {  	[tilespmem:s0], [sflag:$0x3] =	stream.indirect_vreg.gather [hbm4b:s1+s3], $0x80, v4, vm0, $0xb8;
	[tilespmem:$0x18200] =	vst v63  }
0x121: {  	_ = 	snop  }
0x122: {  	[tilespmem:s26], [sflag:$0x3] =	stream.indirect_vreg.gather [hbm4b:s1+s3], $0x80, v3, vm0, $0xb8;
	[tilespmem:$0x18200] =	vst v63  }
0x123: {  	v3 =	vld [tilespmem:$0x170];
	_ =	sdelay $0x4  }
0x124: {  	v55 =	vshll.u32 v3, $0x1  }
0x125: {  	v3 =	vand.u32 $0x7, v3;
	v4 =	vand.u32 $0xFFFFFFF0, v55  }
0x126: {  	v3 =	vor.u32 v3, v4  }
0x127: {  	v4 =	vperm.xlane v3, v0;
	_ =	sdelay $0x1  }
0x128: {  	v3 =	vperm.xlane v3, v2;
	v4 =	vadd.s32 v1, v4;
	_ =	sdelay $0x1  }
0x129: {  	s26 =	sld [smem:$0x7FD];
	v3 =	vadd.s32 v1, v3;
	_ =	sdelay $0x2  }
0x12a: {  	[tilespmem:s26], [sflag:$0x3] =	stream.indirect_vreg.gather [hbm4b:s1+s3], $0x80, v4, vm0, $0xb8;
	[tilespmem:$0x18200] =	vst v63  }
0x12b: {  	s26 =	simm.s32 $0x17A00  }
0x12c: {  	[tilespmem:s26], [sflag:$0x3] =	stream.indirect_vreg.gather [hbm4b:s1+s3], $0x80, v3, vm0, $0xb8;
	[tilespmem:$0x18200] =	vst v63  }
0x12d: {  	_ =	swait.ge [sflag:s28], $0x8000  }
0x12e: {  	[sflag:s28] =	ssyncset.done $0x0  }
0x12f: {  	s26 =	rddreg [dreg:$0x5];
	[sflag:s28] =	ssyncadd.s32 $0xFFFF8000  }
0x130: {  	[hbm4b:s26+s3] =	stream.linear.scatter [tilespmem:s23], [sflag:$0x5], $0x8000, $0x38;
	[tilespmem:$0x18200] =	vst v63  }
0x131: {  	_ =	swait.ge [sflag:s29], $0x8000  }
0x132: {  	[sflag:s29] =	ssyncset.done $0x0  }
0x133: {  	[sflag:s29] =	ssyncadd.s32 $0xFFFF8000  }
0x134: {  	v3 =	vld [tilespmem:$0x180];
	_ =	sdelay $0x4  }
0x135: {  	v56 =	vshll.u32 v3, $0x1  }
0x136: {  	v3 =	vand.u32 $0x7, v3;
	v4 =	vand.u32 $0xFFFFFFF0, v56  }
0x137: {  	v3 =	vor.u32 v3, v4  }
0x138: {  	v4 =	vperm.xlane v3, v0;
	_ =	sdelay $0x1  }
0x139: {  	v3 =	vperm.xlane v3, v2;
	v4 =	vadd.s32 v1, v4;
	_ =	sdelay $0x1  }
0x13a: {  	v3 =	vadd.s32 v1, v3;
	_ =	sdelay $0x2  }
0x13b: {  	[tilespmem:s7], [sflag:$0x1] =	stream.indirect_vreg.gather [hbm4b:s1+s3], $0x80, v4, vm0, $0xb8;
	[tilespmem:$0x18200] =	vst v63  }
0x13c: {  	_ = 	snop  }
0x13d: {  	[tilespmem:s8], [sflag:$0x1] =	stream.indirect_vreg.gather [hbm4b:s1+s3], $0x80, v3, vm0, $0xb8;
	[tilespmem:$0x18200] =	vst v63  }
0x13e: {  	v3 =	vld [tilespmem:$0x190];
	_ =	sdelay $0x4  }
0x13f: {  	v57 =	vshll.u32 v3, $0x1  }
0x140: {  	v3 =	vand.u32 $0x7, v3;
	v4 =	vand.u32 $0xFFFFFFF0, v57  }
0x141: {  	v3 =	vor.u32 v3, v4  }
0x142: {  	v4 =	vperm.xlane v3, v0;
	_ =	sdelay $0x1  }
0x143: {  	v3 =	vperm.xlane v3, v2;
	v4 =	vadd.s32 v1, v4;
	_ =	sdelay $0x1  }
0x144: {  	v3 =	vadd.s32 v1, v3;
	_ =	sdelay $0x2  }
0x145: {  	[tilespmem:s9], [sflag:$0x1] =	stream.indirect_vreg.gather [hbm4b:s1+s3], $0x80, v4, vm0, $0xb8;
	[tilespmem:$0x18200] =	vst v63  }
0x146: {  	_ = 	snop  }
0x147: {  	[tilespmem:s10], [sflag:$0x1] =	stream.indirect_vreg.gather [hbm4b:s1+s3], $0x80, v3, vm0, $0xb8;
	[tilespmem:$0x18200] =	vst v63  }
0x148: {  	v3 =	vld [tilespmem:$0x1A0];
	_ =	sdelay $0x4  }
0x149: {  	v58 =	vshll.u32 v3, $0x1  }
0x14a: {  	v3 =	vand.u32 $0x7, v3;
	v4 =	vand.u32 $0xFFFFFFF0, v58  }
0x14b: {  	v3 =	vor.u32 v3, v4  }
0x14c: {  	v4 =	vperm.xlane v3, v0;
	_ =	sdelay $0x1  }
0x14d: {  	v3 =	vperm.xlane v3, v2;
	v4 =	vadd.s32 v1, v4;
	_ =	sdelay $0x1  }
0x14e: {  	v3 =	vadd.s32 v1, v3;
	_ =	sdelay $0x2  }
0x14f: {  	[tilespmem:s11], [sflag:$0x1] =	stream.indirect_vreg.gather [hbm4b:s1+s3], $0x80, v4, vm0, $0xb8;
	[tilespmem:$0x18200] =	vst v63  }
0x150: {  	_ = 	snop  }
0x151: {  	[tilespmem:s12], [sflag:$0x1] =	stream.indirect_vreg.gather [hbm4b:s1+s3], $0x80, v3, vm0, $0xb8;
	[tilespmem:$0x18200] =	vst v63  }
0x152: {  	v3 =	vld [tilespmem:$0x1B0];
	_ =	sdelay $0x4  }
0x153: {  	v59 =	vshll.u32 v3, $0x1  }
0x154: {  	v3 =	vand.u32 $0x7, v3;
	v4 =	vand.u32 $0xFFFFFFF0, v59  }
0x155: {  	v3 =	vor.u32 v3, v4  }
0x156: {  	v4 =	vperm.xlane v3, v0;
	_ =	sdelay $0x1  }
0x157: {  	v3 =	vperm.xlane v3, v2;
	v4 =	vadd.s32 v1, v4;
	_ =	sdelay $0x1  }
0x158: {  	v3 =	vadd.s32 v1, v3;
	_ =	sdelay $0x2  }
0x159: {  	[tilespmem:s13], [sflag:$0x1] =	stream.indirect_vreg.gather [hbm4b:s1+s3], $0x80, v4, vm0, $0xb8;
	[tilespmem:$0x18200] =	vst v63  }
0x15a: {  	_ = 	snop  }
0x15b: {  	[tilespmem:s14], [sflag:$0x1] =	stream.indirect_vreg.gather [hbm4b:s1+s3], $0x80, v3, vm0, $0xb8;
	[tilespmem:$0x18200] =	vst v63  }
0x15c: {  	v3 =	vld [tilespmem:$0x1C0];
	_ =	sdelay $0x4  }
0x15d: {  	v60 =	vshll.u32 v3, $0x1  }
0x15e: {  	v3 =	vand.u32 $0x7, v3;
	v4 =	vand.u32 $0xFFFFFFF0, v60  }
0x15f: {  	v3 =	vor.u32 v3, v4  }
0x160: {  	v4 =	vperm.xlane v3, v0;
	_ =	sdelay $0x1  }
0x161: {  	v3 =	vperm.xlane v3, v2;
	v4 =	vadd.s32 v1, v4;
	_ =	sdelay $0x1  }
0x162: {  	v3 =	vadd.s32 v1, v3;
	_ =	sdelay $0x2  }
0x163: {  	[tilespmem:s15], [sflag:$0x1] =	stream.indirect_vreg.gather [hbm4b:s1+s3], $0x80, v4, vm0, $0xb8;
	[tilespmem:$0x18200] =	vst v63  }
0x164: {  	_ = 	snop  }
0x165: {  	[tilespmem:s16], [sflag:$0x1] =	stream.indirect_vreg.gather [hbm4b:s1+s3], $0x80, v3, vm0, $0xb8;
	[tilespmem:$0x18200] =	vst v63  }
0x166: {  	v3 =	vld [tilespmem:$0x1D0];
	_ =	sdelay $0x4  }
0x167: {  	v61 =	vshll.u32 v3, $0x1  }
0x168: {  	v3 =	vand.u32 $0x7, v3;
	v4 =	vand.u32 $0xFFFFFFF0, v61  }
0x169: {  	v3 =	vor.u32 v3, v4  }
0x16a: {  	v4 =	vperm.xlane v3, v0;
	_ =	sdelay $0x1  }
0x16b: {  	v3 =	vperm.xlane v3, v2;
	v4 =	vadd.s32 v1, v4;
	_ =	sdelay $0x1  }
0x16c: {  	v3 =	vadd.s32 v1, v3;
	_ =	sdelay $0x2  }
0x16d: {  	[tilespmem:s17], [sflag:$0x1] =	stream.indirect_vreg.gather [hbm4b:s1+s3], $0x80, v4, vm0, $0xb8;
	[tilespmem:$0x18200] =	vst v63  }
0x16e: {  	_ = 	snop  }
0x16f: {  	[tilespmem:s18], [sflag:$0x1] =	stream.indirect_vreg.gather [hbm4b:s1+s3], $0x80, v3, vm0, $0xb8;
	[tilespmem:$0x18200] =	vst v63  }
0x170: {  	v3 =	vld [tilespmem:$0x1E0];
	_ =	sdelay $0x4  }
0x171: {  	v62 =	vshll.u32 v3, $0x1  }
0x172: {  	v3 =	vand.u32 $0x7, v3;
	v4 =	vand.u32 $0xFFFFFFF0, v62  }
0x173: {  	v3 =	vor.u32 v3, v4  }
0x174: {  	v4 =	vperm.xlane v3, v0;
	_ =	sdelay $0x1  }
0x175: {  	v3 =	vperm.xlane v3, v2;
	v4 =	vadd.s32 v1, v4;
	_ =	sdelay $0x1  }
0x176: {  	v3 =	vadd.s32 v1, v3;
	_ =	sdelay $0x2  }
0x177: {  	[tilespmem:s19], [sflag:$0x1] =	stream.indirect_vreg.gather [hbm4b:s1+s3], $0x80, v4, vm0, $0xb8;
	[tilespmem:$0x18200] =	vst v63  }
0x178: {  	_ = 	snop  }
0x179: {  	[tilespmem:s20], [sflag:$0x1] =	stream.indirect_vreg.gather [hbm4b:s1+s3], $0x80, v3, vm0, $0xb8;
	[tilespmem:$0x18200] =	vst v63  }
0x17a: {  	v3 =	vld [tilespmem:$0x1F0];
	_ =	sdelay $0x4  }
0x17b: {  	v63 =	vshll.u32 v3, $0x1  }
0x17c: {  	v3 =	vand.u32 $0x7, v3;
	v4 =	vand.u32 $0xFFFFFFF0, v63  }
0x17d: {  	v3 =	vor.u32 v3, v4  }
0x17e: {  	v4 =	vperm.xlane v3, v0;
	_ =	sdelay $0x1  }
0x17f: {  	v3 =	vperm.xlane v3, v2;
	v4 =	vadd.s32 v1, v4;
	_ =	sdelay $0x1  }
0x180: {  	v3 =	vadd.s32 v1, v3;
	_ =	sdelay $0x2  }
0x181: {  	[tilespmem:s21], [sflag:$0x1] =	stream.indirect_vreg.gather [hbm4b:s1+s3], $0x80, v4, vm0, $0xb8;
	[tilespmem:$0x18200] =	vst v63  }
0x182: {  	_ = 	snop  }
0x183: {  	[tilespmem:s22], [sflag:$0x1] =	stream.indirect_vreg.gather [hbm4b:s1+s3], $0x80, v3, vm0, $0xb8;
	[tilespmem:$0x18200] =	vst v63  }
0x184: {  	_ =	swait.ge [sflag:s30], $0x8000  }
0x185: {  	[sflag:s30] =	ssyncset.done $0x0  }
0x186: {  	s26 =	rddreg [dreg:$0x6];
	[sflag:s30] =	ssyncadd.s32 $0xFFFF8000  }
0x187: {  	[hbm4b:s26+s3] =	stream.linear.scatter [tilespmem:s25], [sflag:$0x6], $0x8000, $0x38;
	[tilespmem:$0x18200] =	vst v63  }
0x188: {  	_ =	swait.ge [sflag:s24], $0x8000  }
0x189: {  	[sflag:s24] =	ssyncset.done $0x0  }
0x18a: {  	s26 =	rddreg [dreg:$0x7];
	[sflag:s24] =	ssyncadd.s32 $0xFFFF8000  }
0x18b: {  	[hbm4b:s26+s3] =	stream.linear.scatter [tilespmem:s7], [sflag:$0x4], $0x8000, $0x38;
	[tilespmem:$0x18200] =	vst v63  }
0x18c: {  	_ =	swait.ge [sflag:s31], $0x8000  }
0x18d: {  	[sflag:s31] =	ssyncset.done $0x0  }
0x18e: {  	[sflag:s31] =	ssyncadd.s32 $0xFFFF8000  }
0x18f: {  	p0 =	sne.s32 s5, $0x1;
	_ =	swait.ge [sflag:s2], $0x8000  }
.Ltmp0:
0x190: {  	[sflag:s2] =	ssyncset.done $0x0;
	(pc) =	sbr.rel @p0 .LBB2_1-.Ltmp0, $4  }
0x191: {  	[sflag:s2] =	ssyncadd.s32 $0xFFFF8000  }
0x192: {  	_ =	swait.ge [sflag:s29], $0x8000  }
0x193: {  	[sflag:s29] =	ssyncset.done $0x0  }
0x194: {  	s5 =	sadd.s32 $0xFFFFFFFF, s5;
	[sflag:s29] =	ssyncadd.s32 $0xFFFF8000  }
0x195: {  	_ =	sfence.sel $0x180000  }
0x196: {  	[bflag:$0x0] =	sbarrier.arrive $0xFFFF  }
0x197: {  	_ =	strace $0x90000047  }
0x198: {  	s0 =	stileid.u32;
	[bflag:$0x2] =	sbarrier.arrive $0xFFFF  }
0x199: {  	p0 =	sne.s32 s0, $0x0;
	s0 =	rddreg [dreg:$0x3]  }
0x19a: {  	s0 =	sadd.s32 @!p0 $0x100000, s0  }
0x19b: {  	[sflag:s0] =	ssyncadd.tile.s32 @!p0 $0x1;
	_ =	shalt  }
.Lfunc_end2:
_tile_overlayer_lowered:
.L_overlay_start_2:
0x19c: {  	(tag) =	ssettag $0x2  }
0x19d: {  	s0 =	rddreg [dreg:$0x0];
	s2 =	stileid.u32  }
0x19e: {  	s1 =	rddreg [dreg:$0x1];
	p0 =	sne.s32 s2, $0x0  }
0x19f: {  	s3 =	rddreg [dreg:$0x2];
	[bflag:$0x3] =	sbarrier.arrive $0xFFFF;
	s2 =	simm.s32 @!p0 $0x1C07  }
0x1a0: {  	[timem:s3], [sflag:s2] =	dma.local @!p0 [hbm:s0], s1  }
0x1a1: {  	s0 =	simm.s32 @!p0 $0x7  }
0x1a2: {  	_ =	swait.ge @!p0 [sflag:s0], s1  }
0x1a3: {  	s1 =	ssub.s32 @!p0 $0x0, s1;
	[sflag:s0] =	ssyncset.done @!p0 $0x0  }
0x1a4: {  	[sflag:s0] =	ssyncadd.s32 @!p0 s1  }
0x1a5: {  	[bflag:$0x3] =	sbarrier.arrive $0xFFFF  }
0x1a6: {  	_ =	shalt  }

</sc_bundles>
